<compile_context>
chip_gen: v7x
topology: tpu7x:2x2x1
jax: 0.10.2.dev20260603
libtpu: 0.0.44.dev20260713+nightly
codegen_flags: <defaults>
</compile_context>

<pallas_src>
import functools

import jax
import jax.numpy as jnp
from jax import lax
from jax.experimental import pallas as pl
from jax.experimental.pallas import tpu as pltpu
from jax.experimental.pallas import tpu_sc as plsc

N_NODES = 10000
N_EDGES = 320000
D_IN = 128
D_HID = 16
D_OUT = 128

NC, NS = 2, 16
NW = NC * NS
EPW = N_EDGES // NW
CHUNK = 2000
NCHUNKS = EPW // CHUNK
N_PAD = 10240
RPT = N_PAD // NS

@functools.cache
def _seg_sum_builder(with_counts):
  n_out = 2 if with_counts else 1
  out_type = [jax.ShapeDtypeStruct((NC, N_PAD, D_HID), jnp.float32)] * n_out
  scratch = [
      [pltpu.VMEM((CHUNK,), jnp.int32)] * 2,
      [pltpu.VMEM((CHUNK,), jnp.int32)] * 2,
      [pltpu.VMEM((CHUNK, D_HID), jnp.float32)] * 2,
      pltpu.VMEM_SHARED((N_PAD, D_HID), jnp.float32),
      [pltpu.SemaphoreType.DMA] * 2,
  ]
  if with_counts:
    scratch += [
        pltpu.VMEM((CHUNK, D_HID), jnp.float32),
        pltpu.VMEM_SHARED((N_PAD, D_HID), jnp.float32),
    ]

  def body(*refs):
    if with_counts:
      (tbl, ei_hbm, zeros_hbm, ones_hbm,
       sums_out, cnts_out, src_v, dst_v, rows_v, acc_sh, sem,
       ones_v, cacc_sh) = refs
    else:
      (tbl, ei_hbm, zeros_hbm,
       sums_out, src_v, dst_v, rows_v, acc_sh, sem) = refs
    c = lax.axis_index("c")
    s = lax.axis_index("s")
    wid = s * NC + c
    rs = s * RPT
    pltpu.sync_copy(zeros_hbm.at[pl.ds(rs, RPT)], acc_sh.at[pl.ds(rs, RPT)])
    if with_counts:
      pltpu.sync_copy(zeros_hbm.at[pl.ds(rs, RPT)], cacc_sh.at[pl.ds(rs, RPT)])
      pltpu.sync_copy(ones_hbm, ones_v)
    plsc.subcore_barrier()

    def start_chunk(i):
      b = wid * EPW + i * CHUNK
      k = i % 2
      pltpu.sync_copy(ei_hbm.at[0, pl.ds(b, CHUNK)], src_v[k])
      pltpu.sync_copy(ei_hbm.at[1, pl.ds(b, CHUNK)], dst_v[k])
      return pltpu.async_copy(tbl.at[src_v[k]], rows_v[k], sem[k])

    gather = start_chunk(0)
    for i in range(NCHUNKS):
      k = i % 2
      nxt = start_chunk(i + 1) if i + 1 < NCHUNKS else None
      gather.wait()
      pltpu.sync_copy(rows_v[k], acc_sh.at[dst_v[k]], add=True)
      if with_counts:
        pltpu.sync_copy(ones_v, cacc_sh.at[dst_v[k]], add=True)
      gather = nxt
    plsc.subcore_barrier()
    pltpu.sync_copy(acc_sh.at[pl.ds(rs, RPT)],
                    sums_out.at[c, pl.ds(rs, RPT)])
    if with_counts:
      pltpu.sync_copy(cacc_sh.at[pl.ds(rs, RPT)],
                      cnts_out.at[c, pl.ds(rs, RPT)])

  mesh = plsc.VectorSubcoreMesh(
      core_axis_name="c", subcore_axis_name="s", num_cores=NC, num_subcores=NS
  )
  return pl.kernel(body, out_type=out_type, mesh=mesh, scratch_types=scratch,
                   compiler_params=pltpu.CompilerParams(
                       use_tc_tiling_on_sc=False),
                   name="seg_sum_cnt" if with_counts else "seg_sum")


HS = RPT // 2


def _newton_rsqrt(v):
  i = lax.bitcast_convert_type(v, jnp.int32)
  y = lax.bitcast_convert_type(jnp.int32(0x5F3759DF) - (i >> 1), jnp.float32)
  for _ in range(3):
    y = y * (1.5 - 0.5 * v * y * y)
  return y


_GDN = lax.GatherDimensionNumbers(
    offset_dims=(), collapsed_slice_dims=(0,), start_index_map=(0,))


def _lane_perm(v, idx):
  return lax.gather(v, idx[:, None], _GDN, slice_sizes=(1,),
                    mode=lax.GatherScatterMode.PROMISE_IN_BOUNDS)


def _lane_sum(v):
  lanes = lax.iota(jnp.int32, 16)
  for sh in (8, 4, 2, 1):
    v = v + _lane_perm(v, lanes ^ sh)
  return v


@functools.cache
def _seg2_builder():
  out_type = [
      jax.ShapeDtypeStruct((NC, N_PAD, D_HID), jnp.float32),
      jax.ShapeDtypeStruct((NC, N_PAD, D_HID), jnp.float32),
  ]
  scratch = [
      [pltpu.VMEM((CHUNK,), jnp.int32)] * 2,
      [pltpu.VMEM((CHUNK,), jnp.int32)] * 2,
      [pltpu.VMEM((CHUNK, D_HID), jnp.float32)] * 2,
      pltpu.VMEM_SHARED((N_PAD, D_HID), jnp.float32),
      [pltpu.SemaphoreType.DMA] * 2,
      [pltpu.VMEM((HS, D_HID), jnp.float32)] * 6,
      pltpu.VMEM((D_HID,), jnp.float32),
  ]

  def body(sums1, cnts1, r_hbm, b1_hbm, ei_hbm, zeros_hbm,
           sums_out, h_out, src_v, dst_v, rows_v, acc_sh, sem, ep, b_v):
    c = lax.axis_index("c")
    s = lax.axis_index("s")
    wid = s * NC + c
    rs = s * RPT
    pltpu.sync_copy(zeros_hbm.at[pl.ds(rs, RPT)], acc_sh.at[pl.ds(rs, RPT)])
    pltpu.sync_copy(b1_hbm, b_v)
    bias = b_v[...]
    sA, sB, cA, cB, rbuf, hbuf = ep

    for half in range(2):
      r0 = rs + half * HS
      pltpu.sync_copy(sums1.at[0, pl.ds(r0, HS)], sA)
      pltpu.sync_copy(sums1.at[1, pl.ds(r0, HS)], sB)
      pltpu.sync_copy(cnts1.at[0, pl.ds(r0, HS)], cA)
      pltpu.sync_copy(cnts1.at[1, pl.ds(r0, HS)], cB)
      pltpu.sync_copy(r_hbm.at[pl.ds(r0, HS)], rbuf)

      def row(j, _):
        cnt = jnp.maximum(cA[j, :] + cB[j, :], 1.0)
        t = (sA[j, :] + sB[j, :]) / cnt + bias + rbuf[j, :]
        n2 = jnp.maximum(_lane_sum(t * t), 1e-24)
        hbuf[j, :] = jnp.maximum(t * _newton_rsqrt(n2), 0.0)
        return 0

      lax.fori_loop(0, HS, row, 0)
      pltpu.sync_copy(hbuf, h_out.at[c, pl.ds(r0, HS)])
    plsc.subcore_barrier()

    def start_chunk(i):
      b = wid * EPW + i * CHUNK
      k = i % 2
      pltpu.sync_copy(ei_hbm.at[0, pl.ds(b, CHUNK)], src_v[k])
      pltpu.sync_copy(ei_hbm.at[1, pl.ds(b, CHUNK)], dst_v[k])
      return pltpu.async_copy(h_out.at[c].at[src_v[k]], rows_v[k], sem[k])

    gather = start_chunk(0)
    for i in range(NCHUNKS):
      k = i % 2
      nxt = start_chunk(i + 1) if i + 1 < NCHUNKS else None
      gather.wait()
      pltpu.sync_copy(rows_v[k], acc_sh.at[dst_v[k]], add=True)
      gather = nxt
    plsc.subcore_barrier()
    pltpu.sync_copy(acc_sh.at[pl.ds(rs, RPT)], sums_out.at[c, pl.ds(rs, RPT)])

  mesh = plsc.VectorSubcoreMesh(
      core_axis_name="c", subcore_axis_name="s", num_cores=NC, num_subcores=NS
  )
  return pl.kernel(body, out_type=out_type, mesh=mesh, scratch_types=scratch,
                   compiler_params=pltpu.CompilerParams(
                       use_tc_tiling_on_sc=False),
                   name="seg2_fused")


NR = N_NODES // 8
NRP = N_PAD // 8
PW = 8 * D_HID
PO = 8 * D_OUT


def _block_diag8(w):
  a, b = w.shape
  t = jnp.tile(w, (8, 8))
  rg = lax.broadcasted_iota(jnp.int32, (8 * a, 8 * b), 0) // a
  cg = lax.broadcasted_iota(jnp.int32, (8 * a, 8 * b), 1) // b
  return jnp.where(rg == cg, t, 0.0)


def _proj_body(x_ref, wl_ref, wr_ref, p_ref, r_ref):
  x = x_ref[...].reshape(NR, 8 * D_IN)
  wl = _block_diag8(wl_ref[...])
  wr = _block_diag8(wr_ref[...])
  p_ref[...] = jnp.dot(x, wl, preferred_element_type=jnp.float32)
  r_ref[pl.ds(0, NR), :] = jnp.dot(x, wr, preferred_element_type=jnp.float32)
  r_ref[pl.ds(NR, NRP - NR), :] = jnp.zeros((NRP - NR, PW), jnp.float32)


_proj = pl.pallas_call(
    _proj_body,
    out_shape=[jax.ShapeDtypeStruct((NR, PW), jnp.float32),
               jax.ShapeDtypeStruct((NRP, PW), jnp.float32)],
)


def _post2_body(sums, cnts, h, wl_ref, wr_ref, b2, o_ref):
  wl = _block_diag8(wl_ref[...])
  wr = _block_diag8(wr_ref[...])
  g = _block_diag8(jnp.ones((D_OUT, 1), jnp.float32))
  b2t = jnp.tile(b2[...], (1, 8))
  cnt = jnp.maximum(cnts[0] + cnts[1], 1.0)
  mean2 = (sums[0] + sums[1]) / cnt
  t = (jnp.dot(mean2, wl, preferred_element_type=jnp.float32)
       + jnp.dot(h[0], wr, preferred_element_type=jnp.float32)
       + b2t)
  nrm = jnp.sqrt(jnp.dot(t * t, g, preferred_element_type=jnp.float32))
  inv = 1.0 / jnp.maximum(nrm, 1e-12)
  bc = lax.dot_general(inv, g, (((1,), (1,)), ((), ())),
                       preferred_element_type=jnp.float32)
  o_ref[...] = (t * bc)[:NR].reshape(N_NODES, D_OUT)


_post2 = pl.pallas_call(
    _post2_body,
    out_shape=jax.ShapeDtypeStruct((N_NODES, D_OUT), jnp.float32),
)


@jax.jit
def kernel(x, edge_index, Wl1, Wr1, b1, Wl2, Wr2, b2):
  ei = edge_index.astype(jnp.int32)
  zeros = jnp.zeros((N_PAD, D_HID), jnp.float32)
  ones = jnp.ones((CHUNK, D_HID), jnp.float32)

  pp, rp = _proj(x, Wl1, Wr1)
  p = pp.reshape(N_NODES, D_HID)
  r = rp.reshape(N_PAD, D_HID)
  sums1, cnts1 = _seg_sum_builder(True)(p, ei, zeros, ones)
  sums2, h = _seg2_builder()(sums1, cnts1, r, b1, ei, zeros)
  sp = sums2.reshape(NC, NRP, PW)
  cp = cnts1.reshape(NC, NRP, PW)
  hp = h.reshape(NC, NRP, PW)
  return _post2(sp, cp, hp, Wl2, Wr2, b2.reshape(1, D_OUT))

# --- scband reference (transcript-rebuilt; emitter-appended) ---
"""Pipeline reference for scband-graph-sagenet-34772055228551 (READ-ONLY COPY).

The authoritative reference and input builder live on the scoring server;
editing this copy changes nothing except your own understanding.
"""

import jax, jax.numpy as jnp
import numpy as np

N_NODES = 10000
N_EDGES = 320000
D_IN = 128
D_HID = 16
D_OUT = 128


def setup_inputs(seed: int = 0) -> dict:
    key = jax.random.key(seed)
    ks = jax.random.split(key, 8)
    x = jax.random.normal(ks[0], (N_NODES, D_IN), dtype=jnp.float32)
    edge_index = jax.random.randint(ks[1], (2, N_EDGES), 0, N_NODES, dtype=jnp.int64)
    # conv1: SAGEConv(128 -> 16): lin_l (neighbor agg), lin_r (root), bias on lin_l
    Wl1 = jax.random.normal(ks[2], (D_IN, D_HID), dtype=jnp.float32) * (1.0 / np.sqrt(D_IN))
    Wr1 = jax.random.normal(ks[3], (D_IN, D_HID), dtype=jnp.float32) * (1.0 / np.sqrt(D_IN))
    b1 = jnp.zeros((D_HID,), dtype=jnp.float32)
    # conv2: SAGEConv(16 -> 128)
    Wl2 = jax.random.normal(ks[4], (D_HID, D_OUT), dtype=jnp.float32) * (1.0 / np.sqrt(D_HID))
    Wr2 = jax.random.normal(ks[5], (D_HID, D_OUT), dtype=jnp.float32) * (1.0 / np.sqrt(D_HID))
    b2 = jnp.zeros((D_OUT,), dtype=jnp.float32)
    return {"x": x, "edge_index": edge_index, "Wl1": Wl1, "Wr1": Wr1, "b1": b1,
            "Wl2": Wl2, "Wr2": Wr2, "b2": b2}


def _sage_conv(x, edge_index, Wl, Wr, b):
    # PyG SAGEConv with aggr='mean', root_weight=True, normalize=True.
    src = edge_index[0]
    dst = edge_index[1]
    msgs = jnp.take(x, src, axis=0)                                   # gather source features
    summed = jax.ops.segment_sum(msgs, dst, num_segments=N_NODES)     # scatter-add at dst
    cnt = jax.ops.segment_sum(jnp.ones((msgs.shape[0],), dtype=x.dtype), dst,
                              num_segments=N_NODES)
    mean = summed / jnp.clip(cnt, 1.0, None)[:, None]                 # mean aggregation
    out = mean @ Wl + b + x @ Wr                                      # lin_l(agg) + lin_r(x)
    # F.normalize(out, p=2, dim=-1): x / max(||x||_2, eps)
    norm = jnp.linalg.norm(out, axis=-1, keepdims=True)
    out = out / jnp.clip(norm, 1e-12, None)
    return out


def reference(x, edge_index, Wl1, Wr1, b1, Wl2, Wr2, b2):
    h = _sage_conv(x, edge_index, Wl1, Wr1, b1)
    h = jax.nn.relu(h)
    # dropout p=0.5 is identity in eval mode
    out = _sage_conv(h, edge_index, Wl2, Wr2, b2)
    return out

if __name__ == "__main__":
    import jax
    _d = setup_inputs()
    print(jax.jit(kernel)(*tuple(_d.values())))

</pallas_src>

<mosaic_0001>
#map = affine_map<(d0, d1) -> (0, 0, 0)>
#map1 = affine_map<(d0, d1) -> (0, 0)>
#map2 = affine_map<(d0, d1) -> (0)>
module attributes {stable_mosaic.version = 14 : i64} {
  func.func @seg2_fused(%arg0: i32, %arg1: i32, %arg2: memref<2x10240x16xf32, #tpu.memory_space<hbm>>, %arg3: memref<2x10240x16xf32, #tpu.memory_space<hbm>>, %arg4: memref<10240x16xf32, #tpu.memory_space<hbm>>, %arg5: memref<16xf32, #tpu.memory_space<hbm>>, %arg6: memref<2x320000xi32, #tpu.memory_space<hbm>>, %arg7: memref<10240x16xf32, #tpu.memory_space<hbm>>, %arg8: memref<2x10240x16xf32, #tpu.memory_space<hbm>>, %arg9: memref<2x10240x16xf32, #tpu.memory_space<hbm>>, %arg10: memref<2000xi32, #tpu.memory_space<vmem>>, %arg11: memref<2000xi32, #tpu.memory_space<vmem>>, %arg12: memref<2000xi32, #tpu.memory_space<vmem>>, %arg13: memref<2000xi32, #tpu.memory_space<vmem>>, %arg14: memref<2000x16xf32, #tpu.memory_space<vmem>>, %arg15: memref<2000x16xf32, #tpu.memory_space<vmem>>, %arg16: memref<10240x16xf32, #tpu.memory_space<vmem_shared>>, %arg17: memref<!tpu.dma_semaphore, #tpu.memory_space<semaphore_mem>>, %arg18: memref<!tpu.dma_semaphore, #tpu.memory_space<semaphore_mem>>, %arg19: memref<320x16xf32, #tpu.memory_space<vmem>>, %arg20: memref<320x16xf32, #tpu.memory_space<vmem>>, %arg21: memref<320x16xf32, #tpu.memory_space<vmem>>, %arg22: memref<320x16xf32, #tpu.memory_space<vmem>>, %arg23: memref<320x16xf32, #tpu.memory_space<vmem>>, %arg24: memref<320x16xf32, #tpu.memory_space<vmem>>, %arg25: memref<16xf32, #tpu.memory_space<vmem>>) attributes {dimension_semantics = [#tpu.dimension_semantics<core_parallel>, #tpu.dimension_semantics<subcore_parallel>], iteration_bounds = array<i64: 2, 16>, scalar_prefetch = 0 : i64, scratch_operands = 16 : i64, tpu.core_type = #tpu.core_type<sc_vector_subcore>, window_params = [{transform_indices = #map}, {transform_indices = #map}, {transform_indices = #map1}, {transform_indices = #map2}, {transform_indices = #map1}, {transform_indices = #map1}, {transform_indices = #map}, {transform_indices = #map}]} {
    %mul3A = arith.constant 2 : i32
    %mul3A_0 = arith.muli %arg1, %mul3A : i32
    %add3A = arith.addi %mul3A_0, %arg0 : i32
    %mul3A_1 = arith.constant 640 : i32
    %mul3A_2 = arith.muli %arg1, %mul3A_1 : i32
    "tpu.region"() ({
      %run_scoped3A_128 = tpu.sem_alloc : memref<!tpu.dma_semaphore, #tpu.memory_space<semaphore_mem>>
      %dma_start3A_129 = arith.constant 0 : i32
      %dma_start3A_130 = tpu.memref_slice %arg16[%mul3A_2, %dma_start3A_129] : memref<10240x16xf32, #tpu.memory_space<vmem_shared>> -> memref<640x16xf32, #tpu.memory_space<vmem_shared>>
      %dma_start3A_131 = arith.constant 0 : i32
      %dma_start3A_132 = tpu.memref_slice %arg7[%mul3A_2, %dma_start3A_131] : memref<10240x16xf32, #tpu.memory_space<hbm>> -> memref<640x16xf32, #tpu.memory_space<hbm>>
      tpu.enqueue_dma source(%dma_start3A_132 : memref<640x16xf32, #tpu.memory_space<hbm>>) target(%dma_start3A_130 : memref<640x16xf32, #tpu.memory_space<vmem_shared>>) target_semaphore(%run_scoped3A_128 : memref<!tpu.dma_semaphore, #tpu.memory_space<semaphore_mem>>)
      %dma_wait3A_133 = arith.constant 0 : i32
      %dma_wait3A_134 = tpu.memref_slice %arg16[%mul3A_2, %dma_wait3A_133] : memref<10240x16xf32, #tpu.memory_space<vmem_shared>> -> memref<640x16xf32, #tpu.memory_space<vmem_shared>>
      %dma_wait3A_135 = arith.constant 0 : i32
      %dma_wait3A_136 = tpu.memref_slice %arg7[%mul3A_2, %dma_wait3A_135] : memref<10240x16xf32, #tpu.memory_space<hbm>> -> memref<640x16xf32, #tpu.memory_space<hbm>>
      tpu.wait_dma2 semaphore(%run_scoped3A_128 : memref<!tpu.dma_semaphore, #tpu.memory_space<semaphore_mem>>) src(%dma_wait3A_136 : memref<640x16xf32, #tpu.memory_space<hbm>>) dst(%dma_wait3A_134 : memref<640x16xf32, #tpu.memory_space<vmem_shared>>)
      tpu.yield
    }) : () -> ()
    "tpu.region"() ({
      %run_scoped3A_128 = tpu.sem_alloc : memref<!tpu.dma_semaphore, #tpu.memory_space<semaphore_mem>>
      tpu.enqueue_dma source(%arg5 : memref<16xf32, #tpu.memory_space<hbm>>) target(%arg25 : memref<16xf32, #tpu.memory_space<vmem>>) target_semaphore(%run_scoped3A_128 : memref<!tpu.dma_semaphore, #tpu.memory_space<semaphore_mem>>)
      tpu.wait_dma2 semaphore(%run_scoped3A_128 : memref<!tpu.dma_semaphore, #tpu.memory_space<semaphore_mem>>) src(%arg5 : memref<16xf32, #tpu.memory_space<hbm>>) dst(%arg25 : memref<16xf32, #tpu.memory_space<vmem>>)
      tpu.yield
    }) : () -> ()
    %get3A = arith.constant 0 : index
    %get3A_3 = tpu.vector_load %arg25[%get3A] {strides = array<i32>} : memref<16xf32, #tpu.memory_space<vmem>>, vector<16xf32>,
    %get3A_4 = vector.shape_cast %get3A_3 : vector<16xf32> to vector<16xf32>
    %add3A_5 = arith.constant 0 : i32
    %add3A_6 = arith.addi %mul3A_2, %add3A_5 : i32
    %run_scoped3A = arith.constant 0 : i32
    "tpu.region"() ({
      %run_scoped3A_128 = tpu.sem_alloc : memref<!tpu.dma_semaphore, #tpu.memory_space<semaphore_mem>>
      %dma_start3A_129 = arith.constant 0 : i32
      %dma_start3A_130 = tpu.memref_slice %arg2[%run_scoped3A, %add3A_6, %dma_start3A_129] : memref<2x10240x16xf32, #tpu.memory_space<hbm>> -> memref<1x320x16xf32, #tpu.memory_space<hbm>>
      %dma_start3A_131 = tpu.memref_squeeze %dma_start3A_130 : memref<1x320x16xf32, #tpu.memory_space<hbm>> -> memref<320x16xf32, #tpu.memory_space<hbm>>
      %dma_start3A_132 = arith.constant 0 : i32
      %dma_start3A_133 = tpu.memref_slice %arg2[%run_scoped3A, %add3A_6, %dma_start3A_132] : memref<2x10240x16xf32, #tpu.memory_space<hbm>> -> memref<1x320x16xf32, #tpu.memory_space<hbm>>
      %dma_start3A_134 = tpu.memref_squeeze %dma_start3A_133 : memref<1x320x16xf32, #tpu.memory_space<hbm>> -> memref<320x16xf32, #tpu.memory_space<hbm>>
      tpu.enqueue_dma source(%dma_start3A_134 : memref<320x16xf32, #tpu.memory_space<hbm>>) target(%arg19 : memref<320x16xf32, #tpu.memory_space<vmem>>) target_semaphore(%run_scoped3A_128 : memref<!tpu.dma_semaphore, #tpu.memory_space<semaphore_mem>>)
      %dma_wait3A_135 = arith.constant 0 : i32
      %dma_wait3A_136 = tpu.memref_slice %arg2[%run_scoped3A, %add3A_6, %dma_wait3A_135] : memref<2x10240x16xf32, #tpu.memory_space<hbm>> -> memref<1x320x16xf32, #tpu.memory_space<hbm>>
      %dma_wait3A_137 = tpu.memref_squeeze %dma_wait3A_136 : memref<1x320x16xf32, #tpu.memory_space<hbm>> -> memref<320x16xf32, #tpu.memory_space<hbm>>
      %dma_wait3A_138 = arith.constant 0 : i32
      %dma_wait3A_139 = tpu.memref_slice %arg2[%run_scoped3A, %add3A_6, %dma_wait3A_138] : memref<2x10240x16xf32, #tpu.memory_space<hbm>> -> memref<1x320x16xf32, #tpu.memory_space<hbm>>
      %dma_wait3A_140 = tpu.memref_squeeze %dma_wait3A_139 : memref<1x320x16xf32, #tpu.memory_space<hbm>> -> memref<320x16xf32, #tpu.memory_space<hbm>>
      tpu.wait_dma2 semaphore(%run_scoped3A_128 : memref<!tpu.dma_semaphore, #tpu.memory_space<semaphore_mem>>) src(%dma_wait3A_140 : memref<320x16xf32, #tpu.memory_space<hbm>>) dst(%arg19 : memref<320x16xf32, #tpu.memory_space<vmem>>)
      tpu.yield
    }) : () -> ()
    %run_scoped3A_7 = arith.constant 1 : i32
    "tpu.region"() ({
      %run_scoped3A_128 = tpu.sem_alloc : memref<!tpu.dma_semaphore, #tpu.memory_space<semaphore_mem>>
      %dma_start3A_129 = arith.constant 0 : i32
      %dma_start3A_130 = tpu.memref_slice %arg2[%run_scoped3A_7, %add3A_6, %dma_start3A_129] : memref<2x10240x16xf32, #tpu.memory_space<hbm>> -> memref<1x320x16xf32, #tpu.memory_space<hbm>>
      %dma_start3A_131 = tpu.memref_squeeze %dma_start3A_130 : memref<1x320x16xf32, #tpu.memory_space<hbm>> -> memref<320x16xf32, #tpu.memory_space<hbm>>
      %dma_start3A_132 = arith.constant 0 : i32
      %dma_start3A_133 = tpu.memref_slice %arg2[%run_scoped3A_7, %add3A_6, %dma_start3A_132] : memref<2x10240x16xf32, #tpu.memory_space<hbm>> -> memref<1x320x16xf32, #tpu.memory_space<hbm>>
      %dma_start3A_134 = tpu.memref_squeeze %dma_start3A_133 : memref<1x320x16xf32, #tpu.memory_space<hbm>> -> memref<320x16xf32, #tpu.memory_space<hbm>>
      tpu.enqueue_dma source(%dma_start3A_134 : memref<320x16xf32, #tpu.memory_space<hbm>>) target(%arg20 : memref<320x16xf32, #tpu.memory_space<vmem>>) target_semaphore(%run_scoped3A_128 : memref<!tpu.dma_semaphore, #tpu.memory_space<semaphore_mem>>)
      %dma_wait3A_135 = arith.constant 0 : i32
      %dma_wait3A_136 = tpu.memref_slice %arg2[%run_scoped3A_7, %add3A_6, %dma_wait3A_135] : memref<2x10240x16xf32, #tpu.memory_space<hbm>> -> memref<1x320x16xf32, #tpu.memory_space<hbm>>
      %dma_wait3A_137 = tpu.memref_squeeze %dma_wait3A_136 : memref<1x320x16xf32, #tpu.memory_space<hbm>> -> memref<320x16xf32, #tpu.memory_space<hbm>>
      %dma_wait3A_138 = arith.constant 0 : i32
      %dma_wait3A_139 = tpu.memref_slice %arg2[%run_scoped3A_7, %add3A_6, %dma_wait3A_138] : memref<2x10240x16xf32, #tpu.memory_space<hbm>> -> memref<1x320x16xf32, #tpu.memory_space<hbm>>
      %dma_wait3A_140 = tpu.memref_squeeze %dma_wait3A_139 : memref<1x320x16xf32, #tpu.memory_space<hbm>> -> memref<320x16xf32, #tpu.memory_space<hbm>>
      tpu.wait_dma2 semaphore(%run_scoped3A_128 : memref<!tpu.dma_semaphore, #tpu.memory_space<semaphore_mem>>) src(%dma_wait3A_140 : memref<320x16xf32, #tpu.memory_space<hbm>>) dst(%arg20 : memref<320x16xf32, #tpu.memory_space<vmem>>)
      tpu.yield
    }) : () -> ()
    %run_scoped3A_8 = arith.constant 0 : i32
    "tpu.region"() ({
      %run_scoped3A_128 = tpu.sem_alloc : memref<!tpu.dma_semaphore, #tpu.memory_space<semaphore_mem>>
      %dma_start3A_129 = arith.constant 0 : i32
      %dma_start3A_130 = tpu.memref_slice %arg3[%run_scoped3A_8, %add3A_6, %dma_start3A_129] : memref<2x10240x16xf32, #tpu.memory_space<hbm>> -> memref<1x320x16xf32, #tpu.memory_space<hbm>>
      %dma_start3A_131 = tpu.memref_squeeze %dma_start3A_130 : memref<1x320x16xf32, #tpu.memory_space<hbm>> -> memref<320x16xf32, #tpu.memory_space<hbm>>
      %dma_start3A_132 = arith.constant 0 : i32
      %dma_start3A_133 = tpu.memref_slice %arg3[%run_scoped3A_8, %add3A_6, %dma_start3A_132] : memref<2x10240x16xf32, #tpu.memory_space<hbm>> -> memref<1x320x16xf32, #tpu.memory_space<hbm>>
      %dma_start3A_134 = tpu.memref_squeeze %dma_start3A_133 : memref<1x320x16xf32, #tpu.memory_space<hbm>> -> memref<320x16xf32, #tpu.memory_space<hbm>>
      tpu.enqueue_dma source(%dma_start3A_134 : memref<320x16xf32, #tpu.memory_space<hbm>>) target(%arg21 : memref<320x16xf32, #tpu.memory_space<vmem>>) target_semaphore(%run_scoped3A_128 : memref<!tpu.dma_semaphore, #tpu.memory_space<semaphore_mem>>)
      %dma_wait3A_135 = arith.constant 0 : i32
      %dma_wait3A_136 = tpu.memref_slice %arg3[%run_scoped3A_8, %add3A_6, %dma_wait3A_135] : memref<2x10240x16xf32, #tpu.memory_space<hbm>> -> memref<1x320x16xf32, #tpu.memory_space<hbm>>
      %dma_wait3A_137 = tpu.memref_squeeze %dma_wait3A_136 : memref<1x320x16xf32, #tpu.memory_space<hbm>> -> memref<320x16xf32, #tpu.memory_space<hbm>>
      %dma_wait3A_138 = arith.constant 0 : i32
      %dma_wait3A_139 = tpu.memref_slice %arg3[%run_scoped3A_8, %add3A_6, %dma_wait3A_138] : memref<2x10240x16xf32, #tpu.memory_space<hbm>> -> memref<1x320x16xf32, #tpu.memory_space<hbm>>
      %dma_wait3A_140 = tpu.memref_squeeze %dma_wait3A_139 : memref<1x320x16xf32, #tpu.memory_space<hbm>> -> memref<320x16xf32, #tpu.memory_space<hbm>>
      tpu.wait_dma2 semaphore(%run_scoped3A_128 : memref<!tpu.dma_semaphore, #tpu.memory_space<semaphore_mem>>) src(%dma_wait3A_140 : memref<320x16xf32, #tpu.memory_space<hbm>>) dst(%arg21 : memref<320x16xf32, #tpu.memory_space<vmem>>)
      tpu.yield
    }) : () -> ()
    %run_scoped3A_9 = arith.constant 1 : i32
    "tpu.region"() ({
      %run_scoped3A_128 = tpu.sem_alloc : memref<!tpu.dma_semaphore, #tpu.memory_space<semaphore_mem>>
      %dma_start3A_129 = arith.constant 0 : i32
      %dma_start3A_130 = tpu.memref_slice %arg3[%run_scoped3A_9, %add3A_6, %dma_start3A_129] : memref<2x10240x16xf32, #tpu.memory_space<hbm>> -> memref<1x320x16xf32, #tpu.memory_space<hbm>>
      %dma_start3A_131 = tpu.memref_squeeze %dma_start3A_130 : memref<1x320x16xf32, #tpu.memory_space<hbm>> -> memref<320x16xf32, #tpu.memory_space<hbm>>
      %dma_start3A_132 = arith.constant 0 : i32
      %dma_start3A_133 = tpu.memref_slice %arg3[%run_scoped3A_9, %add3A_6, %dma_start3A_132] : memref<2x10240x16xf32, #tpu.memory_space<hbm>> -> memref<1x320x16xf32, #tpu.memory_space<hbm>>
      %dma_start3A_134 = tpu.memref_squeeze %dma_start3A_133 : memref<1x320x16xf32, #tpu.memory_space<hbm>> -> memref<320x16xf32, #tpu.memory_space<hbm>>
      tpu.enqueue_dma source(%dma_start3A_134 : memref<320x16xf32, #tpu.memory_space<hbm>>) target(%arg22 : memref<320x16xf32, #tpu.memory_space<vmem>>) target_semaphore(%run_scoped3A_128 : memref<!tpu.dma_semaphore, #tpu.memory_space<semaphore_mem>>)
      %dma_wait3A_135 = arith.constant 0 : i32
      %dma_wait3A_136 = tpu.memref_slice %arg3[%run_scoped3A_9, %add3A_6, %dma_wait3A_135] : memref<2x10240x16xf32, #tpu.memory_space<hbm>> -> memref<1x320x16xf32, #tpu.memory_space<hbm>>
      %dma_wait3A_137 = tpu.memref_squeeze %dma_wait3A_136 : memref<1x320x16xf32, #tpu.memory_space<hbm>> -> memref<320x16xf32, #tpu.memory_space<hbm>>
      %dma_wait3A_138 = arith.constant 0 : i32
      %dma_wait3A_139 = tpu.memref_slice %arg3[%run_scoped3A_9, %add3A_6, %dma_wait3A_138] : memref<2x10240x16xf32, #tpu.memory_space<hbm>> -> memref<1x320x16xf32, #tpu.memory_space<hbm>>
      %dma_wait3A_140 = tpu.memref_squeeze %dma_wait3A_139 : memref<1x320x16xf32, #tpu.memory_space<hbm>> -> memref<320x16xf32, #tpu.memory_space<hbm>>
      tpu.wait_dma2 semaphore(%run_scoped3A_128 : memref<!tpu.dma_semaphore, #tpu.memory_space<semaphore_mem>>) src(%dma_wait3A_140 : memref<320x16xf32, #tpu.memory_space<hbm>>) dst(%arg22 : memref<320x16xf32, #tpu.memory_space<vmem>>)
      tpu.yield
    }) : () -> ()
    "tpu.region"() ({
      %run_scoped3A_128 = tpu.sem_alloc : memref<!tpu.dma_semaphore, #tpu.memory_space<semaphore_mem>>
      %dma_start3A_129 = arith.constant 0 : i32
      %dma_start3A_130 = tpu.memref_slice %arg4[%add3A_6, %dma_start3A_129] : memref<10240x16xf32, #tpu.memory_space<hbm>> -> memref<320x16xf32, #tpu.memory_space<hbm>>
      %dma_start3A_131 = arith.constant 0 : i32
      %dma_start3A_132 = tpu.memref_slice %arg4[%add3A_6, %dma_start3A_131] : memref<10240x16xf32, #tpu.memory_space<hbm>> -> memref<320x16xf32, #tpu.memory_space<hbm>>
      tpu.enqueue_dma source(%dma_start3A_132 : memref<320x16xf32, #tpu.memory_space<hbm>>) target(%arg23 : memref<320x16xf32, #tpu.memory_space<vmem>>) target_semaphore(%run_scoped3A_128 : memref<!tpu.dma_semaphore, #tpu.memory_space<semaphore_mem>>)
      %dma_wait3A_133 = arith.constant 0 : i32
      %dma_wait3A_134 = tpu.memref_slice %arg4[%add3A_6, %dma_wait3A_133] : memref<10240x16xf32, #tpu.memory_space<hbm>> -> memref<320x16xf32, #tpu.memory_space<hbm>>
      %dma_wait3A_135 = arith.constant 0 : i32
      %dma_wait3A_136 = tpu.memref_slice %arg4[%add3A_6, %dma_wait3A_135] : memref<10240x16xf32, #tpu.memory_space<hbm>> -> memref<320x16xf32, #tpu.memory_space<hbm>>
      tpu.wait_dma2 semaphore(%run_scoped3A_128 : memref<!tpu.dma_semaphore, #tpu.memory_space<semaphore_mem>>) src(%dma_wait3A_136 : memref<320x16xf32, #tpu.memory_space<hbm>>) dst(%arg23 : memref<320x16xf32, #tpu.memory_space<vmem>>)
      tpu.yield
    }) : () -> ()
    %scan3A = arith.constant 0 : i32
    %scan3A_10 = arith.constant 0 : i32
    %scan3A_11 = arith.constant 320 : i32
    %scan3A_12 = arith.addi %scan3A_10, %scan3A_11 : i32
    %scan3A_13 = arith.constant 1 : i32
    %scan3A_14 = scf.for %scan3A_128 = %scan3A_10 to %scan3A_12 step %scan3A_13 iter_args(%scan3A_129 = %scan3A) -> (i32)  : i32 {
      %get3A_130 = arith.index_cast %scan3A_128 : i32 to index
      %get3A_131 = arith.constant 0 : index
      %get3A_132 = tpu.vector_load %arg21[%get3A_130, %get3A_131] {strides = array<i32>} : memref<320x16xf32, #tpu.memory_space<vmem>>, vector<1x16xf32>,
      %get3A_133 = vector.shape_cast %get3A_132 : vector<1x16xf32> to vector<16xf32>
      %get3A_134 = arith.index_cast %scan3A_128 : i32 to index
      %get3A_135 = arith.constant 0 : index
      %get3A_136 = tpu.vector_load %arg22[%get3A_134, %get3A_135] {strides = array<i32>} : memref<320x16xf32, #tpu.memory_space<vmem>>, vector<1x16xf32>,
      %get3A_137 = vector.shape_cast %get3A_136 : vector<1x16xf32> to vector<16xf32>
      %add3A_138 = arith.addf %get3A_133, %get3A_137 : vector<16xf32>
      %max3A = arith.constant 1.000000e+00 : f32
      %max3A_139 = vector.broadcast %max3A : f32 to vector<16xf32>
      %max3A_140 = arith.maximumf %add3A_138, %max3A_139 : vector<16xf32>
      %get3A_141 = arith.index_cast %scan3A_128 : i32 to index
      %get3A_142 = arith.constant 0 : index
      %get3A_143 = tpu.vector_load %arg19[%get3A_141, %get3A_142] {strides = array<i32>} : memref<320x16xf32, #tpu.memory_space<vmem>>, vector<1x16xf32>,
      %get3A_144 = vector.shape_cast %get3A_143 : vector<1x16xf32> to vector<16xf32>
      %get3A_145 = arith.index_cast %scan3A_128 : i32 to index
      %get3A_146 = arith.constant 0 : index
      %get3A_147 = tpu.vector_load %arg20[%get3A_145, %get3A_146] {strides = array<i32>} : memref<320x16xf32, #tpu.memory_space<vmem>>, vector<1x16xf32>,
      %get3A_148 = vector.shape_cast %get3A_147 : vector<1x16xf32> to vector<16xf32>
      %add3A_149 = arith.addf %get3A_144, %get3A_148 : vector<16xf32>
      %div3A = arith.divf %add3A_149, %max3A_140 : vector<16xf32>
      %add3A_150 = arith.addf %div3A, %get3A_4 : vector<16xf32>
      %get3A_151 = arith.index_cast %scan3A_128 : i32 to index
      %get3A_152 = arith.constant 0 : index
      %get3A_153 = tpu.vector_load %arg23[%get3A_151, %get3A_152] {strides = array<i32>} : memref<320x16xf32, #tpu.memory_space<vmem>>, vector<1x16xf32>,
      %get3A_154 = vector.shape_cast %get3A_153 : vector<1x16xf32> to vector<16xf32>
      %add3A_155 = arith.addf %add3A_150, %get3A_154 : vector<16xf32>
      %mul3A_156 = arith.mulf %add3A_155, %add3A_155 : vector<16xf32>
      %iota3A = tpu.iota {dimensions = array<i32: 0>} : vector<16xi32>
      %xor3A = arith.constant 8 : i32
      %xor3A_157 = vector.broadcast %xor3A : i32 to vector<16xi32>
      %xor3A_158 = arith.xori %iota3A, %xor3A_157 : vector<16xi32>
      %broadcast_in_dim3A = vector.shape_cast %xor3A_158 : vector<16xi32> to vector<16x1xi32>
      %gather3A = vector.shape_cast %broadcast_in_dim3A : vector<16x1xi32> to vector<16xi32>
      %gather3A_159 = tpu.dynamic_gather %mul3A_156[%gather3A] in [0] : vector<16xf32>, vector<16xi32> -> vector<16xf32>
      %add3A_160 = arith.addf %mul3A_156, %gather3A_159 : vector<16xf32>
      %xor3A_161 = arith.constant 4 : i32
      %xor3A_162 = vector.broadcast %xor3A_161 : i32 to vector<16xi32>
      %xor3A_163 = arith.xori %iota3A, %xor3A_162 : vector<16xi32>
      %broadcast_in_dim3A_164 = vector.shape_cast %xor3A_163 : vector<16xi32> to vector<16x1xi32>
      %gather3A_165 = vector.shape_cast %broadcast_in_dim3A_164 : vector<16x1xi32> to vector<16xi32>
      %gather3A_166 = tpu.dynamic_gather %add3A_160[%gather3A_165] in [0] : vector<16xf32>, vector<16xi32> -> vector<16xf32>
      %add3A_167 = arith.addf %add3A_160, %gather3A_166 : vector<16xf32>
      %xor3A_168 = arith.constant 2 : i32
      %xor3A_169 = vector.broadcast %xor3A_168 : i32 to vector<16xi32>
      %xor3A_170 = arith.xori %iota3A, %xor3A_169 : vector<16xi32>
      %broadcast_in_dim3A_171 = vector.shape_cast %xor3A_170 : vector<16xi32> to vector<16x1xi32>
      %gather3A_172 = vector.shape_cast %broadcast_in_dim3A_171 : vector<16x1xi32> to vector<16xi32>
      %gather3A_173 = tpu.dynamic_gather %add3A_167[%gather3A_172] in [0] : vector<16xf32>, vector<16xi32> -> vector<16xf32>
      %add3A_174 = arith.addf %add3A_167, %gather3A_173 : vector<16xf32>
      %xor3A_175 = arith.constant 1 : i32
      %xor3A_176 = vector.broadcast %xor3A_175 : i32 to vector<16xi32>
      %xor3A_177 = arith.xori %iota3A, %xor3A_176 : vector<16xi32>
      %broadcast_in_dim3A_178 = vector.shape_cast %xor3A_177 : vector<16xi32> to vector<16x1xi32>
      %gather3A_179 = vector.shape_cast %broadcast_in_dim3A_178 : vector<16x1xi32> to vector<16xi32>
      %gather3A_180 = tpu.dynamic_gather %add3A_174[%gather3A_179] in [0] : vector<16xf32>, vector<16xi32> -> vector<16xf32>
      %add3A_181 = arith.addf %add3A_174, %gather3A_180 : vector<16xf32>
      %max3A_182 = arith.constant 1.000000e-24 : f32
      %max3A_183 = vector.broadcast %max3A_182 : f32 to vector<16xf32>
      %max3A_184 = arith.maximumf %add3A_181, %max3A_183 : vector<16xf32>
      %bitcast_convert_type3A = tpu.bitcast %max3A_184 : vector<16xf32> -> vector<16xi32>
      %shift_right_arithmetic3A = arith.constant 1 : i32
      %shift_right_arithmetic3A_185 = vector.broadcast %shift_right_arithmetic3A : i32 to vector<16xi32>
      %shift_right_arithmetic3A_186 = arith.shrsi %bitcast_convert_type3A, %shift_right_arithmetic3A_185 : vector<16xi32>
      %sub3A = arith.constant 1597463007 : i32
      %sub3A_187 = vector.broadcast %sub3A : i32 to vector<16xi32>
      %sub3A_188 = arith.subi %sub3A_187, %shift_right_arithmetic3A_186 : vector<16xi32>
      %bitcast_convert_type3A_189 = tpu.bitcast %sub3A_188 : vector<16xi32> -> vector<16xf32>
      %mul3A_190 = arith.constant 5.000000e-01 : f32
      %mul3A_191 = vector.broadcast %mul3A_190 : f32 to vector<16xf32>
      %mul3A_192 = arith.mulf %mul3A_191, %max3A_184 : vector<16xf32>
      %mul3A_193 = arith.mulf %mul3A_192, %bitcast_convert_type3A_189 : vector<16xf32>
      %mul3A_194 = arith.mulf %mul3A_193, %bitcast_convert_type3A_189 : vector<16xf32>
      %sub3A_195 = arith.constant 1.500000e+00 : f32
      %sub3A_196 = vector.broadcast %sub3A_195 : f32 to vector<16xf32>
      %sub3A_197 = arith.subf %sub3A_196, %mul3A_194 : vector<16xf32>
      %mul3A_198 = arith.mulf %bitcast_convert_type3A_189, %sub3A_197 : vector<16xf32>
      %mul3A_199 = arith.constant 5.000000e-01 : f32
      %mul3A_200 = vector.broadcast %mul3A_199 : f32 to vector<16xf32>
      %mul3A_201 = arith.mulf %mul3A_200, %max3A_184 : vector<16xf32>
      %mul3A_202 = arith.mulf %mul3A_201, %mul3A_198 : vector<16xf32>
      %mul3A_203 = arith.mulf %mul3A_202, %mul3A_198 : vector<16xf32>
      %sub3A_204 = arith.constant 1.500000e+00 : f32
      %sub3A_205 = vector.broadcast %sub3A_204 : f32 to vector<16xf32>
      %sub3A_206 = arith.subf %sub3A_205, %mul3A_203 : vector<16xf32>
      %mul3A_207 = arith.mulf %mul3A_198, %sub3A_206 : vector<16xf32>
      %mul3A_208 = arith.constant 5.000000e-01 : f32
      %mul3A_209 = vector.broadcast %mul3A_208 : f32 to vector<16xf32>
      %mul3A_210 = arith.mulf %mul3A_209, %max3A_184 : vector<16xf32>
      %mul3A_211 = arith.mulf %mul3A_210, %mul3A_207 : vector<16xf32>
      %mul3A_212 = arith.mulf %mul3A_211, %mul3A_207 : vector<16xf32>
      %sub3A_213 = arith.constant 1.500000e+00 : f32
      %sub3A_214 = vector.broadcast %sub3A_213 : f32 to vector<16xf32>
      %sub3A_215 = arith.subf %sub3A_214, %mul3A_212 : vector<16xf32>
      %mul3A_216 = arith.mulf %mul3A_207, %sub3A_215 : vector<16xf32>
      %mul3A_217 = arith.mulf %add3A_155, %mul3A_216 : vector<16xf32>
      %max3A_218 = arith.constant 0.000000e+00 : f32
      %max3A_219 = vector.broadcast %max3A_218 : f32 to vector<16xf32>
      %max3A_220 = arith.maximumf %mul3A_217, %max3A_219 : vector<16xf32>
      %swap3A = arith.index_cast %scan3A_128 : i32 to index
      %swap3A_221 = arith.constant 0 : index
      %swap3A_222 = tpu.vector_load %arg24[%swap3A, %swap3A_221] {strides = array<i32>} : memref<320x16xf32, #tpu.memory_space<vmem>>, vector<1x16xf32>,
      %swap3A_223 = vector.shape_cast %swap3A_222 : vector<1x16xf32> to vector<16xf32>
      %swap3A_224 = vector.shape_cast %max3A_220 : vector<16xf32> to vector<1x16xf32>
      tpu.vector_store %arg24[%swap3A, %swap3A_221], %swap3A_224 {strides = array<i32>} : memref<320x16xf32, #tpu.memory_space<vmem>>, vector<1x16xf32>,
      %scan3A_225 = arith.constant 0 : i32
      scf.yield %scan3A_225 : i32
    }
    %scan3A_15 = arith.constant 320 : i32
    "tpu.region"() ({
      %run_scoped3A_128 = tpu.sem_alloc : memref<!tpu.dma_semaphore, #tpu.memory_space<semaphore_mem>>
      %dma_start3A_129 = arith.constant 0 : i32
      %dma_start3A_130 = tpu.memref_slice %arg9[%arg0, %add3A_6, %dma_start3A_129] : memref<2x10240x16xf32, #tpu.memory_space<hbm>> -> memref<1x320x16xf32, #tpu.memory_space<hbm>>
      %dma_start3A_131 = tpu.memref_squeeze %dma_start3A_130 : memref<1x320x16xf32, #tpu.memory_space<hbm>> -> memref<320x16xf32, #tpu.memory_space<hbm>>
      %dma_start3A_132 = arith.constant 0 : i32
      %dma_start3A_133 = tpu.memref_slice %arg9[%arg0, %add3A_6, %dma_start3A_132] : memref<2x10240x16xf32, #tpu.memory_space<hbm>> -> memref<1x320x16xf32, #tpu.memory_space<hbm>>
      %dma_start3A_134 = tpu.memref_squeeze %dma_start3A_133 : memref<1x320x16xf32, #tpu.memory_space<hbm>> -> memref<320x16xf32, #tpu.memory_space<hbm>>
      tpu.enqueue_dma source(%arg24 : memref<320x16xf32, #tpu.memory_space<vmem>>) target(%dma_start3A_134 : memref<320x16xf32, #tpu.memory_space<hbm>>) target_semaphore(%run_scoped3A_128 : memref<!tpu.dma_semaphore, #tpu.memory_space<semaphore_mem>>)
      %dma_wait3A_135 = arith.constant 0 : i32
      %dma_wait3A_136 = tpu.memref_slice %arg9[%arg0, %add3A_6, %dma_wait3A_135] : memref<2x10240x16xf32, #tpu.memory_space<hbm>> -> memref<1x320x16xf32, #tpu.memory_space<hbm>>
      %dma_wait3A_137 = tpu.memref_squeeze %dma_wait3A_136 : memref<1x320x16xf32, #tpu.memory_space<hbm>> -> memref<320x16xf32, #tpu.memory_space<hbm>>
      %dma_wait3A_138 = arith.constant 0 : i32
      %dma_wait3A_139 = tpu.memref_slice %arg9[%arg0, %add3A_6, %dma_wait3A_138] : memref<2x10240x16xf32, #tpu.memory_space<hbm>> -> memref<1x320x16xf32, #tpu.memory_space<hbm>>
      %dma_wait3A_140 = tpu.memref_squeeze %dma_wait3A_139 : memref<1x320x16xf32, #tpu.memory_space<hbm>> -> memref<320x16xf32, #tpu.memory_space<hbm>>
      tpu.wait_dma2 semaphore(%run_scoped3A_128 : memref<!tpu.dma_semaphore, #tpu.memory_space<semaphore_mem>>) src(%arg24 : memref<320x16xf32, #tpu.memory_space<vmem>>) dst(%dma_wait3A_140 : memref<320x16xf32, #tpu.memory_space<hbm>>)
      tpu.yield
    }) : () -> ()
    %add3A_16 = arith.constant 320 : i32
    %add3A_17 = arith.addi %mul3A_2, %add3A_16 : i32
    %run_scoped3A_18 = arith.constant 0 : i32
    "tpu.region"() ({
      %run_scoped3A_128 = tpu.sem_alloc : memref<!tpu.dma_semaphore, #tpu.memory_space<semaphore_mem>>
      %dma_start3A_129 = arith.constant 0 : i32
      %dma_start3A_130 = tpu.memref_slice %arg2[%run_scoped3A_18, %add3A_17, %dma_start3A_129] : memref<2x10240x16xf32, #tpu.memory_space<hbm>> -> memref<1x320x16xf32, #tpu.memory_space<hbm>>
      %dma_start3A_131 = tpu.memref_squeeze %dma_start3A_130 : memref<1x320x16xf32, #tpu.memory_space<hbm>> -> memref<320x16xf32, #tpu.memory_space<hbm>>
      %dma_start3A_132 = arith.constant 0 : i32
      %dma_start3A_133 = tpu.memref_slice %arg2[%run_scoped3A_18, %add3A_17, %dma_start3A_132] : memref<2x10240x16xf32, #tpu.memory_space<hbm>> -> memref<1x320x16xf32, #tpu.memory_space<hbm>>
      %dma_start3A_134 = tpu.memref_squeeze %dma_start3A_133 : memref<1x320x16xf32, #tpu.memory_space<hbm>> -> memref<320x16xf32, #tpu.memory_space<hbm>>
      tpu.enqueue_dma source(%dma_start3A_134 : memref<320x16xf32, #tpu.memory_space<hbm>>) target(%arg19 : memref<320x16xf32, #tpu.memory_space<vmem>>) target_semaphore(%run_scoped3A_128 : memref<!tpu.dma_semaphore, #tpu.memory_space<semaphore_mem>>)
      %dma_wait3A_135 = arith.constant 0 : i32
      %dma_wait3A_136 = tpu.memref_slice %arg2[%run_scoped3A_18, %add3A_17, %dma_wait3A_135] : memref<2x10240x16xf32, #tpu.memory_space<hbm>> -> memref<1x320x16xf32, #tpu.memory_space<hbm>>
      %dma_wait3A_137 = tpu.memref_squeeze %dma_wait3A_136 : memref<1x320x16xf32, #tpu.memory_space<hbm>> -> memref<320x16xf32, #tpu.memory_space<hbm>>
      %dma_wait3A_138 = arith.constant 0 : i32
      %dma_wait3A_139 = tpu.memref_slice %arg2[%run_scoped3A_18, %add3A_17, %dma_wait3A_138] : memref<2x10240x16xf32, #tpu.memory_space<hbm>> -> memref<1x320x16xf32, #tpu.memory_space<hbm>>
      %dma_wait3A_140 = tpu.memref_squeeze %dma_wait3A_139 : memref<1x320x16xf32, #tpu.memory_space<hbm>> -> memref<320x16xf32, #tpu.memory_space<hbm>>
      tpu.wait_dma2 semaphore(%run_scoped3A_128 : memref<!tpu.dma_semaphore, #tpu.memory_space<semaphore_mem>>) src(%dma_wait3A_140 : memref<320x16xf32, #tpu.memory_space<hbm>>) dst(%arg19 : memref<320x16xf32, #tpu.memory_space<vmem>>)
      tpu.yield
    }) : () -> ()
    %run_scoped3A_19 = arith.constant 1 : i32
    "tpu.region"() ({
      %run_scoped3A_128 = tpu.sem_alloc : memref<!tpu.dma_semaphore, #tpu.memory_space<semaphore_mem>>
      %dma_start3A_129 = arith.constant 0 : i32
      %dma_start3A_130 = tpu.memref_slice %arg2[%run_scoped3A_19, %add3A_17, %dma_start3A_129] : memref<2x10240x16xf32, #tpu.memory_space<hbm>> -> memref<1x320x16xf32, #tpu.memory_space<hbm>>
      %dma_start3A_131 = tpu.memref_squeeze %dma_start3A_130 : memref<1x320x16xf32, #tpu.memory_space<hbm>> -> memref<320x16xf32, #tpu.memory_space<hbm>>
      %dma_start3A_132 = arith.constant 0 : i32
      %dma_start3A_133 = tpu.memref_slice %arg2[%run_scoped3A_19, %add3A_17, %dma_start3A_132] : memref<2x10240x16xf32, #tpu.memory_space<hbm>> -> memref<1x320x16xf32, #tpu.memory_space<hbm>>
      %dma_start3A_134 = tpu.memref_squeeze %dma_start3A_133 : memref<1x320x16xf32, #tpu.memory_space<hbm>> -> memref<320x16xf32, #tpu.memory_space<hbm>>
      tpu.enqueue_dma source(%dma_start3A_134 : memref<320x16xf32, #tpu.memory_space<hbm>>) target(%arg20 : memref<320x16xf32, #tpu.memory_space<vmem>>) target_semaphore(%run_scoped3A_128 : memref<!tpu.dma_semaphore, #tpu.memory_space<semaphore_mem>>)
      %dma_wait3A_135 = arith.constant 0 : i32
      %dma_wait3A_136 = tpu.memref_slice %arg2[%run_scoped3A_19, %add3A_17, %dma_wait3A_135] : memref<2x10240x16xf32, #tpu.memory_space<hbm>> -> memref<1x320x16xf32, #tpu.memory_space<hbm>>
      %dma_wait3A_137 = tpu.memref_squeeze %dma_wait3A_136 : memref<1x320x16xf32, #tpu.memory_space<hbm>> -> memref<320x16xf32, #tpu.memory_space<hbm>>
      %dma_wait3A_138 = arith.constant 0 : i32
      %dma_wait3A_139 = tpu.memref_slice %arg2[%run_scoped3A_19, %add3A_17, %dma_wait3A_138] : memref<2x10240x16xf32, #tpu.memory_space<hbm>> -> memref<1x320x16xf32, #tpu.memory_space<hbm>>
      %dma_wait3A_140 = tpu.memref_squeeze %dma_wait3A_139 : memref<1x320x16xf32, #tpu.memory_space<hbm>> -> memref<320x16xf32, #tpu.memory_space<hbm>>
      tpu.wait_dma2 semaphore(%run_scoped3A_128 : memref<!tpu.dma_semaphore, #tpu.memory_space<semaphore_mem>>) src(%dma_wait3A_140 : memref<320x16xf32, #tpu.memory_space<hbm>>) dst(%arg20 : memref<320x16xf32, #tpu.memory_space<vmem>>)
      tpu.yield
    }) : () -> ()
    %run_scoped3A_20 = arith.constant 0 : i32
    "tpu.region"() ({
      %run_scoped3A_128 = tpu.sem_alloc : memref<!tpu.dma_semaphore, #tpu.memory_space<semaphore_mem>>
      %dma_start3A_129 = arith.constant 0 : i32
      %dma_start3A_130 = tpu.memref_slice %arg3[%run_scoped3A_20, %add3A_17, %dma_start3A_129] : memref<2x10240x16xf32, #tpu.memory_space<hbm>> -> memref<1x320x16xf32, #tpu.memory_space<hbm>>
      %dma_start3A_131 = tpu.memref_squeeze %dma_start3A_130 : memref<1x320x16xf32, #tpu.memory_space<hbm>> -> memref<320x16xf32, #tpu.memory_space<hbm>>
      %dma_start3A_132 = arith.constant 0 : i32
      %dma_start3A_133 = tpu.memref_slice %arg3[%run_scoped3A_20, %add3A_17, %dma_start3A_132] : memref<2x10240x16xf32, #tpu.memory_space<hbm>> -> memref<1x320x16xf32, #tpu.memory_space<hbm>>
      %dma_start3A_134 = tpu.memref_squeeze %dma_start3A_133 : memref<1x320x16xf32, #tpu.memory_space<hbm>> -> memref<320x16xf32, #tpu.memory_space<hbm>>
      tpu.enqueue_dma source(%dma_start3A_134 : memref<320x16xf32, #tpu.memory_space<hbm>>) target(%arg21 : memref<320x16xf32, #tpu.memory_space<vmem>>) target_semaphore(%run_scoped3A_128 : memref<!tpu.dma_semaphore, #tpu.memory_space<semaphore_mem>>)
      %dma_wait3A_135 = arith.constant 0 : i32
      %dma_wait3A_136 = tpu.memref_slice %arg3[%run_scoped3A_20, %add3A_17, %dma_wait3A_135] : memref<2x10240x16xf32, #tpu.memory_space<hbm>> -> memref<1x320x16xf32, #tpu.memory_space<hbm>>
      %dma_wait3A_137 = tpu.memref_squeeze %dma_wait3A_136 : memref<1x320x16xf32, #tpu.memory_space<hbm>> -> memref<320x16xf32, #tpu.memory_space<hbm>>
      %dma_wait3A_138 = arith.constant 0 : i32
      %dma_wait3A_139 = tpu.memref_slice %arg3[%run_scoped3A_20, %add3A_17, %dma_wait3A_138] : memref<2x10240x16xf32, #tpu.memory_space<hbm>> -> memref<1x320x16xf32, #tpu.memory_space<hbm>>
      %dma_wait3A_140 = tpu.memref_squeeze %dma_wait3A_139 : memref<1x320x16xf32, #tpu.memory_space<hbm>> -> memref<320x16xf32, #tpu.memory_space<hbm>>
      tpu.wait_dma2 semaphore(%run_scoped3A_128 : memref<!tpu.dma_semaphore, #tpu.memory_space<semaphore_mem>>) src(%dma_wait3A_140 : memref<320x16xf32, #tpu.memory_space<hbm>>) dst(%arg21 : memref<320x16xf32, #tpu.memory_space<vmem>>)
      tpu.yield
    }) : () -> ()
    %run_scoped3A_21 = arith.constant 1 : i32
    "tpu.region"() ({
      %run_scoped3A_128 = tpu.sem_alloc : memref<!tpu.dma_semaphore, #tpu.memory_space<semaphore_mem>>
      %dma_start3A_129 = arith.constant 0 : i32
      %dma_start3A_130 = tpu.memref_slice %arg3[%run_scoped3A_21, %add3A_17, %dma_start3A_129] : memref<2x10240x16xf32, #tpu.memory_space<hbm>> -> memref<1x320x16xf32, #tpu.memory_space<hbm>>
      %dma_start3A_131 = tpu.memref_squeeze %dma_start3A_130 : memref<1x320x16xf32, #tpu.memory_space<hbm>> -> memref<320x16xf32, #tpu.memory_space<hbm>>
      %dma_start3A_132 = arith.constant 0 : i32
      %dma_start3A_133 = tpu.memref_slice %arg3[%run_scoped3A_21, %add3A_17, %dma_start3A_132] : memref<2x10240x16xf32, #tpu.memory_space<hbm>> -> memref<1x320x16xf32, #tpu.memory_space<hbm>>
      %dma_start3A_134 = tpu.memref_squeeze %dma_start3A_133 : memref<1x320x16xf32, #tpu.memory_space<hbm>> -> memref<320x16xf32, #tpu.memory_space<hbm>>
      tpu.enqueue_dma source(%dma_start3A_134 : memref<320x16xf32, #tpu.memory_space<hbm>>) target(%arg22 : memref<320x16xf32, #tpu.memory_space<vmem>>) target_semaphore(%run_scoped3A_128 : memref<!tpu.dma_semaphore, #tpu.memory_space<semaphore_mem>>)
      %dma_wait3A_135 = arith.constant 0 : i32
      %dma_wait3A_136 = tpu.memref_slice %arg3[%run_scoped3A_21, %add3A_17, %dma_wait3A_135] : memref<2x10240x16xf32, #tpu.memory_space<hbm>> -> memref<1x320x16xf32, #tpu.memory_space<hbm>>
      %dma_wait3A_137 = tpu.memref_squeeze %dma_wait3A_136 : memref<1x320x16xf32, #tpu.memory_space<hbm>> -> memref<320x16xf32, #tpu.memory_space<hbm>>
      %dma_wait3A_138 = arith.constant 0 : i32
      %dma_wait3A_139 = tpu.memref_slice %arg3[%run_scoped3A_21, %add3A_17, %dma_wait3A_138] : memref<2x10240x16xf32, #tpu.memory_space<hbm>> -> memref<1x320x16xf32, #tpu.memory_space<hbm>>
      %dma_wait3A_140 = tpu.memref_squeeze %dma_wait3A_139 : memref<1x320x16xf32, #tpu.memory_space<hbm>> -> memref<320x16xf32, #tpu.memory_space<hbm>>
      tpu.wait_dma2 semaphore(%run_scoped3A_128 : memref<!tpu.dma_semaphore, #tpu.memory_space<semaphore_mem>>) src(%dma_wait3A_140 : memref<320x16xf32, #tpu.memory_space<hbm>>) dst(%arg22 : memref<320x16xf32, #tpu.memory_space<vmem>>)
      tpu.yield
    }) : () -> ()
    "tpu.region"() ({
      %run_scoped3A_128 = tpu.sem_alloc : memref<!tpu.dma_semaphore, #tpu.memory_space<semaphore_mem>>
      %dma_start3A_129 = arith.constant 0 : i32
      %dma_start3A_130 = tpu.memref_slice %arg4[%add3A_17, %dma_start3A_129] : memref<10240x16xf32, #tpu.memory_space<hbm>> -> memref<320x16xf32, #tpu.memory_space<hbm>>
      %dma_start3A_131 = arith.constant 0 : i32
      %dma_start3A_132 = tpu.memref_slice %arg4[%add3A_17, %dma_start3A_131] : memref<10240x16xf32, #tpu.memory_space<hbm>> -> memref<320x16xf32, #tpu.memory_space<hbm>>
      tpu.enqueue_dma source(%dma_start3A_132 : memref<320x16xf32, #tpu.memory_space<hbm>>) target(%arg23 : memref<320x16xf32, #tpu.memory_space<vmem>>) target_semaphore(%run_scoped3A_128 : memref<!tpu.dma_semaphore, #tpu.memory_space<semaphore_mem>>)
      %dma_wait3A_133 = arith.constant 0 : i32
      %dma_wait3A_134 = tpu.memref_slice %arg4[%add3A_17, %dma_wait3A_133] : memref<10240x16xf32, #tpu.memory_space<hbm>> -> memref<320x16xf32, #tpu.memory_space<hbm>>
      %dma_wait3A_135 = arith.constant 0 : i32
      %dma_wait3A_136 = tpu.memref_slice %arg4[%add3A_17, %dma_wait3A_135] : memref<10240x16xf32, #tpu.memory_space<hbm>> -> memref<320x16xf32, #tpu.memory_space<hbm>>
      tpu.wait_dma2 semaphore(%run_scoped3A_128 : memref<!tpu.dma_semaphore, #tpu.memory_space<semaphore_mem>>) src(%dma_wait3A_136 : memref<320x16xf32, #tpu.memory_space<hbm>>) dst(%arg23 : memref<320x16xf32, #tpu.memory_space<vmem>>)
      tpu.yield
    }) : () -> ()
    %scan3A_22 = arith.constant 0 : i32
    %scan3A_23 = arith.constant 0 : i32
    %scan3A_24 = arith.constant 320 : i32
    %scan3A_25 = arith.addi %scan3A_23, %scan3A_24 : i32
    %scan3A_26 = arith.constant 1 : i32
    %scan3A_27 = scf.for %scan3A_128 = %scan3A_23 to %scan3A_25 step %scan3A_26 iter_args(%scan3A_129 = %scan3A_22) -> (i32)  : i32 {
      %get3A_130 = arith.index_cast %scan3A_128 : i32 to index
      %get3A_131 = arith.constant 0 : index
      %get3A_132 = tpu.vector_load %arg21[%get3A_130, %get3A_131] {strides = array<i32>} : memref<320x16xf32, #tpu.memory_space<vmem>>, vector<1x16xf32>,
      %get3A_133 = vector.shape_cast %get3A_132 : vector<1x16xf32> to vector<16xf32>
      %get3A_134 = arith.index_cast %scan3A_128 : i32 to index
      %get3A_135 = arith.constant 0 : index
      %get3A_136 = tpu.vector_load %arg22[%get3A_134, %get3A_135] {strides = array<i32>} : memref<320x16xf32, #tpu.memory_space<vmem>>, vector<1x16xf32>,
      %get3A_137 = vector.shape_cast %get3A_136 : vector<1x16xf32> to vector<16xf32>
      %add3A_138 = arith.addf %get3A_133, %get3A_137 : vector<16xf32>
      %max3A = arith.constant 1.000000e+00 : f32
      %max3A_139 = vector.broadcast %max3A : f32 to vector<16xf32>
      %max3A_140 = arith.maximumf %add3A_138, %max3A_139 : vector<16xf32>
      %get3A_141 = arith.index_cast %scan3A_128 : i32 to index
      %get3A_142 = arith.constant 0 : index
      %get3A_143 = tpu.vector_load %arg19[%get3A_141, %get3A_142] {strides = array<i32>} : memref<320x16xf32, #tpu.memory_space<vmem>>, vector<1x16xf32>,
      %get3A_144 = vector.shape_cast %get3A_143 : vector<1x16xf32> to vector<16xf32>
      %get3A_145 = arith.index_cast %scan3A_128 : i32 to index
      %get3A_146 = arith.constant 0 : index
      %get3A_147 = tpu.vector_load %arg20[%get3A_145, %get3A_146] {strides = array<i32>} : memref<320x16xf32, #tpu.memory_space<vmem>>, vector<1x16xf32>,
      %get3A_148 = vector.shape_cast %get3A_147 : vector<1x16xf32> to vector<16xf32>
      %add3A_149 = arith.addf %get3A_144, %get3A_148 : vector<16xf32>
      %div3A = arith.divf %add3A_149, %max3A_140 : vector<16xf32>
      %add3A_150 = arith.addf %div3A, %get3A_4 : vector<16xf32>
      %get3A_151 = arith.index_cast %scan3A_128 : i32 to index
      %get3A_152 = arith.constant 0 : index
      %get3A_153 = tpu.vector_load %arg23[%get3A_151, %get3A_152] {strides = array<i32>} : memref<320x16xf32, #tpu.memory_space<vmem>>, vector<1x16xf32>,
      %get3A_154 = vector.shape_cast %get3A_153 : vector<1x16xf32> to vector<16xf32>
      %add3A_155 = arith.addf %add3A_150, %get3A_154 : vector<16xf32>
      %mul3A_156 = arith.mulf %add3A_155, %add3A_155 : vector<16xf32>
      %iota3A = tpu.iota {dimensions = array<i32: 0>} : vector<16xi32>
      %xor3A = arith.constant 8 : i32
      %xor3A_157 = vector.broadcast %xor3A : i32 to vector<16xi32>
      %xor3A_158 = arith.xori %iota3A, %xor3A_157 : vector<16xi32>
      %broadcast_in_dim3A = vector.shape_cast %xor3A_158 : vector<16xi32> to vector<16x1xi32>
      %gather3A = vector.shape_cast %broadcast_in_dim3A : vector<16x1xi32> to vector<16xi32>
      %gather3A_159 = tpu.dynamic_gather %mul3A_156[%gather3A] in [0] : vector<16xf32>, vector<16xi32> -> vector<16xf32>
      %add3A_160 = arith.addf %mul3A_156, %gather3A_159 : vector<16xf32>
      %xor3A_161 = arith.constant 4 : i32
      %xor3A_162 = vector.broadcast %xor3A_161 : i32 to vector<16xi32>
      %xor3A_163 = arith.xori %iota3A, %xor3A_162 : vector<16xi32>
      %broadcast_in_dim3A_164 = vector.shape_cast %xor3A_163 : vector<16xi32> to vector<16x1xi32>
      %gather3A_165 = vector.shape_cast %broadcast_in_dim3A_164 : vector<16x1xi32> to vector<16xi32>
      %gather3A_166 = tpu.dynamic_gather %add3A_160[%gather3A_165] in [0] : vector<16xf32>, vector<16xi32> -> vector<16xf32>
      %add3A_167 = arith.addf %add3A_160, %gather3A_166 : vector<16xf32>
      %xor3A_168 = arith.constant 2 : i32
      %xor3A_169 = vector.broadcast %xor3A_168 : i32 to vector<16xi32>
      %xor3A_170 = arith.xori %iota3A, %xor3A_169 : vector<16xi32>
      %broadcast_in_dim3A_171 = vector.shape_cast %xor3A_170 : vector<16xi32> to vector<16x1xi32>
      %gather3A_172 = vector.shape_cast %broadcast_in_dim3A_171 : vector<16x1xi32> to vector<16xi32>
      %gather3A_173 = tpu.dynamic_gather %add3A_167[%gather3A_172] in [0] : vector<16xf32>, vector<16xi32> -> vector<16xf32>
      %add3A_174 = arith.addf %add3A_167, %gather3A_173 : vector<16xf32>
      %xor3A_175 = arith.constant 1 : i32
      %xor3A_176 = vector.broadcast %xor3A_175 : i32 to vector<16xi32>
      %xor3A_177 = arith.xori %iota3A, %xor3A_176 : vector<16xi32>
      %broadcast_in_dim3A_178 = vector.shape_cast %xor3A_177 : vector<16xi32> to vector<16x1xi32>
      %gather3A_179 = vector.shape_cast %broadcast_in_dim3A_178 : vector<16x1xi32> to vector<16xi32>
      %gather3A_180 = tpu.dynamic_gather %add3A_174[%gather3A_179] in [0] : vector<16xf32>, vector<16xi32> -> vector<16xf32>
      %add3A_181 = arith.addf %add3A_174, %gather3A_180 : vector<16xf32>
      %max3A_182 = arith.constant 1.000000e-24 : f32
      %max3A_183 = vector.broadcast %max3A_182 : f32 to vector<16xf32>
      %max3A_184 = arith.maximumf %add3A_181, %max3A_183 : vector<16xf32>
      %bitcast_convert_type3A = tpu.bitcast %max3A_184 : vector<16xf32> -> vector<16xi32>
      %shift_right_arithmetic3A = arith.constant 1 : i32
      %shift_right_arithmetic3A_185 = vector.broadcast %shift_right_arithmetic3A : i32 to vector<16xi32>
      %shift_right_arithmetic3A_186 = arith.shrsi %bitcast_convert_type3A, %shift_right_arithmetic3A_185 : vector<16xi32>
      %sub3A = arith.constant 1597463007 : i32
      %sub3A_187 = vector.broadcast %sub3A : i32 to vector<16xi32>
      %sub3A_188 = arith.subi %sub3A_187, %shift_right_arithmetic3A_186 : vector<16xi32>
      %bitcast_convert_type3A_189 = tpu.bitcast %sub3A_188 : vector<16xi32> -> vector<16xf32>
      %mul3A_190 = arith.constant 5.000000e-01 : f32
      %mul3A_191 = vector.broadcast %mul3A_190 : f32 to vector<16xf32>
      %mul3A_192 = arith.mulf %mul3A_191, %max3A_184 : vector<16xf32>
      %mul3A_193 = arith.mulf %mul3A_192, %bitcast_convert_type3A_189 : vector<16xf32>
      %mul3A_194 = arith.mulf %mul3A_193, %bitcast_convert_type3A_189 : vector<16xf32>
      %sub3A_195 = arith.constant 1.500000e+00 : f32
      %sub3A_196 = vector.broadcast %sub3A_195 : f32 to vector<16xf32>
      %sub3A_197 = arith.subf %sub3A_196, %mul3A_194 : vector<16xf32>
      %mul3A_198 = arith.mulf %bitcast_convert_type3A_189, %sub3A_197 : vector<16xf32>
      %mul3A_199 = arith.constant 5.000000e-01 : f32
      %mul3A_200 = vector.broadcast %mul3A_199 : f32 to vector<16xf32>
      %mul3A_201 = arith.mulf %mul3A_200, %max3A_184 : vector<16xf32>
      %mul3A_202 = arith.mulf %mul3A_201, %mul3A_198 : vector<16xf32>
      %mul3A_203 = arith.mulf %mul3A_202, %mul3A_198 : vector<16xf32>
      %sub3A_204 = arith.constant 1.500000e+00 : f32
      %sub3A_205 = vector.broadcast %sub3A_204 : f32 to vector<16xf32>
      %sub3A_206 = arith.subf %sub3A_205, %mul3A_203 : vector<16xf32>
      %mul3A_207 = arith.mulf %mul3A_198, %sub3A_206 : vector<16xf32>
      %mul3A_208 = arith.constant 5.000000e-01 : f32
      %mul3A_209 = vector.broadcast %mul3A_208 : f32 to vector<16xf32>
      %mul3A_210 = arith.mulf %mul3A_209, %max3A_184 : vector<16xf32>
      %mul3A_211 = arith.mulf %mul3A_210, %mul3A_207 : vector<16xf32>
      %mul3A_212 = arith.mulf %mul3A_211, %mul3A_207 : vector<16xf32>
      %sub3A_213 = arith.constant 1.500000e+00 : f32
      %sub3A_214 = vector.broadcast %sub3A_213 : f32 to vector<16xf32>
      %sub3A_215 = arith.subf %sub3A_214, %mul3A_212 : vector<16xf32>
      %mul3A_216 = arith.mulf %mul3A_207, %sub3A_215 : vector<16xf32>
      %mul3A_217 = arith.mulf %add3A_155, %mul3A_216 : vector<16xf32>
      %max3A_218 = arith.constant 0.000000e+00 : f32
      %max3A_219 = vector.broadcast %max3A_218 : f32 to vector<16xf32>
      %max3A_220 = arith.maximumf %mul3A_217, %max3A_219 : vector<16xf32>
      %swap3A = arith.index_cast %scan3A_128 : i32 to index
      %swap3A_221 = arith.constant 0 : index
      %swap3A_222 = tpu.vector_load %arg24[%swap3A, %swap3A_221] {strides = array<i32>} : memref<320x16xf32, #tpu.memory_space<vmem>>, vector<1x16xf32>,
      %swap3A_223 = vector.shape_cast %swap3A_222 : vector<1x16xf32> to vector<16xf32>
      %swap3A_224 = vector.shape_cast %max3A_220 : vector<16xf32> to vector<1x16xf32>
      tpu.vector_store %arg24[%swap3A, %swap3A_221], %swap3A_224 {strides = array<i32>} : memref<320x16xf32, #tpu.memory_space<vmem>>, vector<1x16xf32>,
      %scan3A_225 = arith.constant 0 : i32
      scf.yield %scan3A_225 : i32
    }
    %scan3A_28 = arith.constant 320 : i32
    "tpu.region"() ({
      %run_scoped3A_128 = tpu.sem_alloc : memref<!tpu.dma_semaphore, #tpu.memory_space<semaphore_mem>>
      %dma_start3A_129 = arith.constant 0 : i32
      %dma_start3A_130 = tpu.memref_slice %arg9[%arg0, %add3A_17, %dma_start3A_129] : memref<2x10240x16xf32, #tpu.memory_space<hbm>> -> memref<1x320x16xf32, #tpu.memory_space<hbm>>
      %dma_start3A_131 = tpu.memref_squeeze %dma_start3A_130 : memref<1x320x16xf32, #tpu.memory_space<hbm>> -> memref<320x16xf32, #tpu.memory_space<hbm>>
      %dma_start3A_132 = arith.constant 0 : i32
      %dma_start3A_133 = tpu.memref_slice %arg9[%arg0, %add3A_17, %dma_start3A_132] : memref<2x10240x16xf32, #tpu.memory_space<hbm>> -> memref<1x320x16xf32, #tpu.memory_space<hbm>>
      %dma_start3A_134 = tpu.memref_squeeze %dma_start3A_133 : memref<1x320x16xf32, #tpu.memory_space<hbm>> -> memref<320x16xf32, #tpu.memory_space<hbm>>
      tpu.enqueue_dma source(%arg24 : memref<320x16xf32, #tpu.memory_space<vmem>>) target(%dma_start3A_134 : memref<320x16xf32, #tpu.memory_space<hbm>>) target_semaphore(%run_scoped3A_128 : memref<!tpu.dma_semaphore, #tpu.memory_space<semaphore_mem>>)
      %dma_wait3A_135 = arith.constant 0 : i32
      %dma_wait3A_136 = tpu.memref_slice %arg9[%arg0, %add3A_17, %dma_wait3A_135] : memref<2x10240x16xf32, #tpu.memory_space<hbm>> -> memref<1x320x16xf32, #tpu.memory_space<hbm>>
      %dma_wait3A_137 = tpu.memref_squeeze %dma_wait3A_136 : memref<1x320x16xf32, #tpu.memory_space<hbm>> -> memref<320x16xf32, #tpu.memory_space<hbm>>
      %dma_wait3A_138 = arith.constant 0 : i32
      %dma_wait3A_139 = tpu.memref_slice %arg9[%arg0, %add3A_17, %dma_wait3A_138] : memref<2x10240x16xf32, #tpu.memory_space<hbm>> -> memref<1x320x16xf32, #tpu.memory_space<hbm>>
      %dma_wait3A_140 = tpu.memref_squeeze %dma_wait3A_139 : memref<1x320x16xf32, #tpu.memory_space<hbm>> -> memref<320x16xf32, #tpu.memory_space<hbm>>
      tpu.wait_dma2 semaphore(%run_scoped3A_128 : memref<!tpu.dma_semaphore, #tpu.memory_space<semaphore_mem>>) src(%arg24 : memref<320x16xf32, #tpu.memory_space<vmem>>) dst(%dma_wait3A_140 : memref<320x16xf32, #tpu.memory_space<hbm>>)
      tpu.yield
    }) : () -> ()
    %barrier3A = arith.constant 0 : index
    tpu.barrier barrier_id(%barrier3A)
    %mul3A_29 = arith.constant 10000 : i32
    %mul3A_30 = arith.muli %add3A, %mul3A_29 : i32
    %add3A_31 = arith.constant 0 : i32
    %add3A_32 = arith.addi %mul3A_30, %add3A_31 : i32
    %run_scoped3A_33 = arith.constant 0 : i32
    "tpu.region"() ({
      %run_scoped3A_128 = tpu.sem_alloc : memref<!tpu.dma_semaphore, #tpu.memory_space<semaphore_mem>>
      %dma_start3A_129 = tpu.memref_slice %arg6[%run_scoped3A_33, %add3A_32] : memref<2x320000xi32, #tpu.memory_space<hbm>> -> memref<1x2000xi32, #tpu.memory_space<hbm>>
      %dma_start3A_130 = tpu.memref_squeeze %dma_start3A_129 : memref<1x2000xi32, #tpu.memory_space<hbm>> -> memref<2000xi32, #tpu.memory_space<hbm>>
      %dma_start3A_131 = tpu.memref_slice %arg6[%run_scoped3A_33, %add3A_32] : memref<2x320000xi32, #tpu.memory_space<hbm>> -> memref<1x2000xi32, #tpu.memory_space<hbm>>
      %dma_start3A_132 = tpu.memref_squeeze %dma_start3A_131 : memref<1x2000xi32, #tpu.memory_space<hbm>> -> memref<2000xi32, #tpu.memory_space<hbm>>
      tpu.enqueue_dma source(%dma_start3A_132 : memref<2000xi32, #tpu.memory_space<hbm>>) target(%arg10 : memref<2000xi32, #tpu.memory_space<vmem>>) target_semaphore(%run_scoped3A_128 : memref<!tpu.dma_semaphore, #tpu.memory_space<semaphore_mem>>)
      %dma_wait3A_133 = tpu.memref_slice %arg6[%run_scoped3A_33, %add3A_32] : memref<2x320000xi32, #tpu.memory_space<hbm>> -> memref<1x2000xi32, #tpu.memory_space<hbm>>
      %dma_wait3A_134 = tpu.memref_squeeze %dma_wait3A_133 : memref<1x2000xi32, #tpu.memory_space<hbm>> -> memref<2000xi32, #tpu.memory_space<hbm>>
      %dma_wait3A_135 = tpu.memref_slice %arg6[%run_scoped3A_33, %add3A_32] : memref<2x320000xi32, #tpu.memory_space<hbm>> -> memref<1x2000xi32, #tpu.memory_space<hbm>>
      %dma_wait3A_136 = tpu.memref_squeeze %dma_wait3A_135 : memref<1x2000xi32, #tpu.memory_space<hbm>> -> memref<2000xi32, #tpu.memory_space<hbm>>
      tpu.wait_dma2 semaphore(%run_scoped3A_128 : memref<!tpu.dma_semaphore, #tpu.memory_space<semaphore_mem>>) src(%dma_wait3A_136 : memref<2000xi32, #tpu.memory_space<hbm>>) dst(%arg10 : memref<2000xi32, #tpu.memory_space<vmem>>)
      tpu.yield
    }) : () -> ()
    %run_scoped3A_34 = arith.constant 1 : i32
    "tpu.region"() ({
      %run_scoped3A_128 = tpu.sem_alloc : memref<!tpu.dma_semaphore, #tpu.memory_space<semaphore_mem>>
      %dma_start3A_129 = tpu.memref_slice %arg6[%run_scoped3A_34, %add3A_32] : memref<2x320000xi32, #tpu.memory_space<hbm>> -> memref<1x2000xi32, #tpu.memory_space<hbm>>
      %dma_start3A_130 = tpu.memref_squeeze %dma_start3A_129 : memref<1x2000xi32, #tpu.memory_space<hbm>> -> memref<2000xi32, #tpu.memory_space<hbm>>
      %dma_start3A_131 = tpu.memref_slice %arg6[%run_scoped3A_34, %add3A_32] : memref<2x320000xi32, #tpu.memory_space<hbm>> -> memref<1x2000xi32, #tpu.memory_space<hbm>>
      %dma_start3A_132 = tpu.memref_squeeze %dma_start3A_131 : memref<1x2000xi32, #tpu.memory_space<hbm>> -> memref<2000xi32, #tpu.memory_space<hbm>>
      tpu.enqueue_dma source(%dma_start3A_132 : memref<2000xi32, #tpu.memory_space<hbm>>) target(%arg12 : memref<2000xi32, #tpu.memory_space<vmem>>) target_semaphore(%run_scoped3A_128 : memref<!tpu.dma_semaphore, #tpu.memory_space<semaphore_mem>>)
      %dma_wait3A_133 = tpu.memref_slice %arg6[%run_scoped3A_34, %add3A_32] : memref<2x320000xi32, #tpu.memory_space<hbm>> -> memref<1x2000xi32, #tpu.memory_space<hbm>>
      %dma_wait3A_134 = tpu.memref_squeeze %dma_wait3A_133 : memref<1x2000xi32, #tpu.memory_space<hbm>> -> memref<2000xi32, #tpu.memory_space<hbm>>
      %dma_wait3A_135 = tpu.memref_slice %arg6[%run_scoped3A_34, %add3A_32] : memref<2x320000xi32, #tpu.memory_space<hbm>> -> memref<1x2000xi32, #tpu.memory_space<hbm>>
      %dma_wait3A_136 = tpu.memref_squeeze %dma_wait3A_135 : memref<1x2000xi32, #tpu.memory_space<hbm>> -> memref<2000xi32, #tpu.memory_space<hbm>>
      tpu.wait_dma2 semaphore(%run_scoped3A_128 : memref<!tpu.dma_semaphore, #tpu.memory_space<semaphore_mem>>) src(%dma_wait3A_136 : memref<2000xi32, #tpu.memory_space<hbm>>) dst(%arg12 : memref<2000xi32, #tpu.memory_space<vmem>>)
      tpu.yield
    }) : () -> ()
    %dma_start3A = arith.constant 0 : i32
    %dma_start3A_35 = arith.constant 0 : i32
    %dma_start3A_36 = tpu.memref_slice %arg9[%arg0, %dma_start3A, %dma_start3A_35] : memref<2x10240x16xf32, #tpu.memory_space<hbm>> -> memref<1x10240x16xf32, #tpu.memory_space<hbm>>
    %dma_start3A_37 = tpu.memref_squeeze %dma_start3A_36 : memref<1x10240x16xf32, #tpu.memory_space<hbm>> -> memref<10240x16xf32, #tpu.memory_space<hbm>>
    %dma_start3A_38 = arith.constant 0 : i32
    %dma_start3A_39 = arith.constant 0 : i32
    %dma_start3A_40 = tpu.memref_slice %dma_start3A_37[%dma_start3A_38, %dma_start3A_39] : memref<10240x16xf32, #tpu.memory_space<hbm>> -> memref<10240x16xf32, #tpu.memory_space<hbm>>
    tpu.enqueue_indirect_dma source(%dma_start3A_40 : memref<10240x16xf32, #tpu.memory_space<hbm>>) target(%arg14 : memref<2000x16xf32, #tpu.memory_space<vmem>>) offsets(%arg10 : memref<2000xi32, #tpu.memory_space<vmem>>) semaphore(%arg17 : memref<!tpu.dma_semaphore, #tpu.memory_space<semaphore_mem>>)
    %mul3A_41 = arith.constant 10000 : i32
    %mul3A_42 = arith.muli %add3A, %mul3A_41 : i32
    %add3A_43 = arith.constant 2000 : i32
    %add3A_44 = arith.addi %mul3A_42, %add3A_43 : i32
    %run_scoped3A_45 = arith.constant 0 : i32
    "tpu.region"() ({
      %run_scoped3A_128 = tpu.sem_alloc : memref<!tpu.dma_semaphore, #tpu.memory_space<semaphore_mem>>
      %dma_start3A_129 = tpu.memref_slice %arg6[%run_scoped3A_45, %add3A_44] : memref<2x320000xi32, #tpu.memory_space<hbm>> -> memref<1x2000xi32, #tpu.memory_space<hbm>>
      %dma_start3A_130 = tpu.memref_squeeze %dma_start3A_129 : memref<1x2000xi32, #tpu.memory_space<hbm>> -> memref<2000xi32, #tpu.memory_space<hbm>>
      %dma_start3A_131 = tpu.memref_slice %arg6[%run_scoped3A_45, %add3A_44] : memref<2x320000xi32, #tpu.memory_space<hbm>> -> memref<1x2000xi32, #tpu.memory_space<hbm>>
      %dma_start3A_132 = tpu.memref_squeeze %dma_start3A_131 : memref<1x2000xi32, #tpu.memory_space<hbm>> -> memref<2000xi32, #tpu.memory_space<hbm>>
      tpu.enqueue_dma source(%dma_start3A_132 : memref<2000xi32, #tpu.memory_space<hbm>>) target(%arg11 : memref<2000xi32, #tpu.memory_space<vmem>>) target_semaphore(%run_scoped3A_128 : memref<!tpu.dma_semaphore, #tpu.memory_space<semaphore_mem>>)
      %dma_wait3A_133 = tpu.memref_slice %arg6[%run_scoped3A_45, %add3A_44] : memref<2x320000xi32, #tpu.memory_space<hbm>> -> memref<1x2000xi32, #tpu.memory_space<hbm>>
      %dma_wait3A_134 = tpu.memref_squeeze %dma_wait3A_133 : memref<1x2000xi32, #tpu.memory_space<hbm>> -> memref<2000xi32, #tpu.memory_space<hbm>>
      %dma_wait3A_135 = tpu.memref_slice %arg6[%run_scoped3A_45, %add3A_44] : memref<2x320000xi32, #tpu.memory_space<hbm>> -> memref<1x2000xi32, #tpu.memory_space<hbm>>
      %dma_wait3A_136 = tpu.memref_squeeze %dma_wait3A_135 : memref<1x2000xi32, #tpu.memory_space<hbm>> -> memref<2000xi32, #tpu.memory_space<hbm>>
      tpu.wait_dma2 semaphore(%run_scoped3A_128 : memref<!tpu.dma_semaphore, #tpu.memory_space<semaphore_mem>>) src(%dma_wait3A_136 : memref<2000xi32, #tpu.memory_space<hbm>>) dst(%arg11 : memref<2000xi32, #tpu.memory_space<vmem>>)
      tpu.yield
    }) : () -> ()
    %run_scoped3A_46 = arith.constant 1 : i32
    "tpu.region"() ({
      %run_scoped3A_128 = tpu.sem_alloc : memref<!tpu.dma_semaphore, #tpu.memory_space<semaphore_mem>>
      %dma_start3A_129 = tpu.memref_slice %arg6[%run_scoped3A_46, %add3A_44] : memref<2x320000xi32, #tpu.memory_space<hbm>> -> memref<1x2000xi32, #tpu.memory_space<hbm>>
      %dma_start3A_130 = tpu.memref_squeeze %dma_start3A_129 : memref<1x2000xi32, #tpu.memory_space<hbm>> -> memref<2000xi32, #tpu.memory_space<hbm>>
      %dma_start3A_131 = tpu.memref_slice %arg6[%run_scoped3A_46, %add3A_44] : memref<2x320000xi32, #tpu.memory_space<hbm>> -> memref<1x2000xi32, #tpu.memory_space<hbm>>
      %dma_start3A_132 = tpu.memref_squeeze %dma_start3A_131 : memref<1x2000xi32, #tpu.memory_space<hbm>> -> memref<2000xi32, #tpu.memory_space<hbm>>
      tpu.enqueue_dma source(%dma_start3A_132 : memref<2000xi32, #tpu.memory_space<hbm>>) target(%arg13 : memref<2000xi32, #tpu.memory_space<vmem>>) target_semaphore(%run_scoped3A_128 : memref<!tpu.dma_semaphore, #tpu.memory_space<semaphore_mem>>)
      %dma_wait3A_133 = tpu.memref_slice %arg6[%run_scoped3A_46, %add3A_44] : memref<2x320000xi32, #tpu.memory_space<hbm>> -> memref<1x2000xi32, #tpu.memory_space<hbm>>
      %dma_wait3A_134 = tpu.memref_squeeze %dma_wait3A_133 : memref<1x2000xi32, #tpu.memory_space<hbm>> -> memref<2000xi32, #tpu.memory_space<hbm>>
      %dma_wait3A_135 = tpu.memref_slice %arg6[%run_scoped3A_46, %add3A_44] : memref<2x320000xi32, #tpu.memory_space<hbm>> -> memref<1x2000xi32, #tpu.memory_space<hbm>>
      %dma_wait3A_136 = tpu.memref_squeeze %dma_wait3A_135 : memref<1x2000xi32, #tpu.memory_space<hbm>> -> memref<2000xi32, #tpu.memory_space<hbm>>
      tpu.wait_dma2 semaphore(%run_scoped3A_128 : memref<!tpu.dma_semaphore, #tpu.memory_space<semaphore_mem>>) src(%dma_wait3A_136 : memref<2000xi32, #tpu.memory_space<hbm>>) dst(%arg13 : memref<2000xi32, #tpu.memory_space<vmem>>)
      tpu.yield
    }) : () -> ()
    %dma_start3A_47 = arith.constant 0 : i32
    %dma_start3A_48 = arith.constant 0 : i32
    %dma_start3A_49 = tpu.memref_slice %arg9[%arg0, %dma_start3A_47, %dma_start3A_48] : memref<2x10240x16xf32, #tpu.memory_space<hbm>> -> memref<1x10240x16xf32, #tpu.memory_space<hbm>>
    %dma_start3A_50 = tpu.memref_squeeze %dma_start3A_49 : memref<1x10240x16xf32, #tpu.memory_space<hbm>> -> memref<10240x16xf32, #tpu.memory_space<hbm>>
    %dma_start3A_51 = arith.constant 0 : i32
    %dma_start3A_52 = arith.constant 0 : i32
    %dma_start3A_53 = tpu.memref_slice %dma_start3A_50[%dma_start3A_51, %dma_start3A_52] : memref<10240x16xf32, #tpu.memory_space<hbm>> -> memref<10240x16xf32, #tpu.memory_space<hbm>>
    tpu.enqueue_indirect_dma source(%dma_start3A_53 : memref<10240x16xf32, #tpu.memory_space<hbm>>) target(%arg15 : memref<2000x16xf32, #tpu.memory_space<vmem>>) offsets(%arg11 : memref<2000xi32, #tpu.memory_space<vmem>>) semaphore(%arg18 : memref<!tpu.dma_semaphore, #tpu.memory_space<semaphore_mem>>)
    %dma_wait3A = arith.constant 0 : i32
    %dma_wait3A_54 = arith.constant 0 : i32
    %dma_wait3A_55 = tpu.memref_slice %arg9[%arg0, %dma_wait3A, %dma_wait3A_54] : memref<2x10240x16xf32, #tpu.memory_space<hbm>> -> memref<1x10240x16xf32, #tpu.memory_space<hbm>>
    %dma_wait3A_56 = tpu.memref_squeeze %dma_wait3A_55 : memref<1x10240x16xf32, #tpu.memory_space<hbm>> -> memref<10240x16xf32, #tpu.memory_space<hbm>>
    %dma_wait3A_57 = arith.constant 0 : i32
    %dma_wait3A_58 = arith.constant 0 : i32
    %dma_wait3A_59 = tpu.memref_slice %dma_wait3A_56[%dma_wait3A_57, %dma_wait3A_58] : memref<10240x16xf32, #tpu.memory_space<hbm>> -> memref<10240x16xf32, #tpu.memory_space<hbm>>
    tpu.wait_indirect_dma semaphore(%arg17 : memref<!tpu.dma_semaphore, #tpu.memory_space<semaphore_mem>>) src(%dma_wait3A_59 : memref<10240x16xf32, #tpu.memory_space<hbm>>) dst(%arg14 : memref<2000x16xf32, #tpu.memory_space<vmem>>)
    "tpu.region"() ({
      %run_scoped3A_128 = tpu.sem_alloc : memref<!tpu.dma_semaphore, #tpu.memory_space<semaphore_mem>>
      %dma_start3A_129 = arith.constant 0 : i32
      %dma_start3A_130 = arith.constant 0 : i32
      %dma_start3A_131 = tpu.memref_slice %arg16[%dma_start3A_129, %dma_start3A_130] : memref<10240x16xf32, #tpu.memory_space<vmem_shared>> -> memref<10240x16xf32, #tpu.memory_space<vmem_shared>>
      tpu.enqueue_indirect_dma source(%arg14 : memref<2000x16xf32, #tpu.memory_space<vmem>>) target(%dma_start3A_131 : memref<10240x16xf32, #tpu.memory_space<vmem_shared>>) offsets(%arg12 : memref<2000xi32, #tpu.memory_space<vmem>>) semaphore(%run_scoped3A_128 : memref<!tpu.dma_semaphore, #tpu.memory_space<semaphore_mem>>) {add = true}
      %dma_wait3A_132 = arith.constant 0 : i32
      %dma_wait3A_133 = arith.constant 0 : i32
      %dma_wait3A_134 = tpu.memref_slice %arg16[%dma_wait3A_132, %dma_wait3A_133] : memref<10240x16xf32, #tpu.memory_space<vmem_shared>> -> memref<10240x16xf32, #tpu.memory_space<vmem_shared>>
      tpu.wait_indirect_dma semaphore(%run_scoped3A_128 : memref<!tpu.dma_semaphore, #tpu.memory_space<semaphore_mem>>) src(%arg14 : memref<2000x16xf32, #tpu.memory_space<vmem>>) dst(%dma_wait3A_134 : memref<10240x16xf32, #tpu.memory_space<vmem_shared>>)
      tpu.yield
    }) : () -> ()
    %mul3A_60 = arith.constant 10000 : i32
    %mul3A_61 = arith.muli %add3A, %mul3A_60 : i32
    %add3A_62 = arith.constant 4000 : i32
    %add3A_63 = arith.addi %mul3A_61, %add3A_62 : i32
    %run_scoped3A_64 = arith.constant 0 : i32
    "tpu.region"() ({
      %run_scoped3A_128 = tpu.sem_alloc : memref<!tpu.dma_semaphore, #tpu.memory_space<semaphore_mem>>
      %dma_start3A_129 = tpu.memref_slice %arg6[%run_scoped3A_64, %add3A_63] : memref<2x320000xi32, #tpu.memory_space<hbm>> -> memref<1x2000xi32, #tpu.memory_space<hbm>>
      %dma_start3A_130 = tpu.memref_squeeze %dma_start3A_129 : memref<1x2000xi32, #tpu.memory_space<hbm>> -> memref<2000xi32, #tpu.memory_space<hbm>>
      %dma_start3A_131 = tpu.memref_slice %arg6[%run_scoped3A_64, %add3A_63] : memref<2x320000xi32, #tpu.memory_space<hbm>> -> memref<1x2000xi32, #tpu.memory_space<hbm>>
      %dma_start3A_132 = tpu.memref_squeeze %dma_start3A_131 : memref<1x2000xi32, #tpu.memory_space<hbm>> -> memref<2000xi32, #tpu.memory_space<hbm>>
      tpu.enqueue_dma source(%dma_start3A_132 : memref<2000xi32, #tpu.memory_space<hbm>>) target(%arg10 : memref<2000xi32, #tpu.memory_space<vmem>>) target_semaphore(%run_scoped3A_128 : memref<!tpu.dma_semaphore, #tpu.memory_space<semaphore_mem>>)
      %dma_wait3A_133 = tpu.memref_slice %arg6[%run_scoped3A_64, %add3A_63] : memref<2x320000xi32, #tpu.memory_space<hbm>> -> memref<1x2000xi32, #tpu.memory_space<hbm>>
      %dma_wait3A_134 = tpu.memref_squeeze %dma_wait3A_133 : memref<1x2000xi32, #tpu.memory_space<hbm>> -> memref<2000xi32, #tpu.memory_space<hbm>>
      %dma_wait3A_135 = tpu.memref_slice %arg6[%run_scoped3A_64, %add3A_63] : memref<2x320000xi32, #tpu.memory_space<hbm>> -> memref<1x2000xi32, #tpu.memory_space<hbm>>
      %dma_wait3A_136 = tpu.memref_squeeze %dma_wait3A_135 : memref<1x2000xi32, #tpu.memory_space<hbm>> -> memref<2000xi32, #tpu.memory_space<hbm>>
      tpu.wait_dma2 semaphore(%run_scoped3A_128 : memref<!tpu.dma_semaphore, #tpu.memory_space<semaphore_mem>>) src(%dma_wait3A_136 : memref<2000xi32, #tpu.memory_space<hbm>>) dst(%arg10 : memref<2000xi32, #tpu.memory_space<vmem>>)
      tpu.yield
    }) : () -> ()
    %run_scoped3A_65 = arith.constant 1 : i32
    "tpu.region"() ({
      %run_scoped3A_128 = tpu.sem_alloc : memref<!tpu.dma_semaphore, #tpu.memory_space<semaphore_mem>>
      %dma_start3A_129 = tpu.memref_slice %arg6[%run_scoped3A_65, %add3A_63] : memref<2x320000xi32, #tpu.memory_space<hbm>> -> memref<1x2000xi32, #tpu.memory_space<hbm>>
      %dma_start3A_130 = tpu.memref_squeeze %dma_start3A_129 : memref<1x2000xi32, #tpu.memory_space<hbm>> -> memref<2000xi32, #tpu.memory_space<hbm>>
      %dma_start3A_131 = tpu.memref_slice %arg6[%run_scoped3A_65, %add3A_63] : memref<2x320000xi32, #tpu.memory_space<hbm>> -> memref<1x2000xi32, #tpu.memory_space<hbm>>
      %dma_start3A_132 = tpu.memref_squeeze %dma_start3A_131 : memref<1x2000xi32, #tpu.memory_space<hbm>> -> memref<2000xi32, #tpu.memory_space<hbm>>
      tpu.enqueue_dma source(%dma_start3A_132 : memref<2000xi32, #tpu.memory_space<hbm>>) target(%arg12 : memref<2000xi32, #tpu.memory_space<vmem>>) target_semaphore(%run_scoped3A_128 : memref<!tpu.dma_semaphore, #tpu.memory_space<semaphore_mem>>)
      %dma_wait3A_133 = tpu.memref_slice %arg6[%run_scoped3A_65, %add3A_63] : memref<2x320000xi32, #tpu.memory_space<hbm>> -> memref<1x2000xi32, #tpu.memory_space<hbm>>
      %dma_wait3A_134 = tpu.memref_squeeze %dma_wait3A_133 : memref<1x2000xi32, #tpu.memory_space<hbm>> -> memref<2000xi32, #tpu.memory_space<hbm>>
      %dma_wait3A_135 = tpu.memref_slice %arg6[%run_scoped3A_65, %add3A_63] : memref<2x320000xi32, #tpu.memory_space<hbm>> -> memref<1x2000xi32, #tpu.memory_space<hbm>>
      %dma_wait3A_136 = tpu.memref_squeeze %dma_wait3A_135 : memref<1x2000xi32, #tpu.memory_space<hbm>> -> memref<2000xi32, #tpu.memory_space<hbm>>
      tpu.wait_dma2 semaphore(%run_scoped3A_128 : memref<!tpu.dma_semaphore, #tpu.memory_space<semaphore_mem>>) src(%dma_wait3A_136 : memref<2000xi32, #tpu.memory_space<hbm>>) dst(%arg12 : memref<2000xi32, #tpu.memory_space<vmem>>)
      tpu.yield
    }) : () -> ()
    %dma_start3A_66 = arith.constant 0 : i32
    %dma_start3A_67 = arith.constant 0 : i32
    %dma_start3A_68 = tpu.memref_slice %arg9[%arg0, %dma_start3A_66, %dma_start3A_67] : memref<2x10240x16xf32, #tpu.memory_space<hbm>> -> memref<1x10240x16xf32, #tpu.memory_space<hbm>>
    %dma_start3A_69 = tpu.memref_squeeze %dma_start3A_68 : memref<1x10240x16xf32, #tpu.memory_space<hbm>> -> memref<10240x16xf32, #tpu.memory_space<hbm>>
    %dma_start3A_70 = arith.constant 0 : i32
    %dma_start3A_71 = arith.constant 0 : i32
    %dma_start3A_72 = tpu.memref_slice %dma_start3A_69[%dma_start3A_70, %dma_start3A_71] : memref<10240x16xf32, #tpu.memory_space<hbm>> -> memref<10240x16xf32, #tpu.memory_space<hbm>>
    tpu.enqueue_indirect_dma source(%dma_start3A_72 : memref<10240x16xf32, #tpu.memory_space<hbm>>) target(%arg14 : memref<2000x16xf32, #tpu.memory_space<vmem>>) offsets(%arg10 : memref<2000xi32, #tpu.memory_space<vmem>>) semaphore(%arg17 : memref<!tpu.dma_semaphore, #tpu.memory_space<semaphore_mem>>)
    %dma_wait3A_73 = arith.constant 0 : i32
    %dma_wait3A_74 = arith.constant 0 : i32
    %dma_wait3A_75 = tpu.memref_slice %arg9[%arg0, %dma_wait3A_73, %dma_wait3A_74] : memref<2x10240x16xf32, #tpu.memory_space<hbm>> -> memref<1x10240x16xf32, #tpu.memory_space<hbm>>
    %dma_wait3A_76 = tpu.memref_squeeze %dma_wait3A_75 : memref<1x10240x16xf32, #tpu.memory_space<hbm>> -> memref<10240x16xf32, #tpu.memory_space<hbm>>
    %dma_wait3A_77 = arith.constant 0 : i32
    %dma_wait3A_78 = arith.constant 0 : i32
    %dma_wait3A_79 = tpu.memref_slice %dma_wait3A_76[%dma_wait3A_77, %dma_wait3A_78] : memref<10240x16xf32, #tpu.memory_space<hbm>> -> memref<10240x16xf32, #tpu.memory_space<hbm>>
    tpu.wait_indirect_dma semaphore(%arg18 : memref<!tpu.dma_semaphore, #tpu.memory_space<semaphore_mem>>) src(%dma_wait3A_79 : memref<10240x16xf32, #tpu.memory_space<hbm>>) dst(%arg15 : memref<2000x16xf32, #tpu.memory_space<vmem>>)
    "tpu.region"() ({
      %run_scoped3A_128 = tpu.sem_alloc : memref<!tpu.dma_semaphore, #tpu.memory_space<semaphore_mem>>
      %dma_start3A_129 = arith.constant 0 : i32
      %dma_start3A_130 = arith.constant 0 : i32
      %dma_start3A_131 = tpu.memref_slice %arg16[%dma_start3A_129, %dma_start3A_130] : memref<10240x16xf32, #tpu.memory_space<vmem_shared>> -> memref<10240x16xf32, #tpu.memory_space<vmem_shared>>
      tpu.enqueue_indirect_dma source(%arg15 : memref<2000x16xf32, #tpu.memory_space<vmem>>) target(%dma_start3A_131 : memref<10240x16xf32, #tpu.memory_space<vmem_shared>>) offsets(%arg13 : memref<2000xi32, #tpu.memory_space<vmem>>) semaphore(%run_scoped3A_128 : memref<!tpu.dma_semaphore, #tpu.memory_space<semaphore_mem>>) {add = true}
      %dma_wait3A_132 = arith.constant 0 : i32
      %dma_wait3A_133 = arith.constant 0 : i32
      %dma_wait3A_134 = tpu.memref_slice %arg16[%dma_wait3A_132, %dma_wait3A_133] : memref<10240x16xf32, #tpu.memory_space<vmem_shared>> -> memref<10240x16xf32, #tpu.memory_space<vmem_shared>>
      tpu.wait_indirect_dma semaphore(%run_scoped3A_128 : memref<!tpu.dma_semaphore, #tpu.memory_space<semaphore_mem>>) src(%arg15 : memref<2000x16xf32, #tpu.memory_space<vmem>>) dst(%dma_wait3A_134 : memref<10240x16xf32, #tpu.memory_space<vmem_shared>>)
      tpu.yield
    }) : () -> ()
    %mul3A_80 = arith.constant 10000 : i32
    %mul3A_81 = arith.muli %add3A, %mul3A_80 : i32
    %add3A_82 = arith.constant 6000 : i32
    %add3A_83 = arith.addi %mul3A_81, %add3A_82 : i32
    %run_scoped3A_84 = arith.constant 0 : i32
    "tpu.region"() ({
      %run_scoped3A_128 = tpu.sem_alloc : memref<!tpu.dma_semaphore, #tpu.memory_space<semaphore_mem>>
      %dma_start3A_129 = tpu.memref_slice %arg6[%run_scoped3A_84, %add3A_83] : memref<2x320000xi32, #tpu.memory_space<hbm>> -> memref<1x2000xi32, #tpu.memory_space<hbm>>
      %dma_start3A_130 = tpu.memref_squeeze %dma_start3A_129 : memref<1x2000xi32, #tpu.memory_space<hbm>> -> memref<2000xi32, #tpu.memory_space<hbm>>
      %dma_start3A_131 = tpu.memref_slice %arg6[%run_scoped3A_84, %add3A_83] : memref<2x320000xi32, #tpu.memory_space<hbm>> -> memref<1x2000xi32, #tpu.memory_space<hbm>>
      %dma_start3A_132 = tpu.memref_squeeze %dma_start3A_131 : memref<1x2000xi32, #tpu.memory_space<hbm>> -> memref<2000xi32, #tpu.memory_space<hbm>>
      tpu.enqueue_dma source(%dma_start3A_132 : memref<2000xi32, #tpu.memory_space<hbm>>) target(%arg11 : memref<2000xi32, #tpu.memory_space<vmem>>) target_semaphore(%run_scoped3A_128 : memref<!tpu.dma_semaphore, #tpu.memory_space<semaphore_mem>>)
      %dma_wait3A_133 = tpu.memref_slice %arg6[%run_scoped3A_84, %add3A_83] : memref<2x320000xi32, #tpu.memory_space<hbm>> -> memref<1x2000xi32, #tpu.memory_space<hbm>>
      %dma_wait3A_134 = tpu.memref_squeeze %dma_wait3A_133 : memref<1x2000xi32, #tpu.memory_space<hbm>> -> memref<2000xi32, #tpu.memory_space<hbm>>
      %dma_wait3A_135 = tpu.memref_slice %arg6[%run_scoped3A_84, %add3A_83] : memref<2x320000xi32, #tpu.memory_space<hbm>> -> memref<1x2000xi32, #tpu.memory_space<hbm>>
      %dma_wait3A_136 = tpu.memref_squeeze %dma_wait3A_135 : memref<1x2000xi32, #tpu.memory_space<hbm>> -> memref<2000xi32, #tpu.memory_space<hbm>>
      tpu.wait_dma2 semaphore(%run_scoped3A_128 : memref<!tpu.dma_semaphore, #tpu.memory_space<semaphore_mem>>) src(%dma_wait3A_136 : memref<2000xi32, #tpu.memory_space<hbm>>) dst(%arg11 : memref<2000xi32, #tpu.memory_space<vmem>>)
      tpu.yield
    }) : () -> ()
    %run_scoped3A_85 = arith.constant 1 : i32
    "tpu.region"() ({
      %run_scoped3A_128 = tpu.sem_alloc : memref<!tpu.dma_semaphore, #tpu.memory_space<semaphore_mem>>
      %dma_start3A_129 = tpu.memref_slice %arg6[%run_scoped3A_85, %add3A_83] : memref<2x320000xi32, #tpu.memory_space<hbm>> -> memref<1x2000xi32, #tpu.memory_space<hbm>>
      %dma_start3A_130 = tpu.memref_squeeze %dma_start3A_129 : memref<1x2000xi32, #tpu.memory_space<hbm>> -> memref<2000xi32, #tpu.memory_space<hbm>>
      %dma_start3A_131 = tpu.memref_slice %arg6[%run_scoped3A_85, %add3A_83] : memref<2x320000xi32, #tpu.memory_space<hbm>> -> memref<1x2000xi32, #tpu.memory_space<hbm>>
      %dma_start3A_132 = tpu.memref_squeeze %dma_start3A_131 : memref<1x2000xi32, #tpu.memory_space<hbm>> -> memref<2000xi32, #tpu.memory_space<hbm>>
      tpu.enqueue_dma source(%dma_start3A_132 : memref<2000xi32, #tpu.memory_space<hbm>>) target(%arg13 : memref<2000xi32, #tpu.memory_space<vmem>>) target_semaphore(%run_scoped3A_128 : memref<!tpu.dma_semaphore, #tpu.memory_space<semaphore_mem>>)
      %dma_wait3A_133 = tpu.memref_slice %arg6[%run_scoped3A_85, %add3A_83] : memref<2x320000xi32, #tpu.memory_space<hbm>> -> memref<1x2000xi32, #tpu.memory_space<hbm>>
      %dma_wait3A_134 = tpu.memref_squeeze %dma_wait3A_133 : memref<1x2000xi32, #tpu.memory_space<hbm>> -> memref<2000xi32, #tpu.memory_space<hbm>>
      %dma_wait3A_135 = tpu.memref_slice %arg6[%run_scoped3A_85, %add3A_83] : memref<2x320000xi32, #tpu.memory_space<hbm>> -> memref<1x2000xi32, #tpu.memory_space<hbm>>
      %dma_wait3A_136 = tpu.memref_squeeze %dma_wait3A_135 : memref<1x2000xi32, #tpu.memory_space<hbm>> -> memref<2000xi32, #tpu.memory_space<hbm>>
      tpu.wait_dma2 semaphore(%run_scoped3A_128 : memref<!tpu.dma_semaphore, #tpu.memory_space<semaphore_mem>>) src(%dma_wait3A_136 : memref<2000xi32, #tpu.memory_space<hbm>>) dst(%arg13 : memref<2000xi32, #tpu.memory_space<vmem>>)
      tpu.yield
    }) : () -> ()
    %dma_start3A_86 = arith.constant 0 : i32
    %dma_start3A_87 = arith.constant 0 : i32
    %dma_start3A_88 = tpu.memref_slice %arg9[%arg0, %dma_start3A_86, %dma_start3A_87] : memref<2x10240x16xf32, #tpu.memory_space<hbm>> -> memref<1x10240x16xf32, #tpu.memory_space<hbm>>
    %dma_start3A_89 = tpu.memref_squeeze %dma_start3A_88 : memref<1x10240x16xf32, #tpu.memory_space<hbm>> -> memref<10240x16xf32, #tpu.memory_space<hbm>>
    %dma_start3A_90 = arith.constant 0 : i32
    %dma_start3A_91 = arith.constant 0 : i32
    %dma_start3A_92 = tpu.memref_slice %dma_start3A_89[%dma_start3A_90, %dma_start3A_91] : memref<10240x16xf32, #tpu.memory_space<hbm>> -> memref<10240x16xf32, #tpu.memory_space<hbm>>
    tpu.enqueue_indirect_dma source(%dma_start3A_92 : memref<10240x16xf32, #tpu.memory_space<hbm>>) target(%arg15 : memref<2000x16xf32, #tpu.memory_space<vmem>>) offsets(%arg11 : memref<2000xi32, #tpu.memory_space<vmem>>) semaphore(%arg18 : memref<!tpu.dma_semaphore, #tpu.memory_space<semaphore_mem>>)
    %dma_wait3A_93 = arith.constant 0 : i32
    %dma_wait3A_94 = arith.constant 0 : i32
    %dma_wait3A_95 = tpu.memref_slice %arg9[%arg0, %dma_wait3A_93, %dma_wait3A_94] : memref<2x10240x16xf32, #tpu.memory_space<hbm>> -> memref<1x10240x16xf32, #tpu.memory_space<hbm>>
    %dma_wait3A_96 = tpu.memref_squeeze %dma_wait3A_95 : memref<1x10240x16xf32, #tpu.memory_space<hbm>> -> memref<10240x16xf32, #tpu.memory_space<hbm>>
    %dma_wait3A_97 = arith.constant 0 : i32
    %dma_wait3A_98 = arith.constant 0 : i32
    %dma_wait3A_99 = tpu.memref_slice %dma_wait3A_96[%dma_wait3A_97, %dma_wait3A_98] : memref<10240x16xf32, #tpu.memory_space<hbm>> -> memref<10240x16xf32, #tpu.memory_space<hbm>>
    tpu.wait_indirect_dma semaphore(%arg17 : memref<!tpu.dma_semaphore, #tpu.memory_space<semaphore_mem>>) src(%dma_wait3A_99 : memref<10240x16xf32, #tpu.memory_space<hbm>>) dst(%arg14 : memref<2000x16xf32, #tpu.memory_space<vmem>>)
    "tpu.region"() ({
      %run_scoped3A_128 = tpu.sem_alloc : memref<!tpu.dma_semaphore, #tpu.memory_space<semaphore_mem>>
      %dma_start3A_129 = arith.constant 0 : i32
      %dma_start3A_130 = arith.constant 0 : i32
      %dma_start3A_131 = tpu.memref_slice %arg16[%dma_start3A_129, %dma_start3A_130] : memref<10240x16xf32, #tpu.memory_space<vmem_shared>> -> memref<10240x16xf32, #tpu.memory_space<vmem_shared>>
      tpu.enqueue_indirect_dma source(%arg14 : memref<2000x16xf32, #tpu.memory_space<vmem>>) target(%dma_start3A_131 : memref<10240x16xf32, #tpu.memory_space<vmem_shared>>) offsets(%arg12 : memref<2000xi32, #tpu.memory_space<vmem>>) semaphore(%run_scoped3A_128 : memref<!tpu.dma_semaphore, #tpu.memory_space<semaphore_mem>>) {add = true}
      %dma_wait3A_132 = arith.constant 0 : i32
      %dma_wait3A_133 = arith.constant 0 : i32
      %dma_wait3A_134 = tpu.memref_slice %arg16[%dma_wait3A_132, %dma_wait3A_133] : memref<10240x16xf32, #tpu.memory_space<vmem_shared>> -> memref<10240x16xf32, #tpu.memory_space<vmem_shared>>
      tpu.wait_indirect_dma semaphore(%run_scoped3A_128 : memref<!tpu.dma_semaphore, #tpu.memory_space<semaphore_mem>>) src(%arg14 : memref<2000x16xf32, #tpu.memory_space<vmem>>) dst(%dma_wait3A_134 : memref<10240x16xf32, #tpu.memory_space<vmem_shared>>)
      tpu.yield
    }) : () -> ()
    %mul3A_100 = arith.constant 10000 : i32
    %mul3A_101 = arith.muli %add3A, %mul3A_100 : i32
    %add3A_102 = arith.constant 8000 : i32
    %add3A_103 = arith.addi %mul3A_101, %add3A_102 : i32
    %run_scoped3A_104 = arith.constant 0 : i32
    "tpu.region"() ({
      %run_scoped3A_128 = tpu.sem_alloc : memref<!tpu.dma_semaphore, #tpu.memory_space<semaphore_mem>>
      %dma_start3A_129 = tpu.memref_slice %arg6[%run_scoped3A_104, %add3A_103] : memref<2x320000xi32, #tpu.memory_space<hbm>> -> memref<1x2000xi32, #tpu.memory_space<hbm>>
      %dma_start3A_130 = tpu.memref_squeeze %dma_start3A_129 : memref<1x2000xi32, #tpu.memory_space<hbm>> -> memref<2000xi32, #tpu.memory_space<hbm>>
      %dma_start3A_131 = tpu.memref_slice %arg6[%run_scoped3A_104, %add3A_103] : memref<2x320000xi32, #tpu.memory_space<hbm>> -> memref<1x2000xi32, #tpu.memory_space<hbm>>
      %dma_start3A_132 = tpu.memref_squeeze %dma_start3A_131 : memref<1x2000xi32, #tpu.memory_space<hbm>> -> memref<2000xi32, #tpu.memory_space<hbm>>
      tpu.enqueue_dma source(%dma_start3A_132 : memref<2000xi32, #tpu.memory_space<hbm>>) target(%arg10 : memref<2000xi32, #tpu.memory_space<vmem>>) target_semaphore(%run_scoped3A_128 : memref<!tpu.dma_semaphore, #tpu.memory_space<semaphore_mem>>)
      %dma_wait3A_133 = tpu.memref_slice %arg6[%run_scoped3A_104, %add3A_103] : memref<2x320000xi32, #tpu.memory_space<hbm>> -> memref<1x2000xi32, #tpu.memory_space<hbm>>
      %dma_wait3A_134 = tpu.memref_squeeze %dma_wait3A_133 : memref<1x2000xi32, #tpu.memory_space<hbm>> -> memref<2000xi32, #tpu.memory_space<hbm>>
      %dma_wait3A_135 = tpu.memref_slice %arg6[%run_scoped3A_104, %add3A_103] : memref<2x320000xi32, #tpu.memory_space<hbm>> -> memref<1x2000xi32, #tpu.memory_space<hbm>>
      %dma_wait3A_136 = tpu.memref_squeeze %dma_wait3A_135 : memref<1x2000xi32, #tpu.memory_space<hbm>> -> memref<2000xi32, #tpu.memory_space<hbm>>
      tpu.wait_dma2 semaphore(%run_scoped3A_128 : memref<!tpu.dma_semaphore, #tpu.memory_space<semaphore_mem>>) src(%dma_wait3A_136 : memref<2000xi32, #tpu.memory_space<hbm>>) dst(%arg10 : memref<2000xi32, #tpu.memory_space<vmem>>)
      tpu.yield
    }) : () -> ()
    %run_scoped3A_105 = arith.constant 1 : i32
    "tpu.region"() ({
      %run_scoped3A_128 = tpu.sem_alloc : memref<!tpu.dma_semaphore, #tpu.memory_space<semaphore_mem>>
      %dma_start3A_129 = tpu.memref_slice %arg6[%run_scoped3A_105, %add3A_103] : memref<2x320000xi32, #tpu.memory_space<hbm>> -> memref<1x2000xi32, #tpu.memory_space<hbm>>
      %dma_start3A_130 = tpu.memref_squeeze %dma_start3A_129 : memref<1x2000xi32, #tpu.memory_space<hbm>> -> memref<2000xi32, #tpu.memory_space<hbm>>
      %dma_start3A_131 = tpu.memref_slice %arg6[%run_scoped3A_105, %add3A_103] : memref<2x320000xi32, #tpu.memory_space<hbm>> -> memref<1x2000xi32, #tpu.memory_space<hbm>>
      %dma_start3A_132 = tpu.memref_squeeze %dma_start3A_131 : memref<1x2000xi32, #tpu.memory_space<hbm>> -> memref<2000xi32, #tpu.memory_space<hbm>>
      tpu.enqueue_dma source(%dma_start3A_132 : memref<2000xi32, #tpu.memory_space<hbm>>) target(%arg12 : memref<2000xi32, #tpu.memory_space<vmem>>) target_semaphore(%run_scoped3A_128 : memref<!tpu.dma_semaphore, #tpu.memory_space<semaphore_mem>>)
      %dma_wait3A_133 = tpu.memref_slice %arg6[%run_scoped3A_105, %add3A_103] : memref<2x320000xi32, #tpu.memory_space<hbm>> -> memref<1x2000xi32, #tpu.memory_space<hbm>>
      %dma_wait3A_134 = tpu.memref_squeeze %dma_wait3A_133 : memref<1x2000xi32, #tpu.memory_space<hbm>> -> memref<2000xi32, #tpu.memory_space<hbm>>
      %dma_wait3A_135 = tpu.memref_slice %arg6[%run_scoped3A_105, %add3A_103] : memref<2x320000xi32, #tpu.memory_space<hbm>> -> memref<1x2000xi32, #tpu.memory_space<hbm>>
      %dma_wait3A_136 = tpu.memref_squeeze %dma_wait3A_135 : memref<1x2000xi32, #tpu.memory_space<hbm>> -> memref<2000xi32, #tpu.memory_space<hbm>>
      tpu.wait_dma2 semaphore(%run_scoped3A_128 : memref<!tpu.dma_semaphore, #tpu.memory_space<semaphore_mem>>) src(%dma_wait3A_136 : memref<2000xi32, #tpu.memory_space<hbm>>) dst(%arg12 : memref<2000xi32, #tpu.memory_space<vmem>>)
      tpu.yield
    }) : () -> ()
    %dma_start3A_106 = arith.constant 0 : i32
    %dma_start3A_107 = arith.constant 0 : i32
    %dma_start3A_108 = tpu.memref_slice %arg9[%arg0, %dma_start3A_106, %dma_start3A_107] : memref<2x10240x16xf32, #tpu.memory_space<hbm>> -> memref<1x10240x16xf32, #tpu.memory_space<hbm>>
    %dma_start3A_109 = tpu.memref_squeeze %dma_start3A_108 : memref<1x10240x16xf32, #tpu.memory_space<hbm>> -> memref<10240x16xf32, #tpu.memory_space<hbm>>
    %dma_start3A_110 = arith.constant 0 : i32
    %dma_start3A_111 = arith.constant 0 : i32
    %dma_start3A_112 = tpu.memref_slice %dma_start3A_109[%dma_start3A_110, %dma_start3A_111] : memref<10240x16xf32, #tpu.memory_space<hbm>> -> memref<10240x16xf32, #tpu.memory_space<hbm>>
    tpu.enqueue_indirect_dma source(%dma_start3A_112 : memref<10240x16xf32, #tpu.memory_space<hbm>>) target(%arg14 : memref<2000x16xf32, #tpu.memory_space<vmem>>) offsets(%arg10 : memref<2000xi32, #tpu.memory_space<vmem>>) semaphore(%arg17 : memref<!tpu.dma_semaphore, #tpu.memory_space<semaphore_mem>>)
    %dma_wait3A_113 = arith.constant 0 : i32
    %dma_wait3A_114 = arith.constant 0 : i32
    %dma_wait3A_115 = tpu.memref_slice %arg9[%arg0, %dma_wait3A_113, %dma_wait3A_114] : memref<2x10240x16xf32, #tpu.memory_space<hbm>> -> memref<1x10240x16xf32, #tpu.memory_space<hbm>>
    %dma_wait3A_116 = tpu.memref_squeeze %dma_wait3A_115 : memref<1x10240x16xf32, #tpu.memory_space<hbm>> -> memref<10240x16xf32, #tpu.memory_space<hbm>>
    %dma_wait3A_117 = arith.constant 0 : i32
    %dma_wait3A_118 = arith.constant 0 : i32
    %dma_wait3A_119 = tpu.memref_slice %dma_wait3A_116[%dma_wait3A_117, %dma_wait3A_118] : memref<10240x16xf32, #tpu.memory_space<hbm>> -> memref<10240x16xf32, #tpu.memory_space<hbm>>
    tpu.wait_indirect_dma semaphore(%arg18 : memref<!tpu.dma_semaphore, #tpu.memory_space<semaphore_mem>>) src(%dma_wait3A_119 : memref<10240x16xf32, #tpu.memory_space<hbm>>) dst(%arg15 : memref<2000x16xf32, #tpu.memory_space<vmem>>)
    "tpu.region"() ({
      %run_scoped3A_128 = tpu.sem_alloc : memref<!tpu.dma_semaphore, #tpu.memory_space<semaphore_mem>>
      %dma_start3A_129 = arith.constant 0 : i32
      %dma_start3A_130 = arith.constant 0 : i32
      %dma_start3A_131 = tpu.memref_slice %arg16[%dma_start3A_129, %dma_start3A_130] : memref<10240x16xf32, #tpu.memory_space<vmem_shared>> -> memref<10240x16xf32, #tpu.memory_space<vmem_shared>>
      tpu.enqueue_indirect_dma source(%arg15 : memref<2000x16xf32, #tpu.memory_space<vmem>>) target(%dma_start3A_131 : memref<10240x16xf32, #tpu.memory_space<vmem_shared>>) offsets(%arg13 : memref<2000xi32, #tpu.memory_space<vmem>>) semaphore(%run_scoped3A_128 : memref<!tpu.dma_semaphore, #tpu.memory_space<semaphore_mem>>) {add = true}
      %dma_wait3A_132 = arith.constant 0 : i32
      %dma_wait3A_133 = arith.constant 0 : i32
      %dma_wait3A_134 = tpu.memref_slice %arg16[%dma_wait3A_132, %dma_wait3A_133] : memref<10240x16xf32, #tpu.memory_space<vmem_shared>> -> memref<10240x16xf32, #tpu.memory_space<vmem_shared>>
      tpu.wait_indirect_dma semaphore(%run_scoped3A_128 : memref<!tpu.dma_semaphore, #tpu.memory_space<semaphore_mem>>) src(%arg15 : memref<2000x16xf32, #tpu.memory_space<vmem>>) dst(%dma_wait3A_134 : memref<10240x16xf32, #tpu.memory_space<vmem_shared>>)
      tpu.yield
    }) : () -> ()
    %dma_wait3A_120 = arith.constant 0 : i32
    %dma_wait3A_121 = arith.constant 0 : i32
    %dma_wait3A_122 = tpu.memref_slice %arg9[%arg0, %dma_wait3A_120, %dma_wait3A_121] : memref<2x10240x16xf32, #tpu.memory_space<hbm>> -> memref<1x10240x16xf32, #tpu.memory_space<hbm>>
    %dma_wait3A_123 = tpu.memref_squeeze %dma_wait3A_122 : memref<1x10240x16xf32, #tpu.memory_space<hbm>> -> memref<10240x16xf32, #tpu.memory_space<hbm>>
    %dma_wait3A_124 = arith.constant 0 : i32
    %dma_wait3A_125 = arith.constant 0 : i32
    %dma_wait3A_126 = tpu.memref_slice %dma_wait3A_123[%dma_wait3A_124, %dma_wait3A_125] : memref<10240x16xf32, #tpu.memory_space<hbm>> -> memref<10240x16xf32, #tpu.memory_space<hbm>>
    tpu.wait_indirect_dma semaphore(%arg17 : memref<!tpu.dma_semaphore, #tpu.memory_space<semaphore_mem>>) src(%dma_wait3A_126 : memref<10240x16xf32, #tpu.memory_space<hbm>>) dst(%arg14 : memref<2000x16xf32, #tpu.memory_space<vmem>>)
    "tpu.region"() ({
      %run_scoped3A_128 = tpu.sem_alloc : memref<!tpu.dma_semaphore, #tpu.memory_space<semaphore_mem>>
      %dma_start3A_129 = arith.constant 0 : i32
      %dma_start3A_130 = arith.constant 0 : i32
      %dma_start3A_131 = tpu.memref_slice %arg16[%dma_start3A_129, %dma_start3A_130] : memref<10240x16xf32, #tpu.memory_space<vmem_shared>> -> memref<10240x16xf32, #tpu.memory_space<vmem_shared>>
      tpu.enqueue_indirect_dma source(%arg14 : memref<2000x16xf32, #tpu.memory_space<vmem>>) target(%dma_start3A_131 : memref<10240x16xf32, #tpu.memory_space<vmem_shared>>) offsets(%arg12 : memref<2000xi32, #tpu.memory_space<vmem>>) semaphore(%run_scoped3A_128 : memref<!tpu.dma_semaphore, #tpu.memory_space<semaphore_mem>>) {add = true}
      %dma_wait3A_132 = arith.constant 0 : i32
      %dma_wait3A_133 = arith.constant 0 : i32
      %dma_wait3A_134 = tpu.memref_slice %arg16[%dma_wait3A_132, %dma_wait3A_133] : memref<10240x16xf32, #tpu.memory_space<vmem_shared>> -> memref<10240x16xf32, #tpu.memory_space<vmem_shared>>
      tpu.wait_indirect_dma semaphore(%run_scoped3A_128 : memref<!tpu.dma_semaphore, #tpu.memory_space<semaphore_mem>>) src(%arg14 : memref<2000x16xf32, #tpu.memory_space<vmem>>) dst(%dma_wait3A_134 : memref<10240x16xf32, #tpu.memory_space<vmem_shared>>)
      tpu.yield
    }) : () -> ()
    %barrier3A_127 = arith.constant 0 : index
    tpu.barrier barrier_id(%barrier3A_127)
    "tpu.region"() ({
      %run_scoped3A_128 = tpu.sem_alloc : memref<!tpu.dma_semaphore, #tpu.memory_space<semaphore_mem>>
      %dma_start3A_129 = arith.constant 0 : i32
      %dma_start3A_130 = tpu.memref_slice %arg8[%arg0, %mul3A_2, %dma_start3A_129] : memref<2x10240x16xf32, #tpu.memory_space<hbm>> -> memref<1x640x16xf32, #tpu.memory_space<hbm>>
      %dma_start3A_131 = tpu.memref_squeeze %dma_start3A_130 : memref<1x640x16xf32, #tpu.memory_space<hbm>> -> memref<640x16xf32, #tpu.memory_space<hbm>>
      %dma_start3A_132 = arith.constant 0 : i32
      %dma_start3A_133 = tpu.memref_slice %arg16[%mul3A_2, %dma_start3A_132] : memref<10240x16xf32, #tpu.memory_space<vmem_shared>> -> memref<640x16xf32, #tpu.memory_space<vmem_shared>>
      tpu.enqueue_dma source(%dma_start3A_133 : memref<640x16xf32, #tpu.memory_space<vmem_shared>>) target(%dma_start3A_131 : memref<640x16xf32, #tpu.memory_space<hbm>>) target_semaphore(%run_scoped3A_128 : memref<!tpu.dma_semaphore, #tpu.memory_space<semaphore_mem>>)
      %dma_wait3A_134 = arith.constant 0 : i32
      %dma_wait3A_135 = tpu.memref_slice %arg8[%arg0, %mul3A_2, %dma_wait3A_134] : memref<2x10240x16xf32, #tpu.memory_space<hbm>> -> memref<1x640x16xf32, #tpu.memory_space<hbm>>
      %dma_wait3A_136 = tpu.memref_squeeze %dma_wait3A_135 : memref<1x640x16xf32, #tpu.memory_space<hbm>> -> memref<640x16xf32, #tpu.memory_space<hbm>>
      %dma_wait3A_137 = arith.constant 0 : i32
      %dma_wait3A_138 = tpu.memref_slice %arg16[%mul3A_2, %dma_wait3A_137] : memref<10240x16xf32, #tpu.memory_space<vmem_shared>> -> memref<640x16xf32, #tpu.memory_space<vmem_shared>>
      tpu.wait_dma2 semaphore(%run_scoped3A_128 : memref<!tpu.dma_semaphore, #tpu.memory_space<semaphore_mem>>) src(%dma_wait3A_138 : memref<640x16xf32, #tpu.memory_space<vmem_shared>>) dst(%dma_wait3A_136 : memref<640x16xf32, #tpu.memory_space<hbm>>)
      tpu.yield
    }) : () -> ()
    return
  }
}

#map = affine_map<(d0, d1) -> (0, 0)>
#map1 = affine_map<(d0, d1) -> (0, 0, 0)>
module attributes {stable_mosaic.version = 14 : i64} {
  func.func @seg_sum_cnt(%arg0: i32, %arg1: i32, %arg2: memref<10000x16xf32, #tpu.memory_space<hbm>>, %arg3: memref<2x320000xi32, #tpu.memory_space<hbm>>, %arg4: memref<10240x16xf32, #tpu.memory_space<hbm>>, %arg5: memref<2000x16xf32, #tpu.memory_space<hbm>>, %arg6: memref<2x10240x16xf32, #tpu.memory_space<hbm>>, %arg7: memref<2x10240x16xf32, #tpu.memory_space<hbm>>, %arg8: memref<2000xi32, #tpu.memory_space<vmem>>, %arg9: memref<2000xi32, #tpu.memory_space<vmem>>, %arg10: memref<2000xi32, #tpu.memory_space<vmem>>, %arg11: memref<2000xi32, #tpu.memory_space<vmem>>, %arg12: memref<2000x16xf32, #tpu.memory_space<vmem>>, %arg13: memref<2000x16xf32, #tpu.memory_space<vmem>>, %arg14: memref<10240x16xf32, #tpu.memory_space<vmem_shared>>, %arg15: memref<!tpu.dma_semaphore, #tpu.memory_space<semaphore_mem>>, %arg16: memref<!tpu.dma_semaphore, #tpu.memory_space<semaphore_mem>>, %arg17: memref<2000x16xf32, #tpu.memory_space<vmem>>, %arg18: memref<10240x16xf32, #tpu.memory_space<vmem_shared>>) attributes {dimension_semantics = [#tpu.dimension_semantics<core_parallel>, #tpu.dimension_semantics<subcore_parallel>], iteration_bounds = array<i64: 2, 16>, scalar_prefetch = 0 : i64, scratch_operands = 11 : i64, tpu.core_type = #tpu.core_type<sc_vector_subcore>, window_params = [{transform_indices = #map}, {transform_indices = #map}, {transform_indices = #map}, {transform_indices = #map}, {transform_indices = #map1}, {transform_indices = #map1}]} {
    %mul3A = arith.constant 2 : i32
    %mul3A_0 = arith.muli %arg1, %mul3A : i32
    %add3A = arith.addi %mul3A_0, %arg0 : i32
    %mul3A_1 = arith.constant 640 : i32
    %mul3A_2 = arith.muli %arg1, %mul3A_1 : i32
    "tpu.region"() ({
      %run_scoped3A_61 = tpu.sem_alloc : memref<!tpu.dma_semaphore, #tpu.memory_space<semaphore_mem>>
      %dma_start3A_62 = arith.constant 0 : i32
      %dma_start3A_63 = tpu.memref_slice %arg14[%mul3A_2, %dma_start3A_62] : memref<10240x16xf32, #tpu.memory_space<vmem_shared>> -> memref<640x16xf32, #tpu.memory_space<vmem_shared>>
      %dma_start3A_64 = arith.constant 0 : i32
      %dma_start3A_65 = tpu.memref_slice %arg4[%mul3A_2, %dma_start3A_64] : memref<10240x16xf32, #tpu.memory_space<hbm>> -> memref<640x16xf32, #tpu.memory_space<hbm>>
      tpu.enqueue_dma source(%dma_start3A_65 : memref<640x16xf32, #tpu.memory_space<hbm>>) target(%dma_start3A_63 : memref<640x16xf32, #tpu.memory_space<vmem_shared>>) target_semaphore(%run_scoped3A_61 : memref<!tpu.dma_semaphore, #tpu.memory_space<semaphore_mem>>)
      %dma_wait3A_66 = arith.constant 0 : i32
      %dma_wait3A_67 = tpu.memref_slice %arg14[%mul3A_2, %dma_wait3A_66] : memref<10240x16xf32, #tpu.memory_space<vmem_shared>> -> memref<640x16xf32, #tpu.memory_space<vmem_shared>>
      %dma_wait3A_68 = arith.constant 0 : i32
      %dma_wait3A_69 = tpu.memref_slice %arg4[%mul3A_2, %dma_wait3A_68] : memref<10240x16xf32, #tpu.memory_space<hbm>> -> memref<640x16xf32, #tpu.memory_space<hbm>>
      tpu.wait_dma2 semaphore(%run_scoped3A_61 : memref<!tpu.dma_semaphore, #tpu.memory_space<semaphore_mem>>) src(%dma_wait3A_69 : memref<640x16xf32, #tpu.memory_space<hbm>>) dst(%dma_wait3A_67 : memref<640x16xf32, #tpu.memory_space<vmem_shared>>)
      tpu.yield
    }) : () -> ()
    "tpu.region"() ({
      %run_scoped3A_61 = tpu.sem_alloc : memref<!tpu.dma_semaphore, #tpu.memory_space<semaphore_mem>>
      %dma_start3A_62 = arith.constant 0 : i32
      %dma_start3A_63 = tpu.memref_slice %arg18[%mul3A_2, %dma_start3A_62] : memref<10240x16xf32, #tpu.memory_space<vmem_shared>> -> memref<640x16xf32, #tpu.memory_space<vmem_shared>>
      %dma_start3A_64 = arith.constant 0 : i32
      %dma_start3A_65 = tpu.memref_slice %arg4[%mul3A_2, %dma_start3A_64] : memref<10240x16xf32, #tpu.memory_space<hbm>> -> memref<640x16xf32, #tpu.memory_space<hbm>>
      tpu.enqueue_dma source(%dma_start3A_65 : memref<640x16xf32, #tpu.memory_space<hbm>>) target(%dma_start3A_63 : memref<640x16xf32, #tpu.memory_space<vmem_shared>>) target_semaphore(%run_scoped3A_61 : memref<!tpu.dma_semaphore, #tpu.memory_space<semaphore_mem>>)
      %dma_wait3A_66 = arith.constant 0 : i32
      %dma_wait3A_67 = tpu.memref_slice %arg18[%mul3A_2, %dma_wait3A_66] : memref<10240x16xf32, #tpu.memory_space<vmem_shared>> -> memref<640x16xf32, #tpu.memory_space<vmem_shared>>
      %dma_wait3A_68 = arith.constant 0 : i32
      %dma_wait3A_69 = tpu.memref_slice %arg4[%mul3A_2, %dma_wait3A_68] : memref<10240x16xf32, #tpu.memory_space<hbm>> -> memref<640x16xf32, #tpu.memory_space<hbm>>
      tpu.wait_dma2 semaphore(%run_scoped3A_61 : memref<!tpu.dma_semaphore, #tpu.memory_space<semaphore_mem>>) src(%dma_wait3A_69 : memref<640x16xf32, #tpu.memory_space<hbm>>) dst(%dma_wait3A_67 : memref<640x16xf32, #tpu.memory_space<vmem_shared>>)
      tpu.yield
    }) : () -> ()
    "tpu.region"() ({
      %run_scoped3A_61 = tpu.sem_alloc : memref<!tpu.dma_semaphore, #tpu.memory_space<semaphore_mem>>
      tpu.enqueue_dma source(%arg5 : memref<2000x16xf32, #tpu.memory_space<hbm>>) target(%arg17 : memref<2000x16xf32, #tpu.memory_space<vmem>>) target_semaphore(%run_scoped3A_61 : memref<!tpu.dma_semaphore, #tpu.memory_space<semaphore_mem>>)
      tpu.wait_dma2 semaphore(%run_scoped3A_61 : memref<!tpu.dma_semaphore, #tpu.memory_space<semaphore_mem>>) src(%arg5 : memref<2000x16xf32, #tpu.memory_space<hbm>>) dst(%arg17 : memref<2000x16xf32, #tpu.memory_space<vmem>>)
      tpu.yield
    }) : () -> ()
    %barrier3A = arith.constant 0 : index
    tpu.barrier barrier_id(%barrier3A)
    %mul3A_3 = arith.constant 10000 : i32
    %mul3A_4 = arith.muli %add3A, %mul3A_3 : i32
    %add3A_5 = arith.constant 0 : i32
    %add3A_6 = arith.addi %mul3A_4, %add3A_5 : i32
    %run_scoped3A = arith.constant 0 : i32
    "tpu.region"() ({
      %run_scoped3A_61 = tpu.sem_alloc : memref<!tpu.dma_semaphore, #tpu.memory_space<semaphore_mem>>
      %dma_start3A_62 = tpu.memref_slice %arg3[%run_scoped3A, %add3A_6] : memref<2x320000xi32, #tpu.memory_space<hbm>> -> memref<1x2000xi32, #tpu.memory_space<hbm>>
      %dma_start3A_63 = tpu.memref_squeeze %dma_start3A_62 : memref<1x2000xi32, #tpu.memory_space<hbm>> -> memref<2000xi32, #tpu.memory_space<hbm>>
      %dma_start3A_64 = tpu.memref_slice %arg3[%run_scoped3A, %add3A_6] : memref<2x320000xi32, #tpu.memory_space<hbm>> -> memref<1x2000xi32, #tpu.memory_space<hbm>>
      %dma_start3A_65 = tpu.memref_squeeze %dma_start3A_64 : memref<1x2000xi32, #tpu.memory_space<hbm>> -> memref<2000xi32, #tpu.memory_space<hbm>>
      tpu.enqueue_dma source(%dma_start3A_65 : memref<2000xi32, #tpu.memory_space<hbm>>) target(%arg8 : memref<2000xi32, #tpu.memory_space<vmem>>) target_semaphore(%run_scoped3A_61 : memref<!tpu.dma_semaphore, #tpu.memory_space<semaphore_mem>>)
      %dma_wait3A_66 = tpu.memref_slice %arg3[%run_scoped3A, %add3A_6] : memref<2x320000xi32, #tpu.memory_space<hbm>> -> memref<1x2000xi32, #tpu.memory_space<hbm>>
      %dma_wait3A_67 = tpu.memref_squeeze %dma_wait3A_66 : memref<1x2000xi32, #tpu.memory_space<hbm>> -> memref<2000xi32, #tpu.memory_space<hbm>>
      %dma_wait3A_68 = tpu.memref_slice %arg3[%run_scoped3A, %add3A_6] : memref<2x320000xi32, #tpu.memory_space<hbm>> -> memref<1x2000xi32, #tpu.memory_space<hbm>>
      %dma_wait3A_69 = tpu.memref_squeeze %dma_wait3A_68 : memref<1x2000xi32, #tpu.memory_space<hbm>> -> memref<2000xi32, #tpu.memory_space<hbm>>
      tpu.wait_dma2 semaphore(%run_scoped3A_61 : memref<!tpu.dma_semaphore, #tpu.memory_space<semaphore_mem>>) src(%dma_wait3A_69 : memref<2000xi32, #tpu.memory_space<hbm>>) dst(%arg8 : memref<2000xi32, #tpu.memory_space<vmem>>)
      tpu.yield
    }) : () -> ()
    %run_scoped3A_7 = arith.constant 1 : i32
    "tpu.region"() ({
      %run_scoped3A_61 = tpu.sem_alloc : memref<!tpu.dma_semaphore, #tpu.memory_space<semaphore_mem>>
      %dma_start3A_62 = tpu.memref_slice %arg3[%run_scoped3A_7, %add3A_6] : memref<2x320000xi32, #tpu.memory_space<hbm>> -> memref<1x2000xi32, #tpu.memory_space<hbm>>
      %dma_start3A_63 = tpu.memref_squeeze %dma_start3A_62 : memref<1x2000xi32, #tpu.memory_space<hbm>> -> memref<2000xi32, #tpu.memory_space<hbm>>
      %dma_start3A_64 = tpu.memref_slice %arg3[%run_scoped3A_7, %add3A_6] : memref<2x320000xi32, #tpu.memory_space<hbm>> -> memref<1x2000xi32, #tpu.memory_space<hbm>>
      %dma_start3A_65 = tpu.memref_squeeze %dma_start3A_64 : memref<1x2000xi32, #tpu.memory_space<hbm>> -> memref<2000xi32, #tpu.memory_space<hbm>>
      tpu.enqueue_dma source(%dma_start3A_65 : memref<2000xi32, #tpu.memory_space<hbm>>) target(%arg10 : memref<2000xi32, #tpu.memory_space<vmem>>) target_semaphore(%run_scoped3A_61 : memref<!tpu.dma_semaphore, #tpu.memory_space<semaphore_mem>>)
      %dma_wait3A_66 = tpu.memref_slice %arg3[%run_scoped3A_7, %add3A_6] : memref<2x320000xi32, #tpu.memory_space<hbm>> -> memref<1x2000xi32, #tpu.memory_space<hbm>>
      %dma_wait3A_67 = tpu.memref_squeeze %dma_wait3A_66 : memref<1x2000xi32, #tpu.memory_space<hbm>> -> memref<2000xi32, #tpu.memory_space<hbm>>
      %dma_wait3A_68 = tpu.memref_slice %arg3[%run_scoped3A_7, %add3A_6] : memref<2x320000xi32, #tpu.memory_space<hbm>> -> memref<1x2000xi32, #tpu.memory_space<hbm>>
      %dma_wait3A_69 = tpu.memref_squeeze %dma_wait3A_68 : memref<1x2000xi32, #tpu.memory_space<hbm>> -> memref<2000xi32, #tpu.memory_space<hbm>>
      tpu.wait_dma2 semaphore(%run_scoped3A_61 : memref<!tpu.dma_semaphore, #tpu.memory_space<semaphore_mem>>) src(%dma_wait3A_69 : memref<2000xi32, #tpu.memory_space<hbm>>) dst(%arg10 : memref<2000xi32, #tpu.memory_space<vmem>>)
      tpu.yield
    }) : () -> ()
    %dma_start3A = arith.constant 0 : i32
    %dma_start3A_8 = arith.constant 0 : i32
    %dma_start3A_9 = tpu.memref_slice %arg2[%dma_start3A, %dma_start3A_8] : memref<10000x16xf32, #tpu.memory_space<hbm>> -> memref<10000x16xf32, #tpu.memory_space<hbm>>
    tpu.enqueue_indirect_dma source(%dma_start3A_9 : memref<10000x16xf32, #tpu.memory_space<hbm>>) target(%arg12 : memref<2000x16xf32, #tpu.memory_space<vmem>>) offsets(%arg8 : memref<2000xi32, #tpu.memory_space<vmem>>) semaphore(%arg15 : memref<!tpu.dma_semaphore, #tpu.memory_space<semaphore_mem>>)
    %mul3A_10 = arith.constant 10000 : i32
    %mul3A_11 = arith.muli %add3A, %mul3A_10 : i32
    %add3A_12 = arith.constant 2000 : i32
    %add3A_13 = arith.addi %mul3A_11, %add3A_12 : i32
    %run_scoped3A_14 = arith.constant 0 : i32
    "tpu.region"() ({
      %run_scoped3A_61 = tpu.sem_alloc : memref<!tpu.dma_semaphore, #tpu.memory_space<semaphore_mem>>
      %dma_start3A_62 = tpu.memref_slice %arg3[%run_scoped3A_14, %add3A_13] : memref<2x320000xi32, #tpu.memory_space<hbm>> -> memref<1x2000xi32, #tpu.memory_space<hbm>>
      %dma_start3A_63 = tpu.memref_squeeze %dma_start3A_62 : memref<1x2000xi32, #tpu.memory_space<hbm>> -> memref<2000xi32, #tpu.memory_space<hbm>>
      %dma_start3A_64 = tpu.memref_slice %arg3[%run_scoped3A_14, %add3A_13] : memref<2x320000xi32, #tpu.memory_space<hbm>> -> memref<1x2000xi32, #tpu.memory_space<hbm>>
      %dma_start3A_65 = tpu.memref_squeeze %dma_start3A_64 : memref<1x2000xi32, #tpu.memory_space<hbm>> -> memref<2000xi32, #tpu.memory_space<hbm>>
      tpu.enqueue_dma source(%dma_start3A_65 : memref<2000xi32, #tpu.memory_space<hbm>>) target(%arg9 : memref<2000xi32, #tpu.memory_space<vmem>>) target_semaphore(%run_scoped3A_61 : memref<!tpu.dma_semaphore, #tpu.memory_space<semaphore_mem>>)
      %dma_wait3A_66 = tpu.memref_slice %arg3[%run_scoped3A_14, %add3A_13] : memref<2x320000xi32, #tpu.memory_space<hbm>> -> memref<1x2000xi32, #tpu.memory_space<hbm>>
      %dma_wait3A_67 = tpu.memref_squeeze %dma_wait3A_66 : memref<1x2000xi32, #tpu.memory_space<hbm>> -> memref<2000xi32, #tpu.memory_space<hbm>>
      %dma_wait3A_68 = tpu.memref_slice %arg3[%run_scoped3A_14, %add3A_13] : memref<2x320000xi32, #tpu.memory_space<hbm>> -> memref<1x2000xi32, #tpu.memory_space<hbm>>
      %dma_wait3A_69 = tpu.memref_squeeze %dma_wait3A_68 : memref<1x2000xi32, #tpu.memory_space<hbm>> -> memref<2000xi32, #tpu.memory_space<hbm>>
      tpu.wait_dma2 semaphore(%run_scoped3A_61 : memref<!tpu.dma_semaphore, #tpu.memory_space<semaphore_mem>>) src(%dma_wait3A_69 : memref<2000xi32, #tpu.memory_space<hbm>>) dst(%arg9 : memref<2000xi32, #tpu.memory_space<vmem>>)
      tpu.yield
    }) : () -> ()
    %run_scoped3A_15 = arith.constant 1 : i32
    "tpu.region"() ({
      %run_scoped3A_61 = tpu.sem_alloc : memref<!tpu.dma_semaphore, #tpu.memory_space<semaphore_mem>>
      %dma_start3A_62 = tpu.memref_slice %arg3[%run_scoped3A_15, %add3A_13] : memref<2x320000xi32, #tpu.memory_space<hbm>> -> memref<1x2000xi32, #tpu.memory_space<hbm>>
      %dma_start3A_63 = tpu.memref_squeeze %dma_start3A_62 : memref<1x2000xi32, #tpu.memory_space<hbm>> -> memref<2000xi32, #tpu.memory_space<hbm>>
      %dma_start3A_64 = tpu.memref_slice %arg3[%run_scoped3A_15, %add3A_13] : memref<2x320000xi32, #tpu.memory_space<hbm>> -> memref<1x2000xi32, #tpu.memory_space<hbm>>
      %dma_start3A_65 = tpu.memref_squeeze %dma_start3A_64 : memref<1x2000xi32, #tpu.memory_space<hbm>> -> memref<2000xi32, #tpu.memory_space<hbm>>
      tpu.enqueue_dma source(%dma_start3A_65 : memref<2000xi32, #tpu.memory_space<hbm>>) target(%arg11 : memref<2000xi32, #tpu.memory_space<vmem>>) target_semaphore(%run_scoped3A_61 : memref<!tpu.dma_semaphore, #tpu.memory_space<semaphore_mem>>)
      %dma_wait3A_66 = tpu.memref_slice %arg3[%run_scoped3A_15, %add3A_13] : memref<2x320000xi32, #tpu.memory_space<hbm>> -> memref<1x2000xi32, #tpu.memory_space<hbm>>
      %dma_wait3A_67 = tpu.memref_squeeze %dma_wait3A_66 : memref<1x2000xi32, #tpu.memory_space<hbm>> -> memref<2000xi32, #tpu.memory_space<hbm>>
      %dma_wait3A_68 = tpu.memref_slice %arg3[%run_scoped3A_15, %add3A_13] : memref<2x320000xi32, #tpu.memory_space<hbm>> -> memref<1x2000xi32, #tpu.memory_space<hbm>>
      %dma_wait3A_69 = tpu.memref_squeeze %dma_wait3A_68 : memref<1x2000xi32, #tpu.memory_space<hbm>> -> memref<2000xi32, #tpu.memory_space<hbm>>
      tpu.wait_dma2 semaphore(%run_scoped3A_61 : memref<!tpu.dma_semaphore, #tpu.memory_space<semaphore_mem>>) src(%dma_wait3A_69 : memref<2000xi32, #tpu.memory_space<hbm>>) dst(%arg11 : memref<2000xi32, #tpu.memory_space<vmem>>)
      tpu.yield
    }) : () -> ()
    %dma_start3A_16 = arith.constant 0 : i32
    %dma_start3A_17 = arith.constant 0 : i32
    %dma_start3A_18 = tpu.memref_slice %arg2[%dma_start3A_16, %dma_start3A_17] : memref<10000x16xf32, #tpu.memory_space<hbm>> -> memref<10000x16xf32, #tpu.memory_space<hbm>>
    tpu.enqueue_indirect_dma source(%dma_start3A_18 : memref<10000x16xf32, #tpu.memory_space<hbm>>) target(%arg13 : memref<2000x16xf32, #tpu.memory_space<vmem>>) offsets(%arg9 : memref<2000xi32, #tpu.memory_space<vmem>>) semaphore(%arg16 : memref<!tpu.dma_semaphore, #tpu.memory_space<semaphore_mem>>)
    %dma_wait3A = arith.constant 0 : i32
    %dma_wait3A_19 = arith.constant 0 : i32
    %dma_wait3A_20 = tpu.memref_slice %arg2[%dma_wait3A, %dma_wait3A_19] : memref<10000x16xf32, #tpu.memory_space<hbm>> -> memref<10000x16xf32, #tpu.memory_space<hbm>>
    tpu.wait_indirect_dma semaphore(%arg15 : memref<!tpu.dma_semaphore, #tpu.memory_space<semaphore_mem>>) src(%dma_wait3A_20 : memref<10000x16xf32, #tpu.memory_space<hbm>>) dst(%arg12 : memref<2000x16xf32, #tpu.memory_space<vmem>>)
    "tpu.region"() ({
      %run_scoped3A_61 = tpu.sem_alloc : memref<!tpu.dma_semaphore, #tpu.memory_space<semaphore_mem>>
      %dma_start3A_62 = arith.constant 0 : i32
      %dma_start3A_63 = arith.constant 0 : i32
      %dma_start3A_64 = tpu.memref_slice %arg14[%dma_start3A_62, %dma_start3A_63] : memref<10240x16xf32, #tpu.memory_space<vmem_shared>> -> memref<10240x16xf32, #tpu.memory_space<vmem_shared>>
      tpu.enqueue_indirect_dma source(%arg12 : memref<2000x16xf32, #tpu.memory_space<vmem>>) target(%dma_start3A_64 : memref<10240x16xf32, #tpu.memory_space<vmem_shared>>) offsets(%arg10 : memref<2000xi32, #tpu.memory_space<vmem>>) semaphore(%run_scoped3A_61 : memref<!tpu.dma_semaphore, #tpu.memory_space<semaphore_mem>>) {add = true}
      %dma_wait3A_65 = arith.constant 0 : i32
      %dma_wait3A_66 = arith.constant 0 : i32
      %dma_wait3A_67 = tpu.memref_slice %arg14[%dma_wait3A_65, %dma_wait3A_66] : memref<10240x16xf32, #tpu.memory_space<vmem_shared>> -> memref<10240x16xf32, #tpu.memory_space<vmem_shared>>
      tpu.wait_indirect_dma semaphore(%run_scoped3A_61 : memref<!tpu.dma_semaphore, #tpu.memory_space<semaphore_mem>>) src(%arg12 : memref<2000x16xf32, #tpu.memory_space<vmem>>) dst(%dma_wait3A_67 : memref<10240x16xf32, #tpu.memory_space<vmem_shared>>)
      tpu.yield
    }) : () -> ()
    "tpu.region"() ({
      %run_scoped3A_61 = tpu.sem_alloc : memref<!tpu.dma_semaphore, #tpu.memory_space<semaphore_mem>>
      %dma_start3A_62 = arith.constant 0 : i32
      %dma_start3A_63 = arith.constant 0 : i32
      %dma_start3A_64 = tpu.memref_slice %arg18[%dma_start3A_62, %dma_start3A_63] : memref<10240x16xf32, #tpu.memory_space<vmem_shared>> -> memref<10240x16xf32, #tpu.memory_space<vmem_shared>>
      tpu.enqueue_indirect_dma source(%arg17 : memref<2000x16xf32, #tpu.memory_space<vmem>>) target(%dma_start3A_64 : memref<10240x16xf32, #tpu.memory_space<vmem_shared>>) offsets(%arg10 : memref<2000xi32, #tpu.memory_space<vmem>>) semaphore(%run_scoped3A_61 : memref<!tpu.dma_semaphore, #tpu.memory_space<semaphore_mem>>) {add = true}
      %dma_wait3A_65 = arith.constant 0 : i32
      %dma_wait3A_66 = arith.constant 0 : i32
      %dma_wait3A_67 = tpu.memref_slice %arg18[%dma_wait3A_65, %dma_wait3A_66] : memref<10240x16xf32, #tpu.memory_space<vmem_shared>> -> memref<10240x16xf32, #tpu.memory_space<vmem_shared>>
      tpu.wait_indirect_dma semaphore(%run_scoped3A_61 : memref<!tpu.dma_semaphore, #tpu.memory_space<semaphore_mem>>) src(%arg17 : memref<2000x16xf32, #tpu.memory_space<vmem>>) dst(%dma_wait3A_67 : memref<10240x16xf32, #tpu.memory_space<vmem_shared>>)
      tpu.yield
    }) : () -> ()
    %mul3A_21 = arith.constant 10000 : i32
    %mul3A_22 = arith.muli %add3A, %mul3A_21 : i32
    %add3A_23 = arith.constant 4000 : i32
    %add3A_24 = arith.addi %mul3A_22, %add3A_23 : i32
    %run_scoped3A_25 = arith.constant 0 : i32
    "tpu.region"() ({
      %run_scoped3A_61 = tpu.sem_alloc : memref<!tpu.dma_semaphore, #tpu.memory_space<semaphore_mem>>
      %dma_start3A_62 = tpu.memref_slice %arg3[%run_scoped3A_25, %add3A_24] : memref<2x320000xi32, #tpu.memory_space<hbm>> -> memref<1x2000xi32, #tpu.memory_space<hbm>>
      %dma_start3A_63 = tpu.memref_squeeze %dma_start3A_62 : memref<1x2000xi32, #tpu.memory_space<hbm>> -> memref<2000xi32, #tpu.memory_space<hbm>>
      %dma_start3A_64 = tpu.memref_slice %arg3[%run_scoped3A_25, %add3A_24] : memref<2x320000xi32, #tpu.memory_space<hbm>> -> memref<1x2000xi32, #tpu.memory_space<hbm>>
      %dma_start3A_65 = tpu.memref_squeeze %dma_start3A_64 : memref<1x2000xi32, #tpu.memory_space<hbm>> -> memref<2000xi32, #tpu.memory_space<hbm>>
      tpu.enqueue_dma source(%dma_start3A_65 : memref<2000xi32, #tpu.memory_space<hbm>>) target(%arg8 : memref<2000xi32, #tpu.memory_space<vmem>>) target_semaphore(%run_scoped3A_61 : memref<!tpu.dma_semaphore, #tpu.memory_space<semaphore_mem>>)
      %dma_wait3A_66 = tpu.memref_slice %arg3[%run_scoped3A_25, %add3A_24] : memref<2x320000xi32, #tpu.memory_space<hbm>> -> memref<1x2000xi32, #tpu.memory_space<hbm>>
      %dma_wait3A_67 = tpu.memref_squeeze %dma_wait3A_66 : memref<1x2000xi32, #tpu.memory_space<hbm>> -> memref<2000xi32, #tpu.memory_space<hbm>>
      %dma_wait3A_68 = tpu.memref_slice %arg3[%run_scoped3A_25, %add3A_24] : memref<2x320000xi32, #tpu.memory_space<hbm>> -> memref<1x2000xi32, #tpu.memory_space<hbm>>
      %dma_wait3A_69 = tpu.memref_squeeze %dma_wait3A_68 : memref<1x2000xi32, #tpu.memory_space<hbm>> -> memref<2000xi32, #tpu.memory_space<hbm>>
      tpu.wait_dma2 semaphore(%run_scoped3A_61 : memref<!tpu.dma_semaphore, #tpu.memory_space<semaphore_mem>>) src(%dma_wait3A_69 : memref<2000xi32, #tpu.memory_space<hbm>>) dst(%arg8 : memref<2000xi32, #tpu.memory_space<vmem>>)
      tpu.yield
    }) : () -> ()
    %run_scoped3A_26 = arith.constant 1 : i32
    "tpu.region"() ({
      %run_scoped3A_61 = tpu.sem_alloc : memref<!tpu.dma_semaphore, #tpu.memory_space<semaphore_mem>>
      %dma_start3A_62 = tpu.memref_slice %arg3[%run_scoped3A_26, %add3A_24] : memref<2x320000xi32, #tpu.memory_space<hbm>> -> memref<1x2000xi32, #tpu.memory_space<hbm>>
      %dma_start3A_63 = tpu.memref_squeeze %dma_start3A_62 : memref<1x2000xi32, #tpu.memory_space<hbm>> -> memref<2000xi32, #tpu.memory_space<hbm>>
      %dma_start3A_64 = tpu.memref_slice %arg3[%run_scoped3A_26, %add3A_24] : memref<2x320000xi32, #tpu.memory_space<hbm>> -> memref<1x2000xi32, #tpu.memory_space<hbm>>
      %dma_start3A_65 = tpu.memref_squeeze %dma_start3A_64 : memref<1x2000xi32, #tpu.memory_space<hbm>> -> memref<2000xi32, #tpu.memory_space<hbm>>
      tpu.enqueue_dma source(%dma_start3A_65 : memref<2000xi32, #tpu.memory_space<hbm>>) target(%arg10 : memref<2000xi32, #tpu.memory_space<vmem>>) target_semaphore(%run_scoped3A_61 : memref<!tpu.dma_semaphore, #tpu.memory_space<semaphore_mem>>)
      %dma_wait3A_66 = tpu.memref_slice %arg3[%run_scoped3A_26, %add3A_24] : memref<2x320000xi32, #tpu.memory_space<hbm>> -> memref<1x2000xi32, #tpu.memory_space<hbm>>
      %dma_wait3A_67 = tpu.memref_squeeze %dma_wait3A_66 : memref<1x2000xi32, #tpu.memory_space<hbm>> -> memref<2000xi32, #tpu.memory_space<hbm>>
      %dma_wait3A_68 = tpu.memref_slice %arg3[%run_scoped3A_26, %add3A_24] : memref<2x320000xi32, #tpu.memory_space<hbm>> -> memref<1x2000xi32, #tpu.memory_space<hbm>>
      %dma_wait3A_69 = tpu.memref_squeeze %dma_wait3A_68 : memref<1x2000xi32, #tpu.memory_space<hbm>> -> memref<2000xi32, #tpu.memory_space<hbm>>
      tpu.wait_dma2 semaphore(%run_scoped3A_61 : memref<!tpu.dma_semaphore, #tpu.memory_space<semaphore_mem>>) src(%dma_wait3A_69 : memref<2000xi32, #tpu.memory_space<hbm>>) dst(%arg10 : memref<2000xi32, #tpu.memory_space<vmem>>)
      tpu.yield
    }) : () -> ()
    %dma_start3A_27 = arith.constant 0 : i32
    %dma_start3A_28 = arith.constant 0 : i32
    %dma_start3A_29 = tpu.memref_slice %arg2[%dma_start3A_27, %dma_start3A_28] : memref<10000x16xf32, #tpu.memory_space<hbm>> -> memref<10000x16xf32, #tpu.memory_space<hbm>>
    tpu.enqueue_indirect_dma source(%dma_start3A_29 : memref<10000x16xf32, #tpu.memory_space<hbm>>) target(%arg12 : memref<2000x16xf32, #tpu.memory_space<vmem>>) offsets(%arg8 : memref<2000xi32, #tpu.memory_space<vmem>>) semaphore(%arg15 : memref<!tpu.dma_semaphore, #tpu.memory_space<semaphore_mem>>)
    %dma_wait3A_30 = arith.constant 0 : i32
    %dma_wait3A_31 = arith.constant 0 : i32
    %dma_wait3A_32 = tpu.memref_slice %arg2[%dma_wait3A_30, %dma_wait3A_31] : memref<10000x16xf32, #tpu.memory_space<hbm>> -> memref<10000x16xf32, #tpu.memory_space<hbm>>
    tpu.wait_indirect_dma semaphore(%arg16 : memref<!tpu.dma_semaphore, #tpu.memory_space<semaphore_mem>>) src(%dma_wait3A_32 : memref<10000x16xf32, #tpu.memory_space<hbm>>) dst(%arg13 : memref<2000x16xf32, #tpu.memory_space<vmem>>)
    "tpu.region"() ({
      %run_scoped3A_61 = tpu.sem_alloc : memref<!tpu.dma_semaphore, #tpu.memory_space<semaphore_mem>>
      %dma_start3A_62 = arith.constant 0 : i32
      %dma_start3A_63 = arith.constant 0 : i32
      %dma_start3A_64 = tpu.memref_slice %arg14[%dma_start3A_62, %dma_start3A_63] : memref<10240x16xf32, #tpu.memory_space<vmem_shared>> -> memref<10240x16xf32, #tpu.memory_space<vmem_shared>>
      tpu.enqueue_indirect_dma source(%arg13 : memref<2000x16xf32, #tpu.memory_space<vmem>>) target(%dma_start3A_64 : memref<10240x16xf32, #tpu.memory_space<vmem_shared>>) offsets(%arg11 : memref<2000xi32, #tpu.memory_space<vmem>>) semaphore(%run_scoped3A_61 : memref<!tpu.dma_semaphore, #tpu.memory_space<semaphore_mem>>) {add = true}
      %dma_wait3A_65 = arith.constant 0 : i32
      %dma_wait3A_66 = arith.constant 0 : i32
      %dma_wait3A_67 = tpu.memref_slice %arg14[%dma_wait3A_65, %dma_wait3A_66] : memref<10240x16xf32, #tpu.memory_space<vmem_shared>> -> memref<10240x16xf32, #tpu.memory_space<vmem_shared>>
      tpu.wait_indirect_dma semaphore(%run_scoped3A_61 : memref<!tpu.dma_semaphore, #tpu.memory_space<semaphore_mem>>) src(%arg13 : memref<2000x16xf32, #tpu.memory_space<vmem>>) dst(%dma_wait3A_67 : memref<10240x16xf32, #tpu.memory_space<vmem_shared>>)
      tpu.yield
    }) : () -> ()
    "tpu.region"() ({
      %run_scoped3A_61 = tpu.sem_alloc : memref<!tpu.dma_semaphore, #tpu.memory_space<semaphore_mem>>
      %dma_start3A_62 = arith.constant 0 : i32
      %dma_start3A_63 = arith.constant 0 : i32
      %dma_start3A_64 = tpu.memref_slice %arg18[%dma_start3A_62, %dma_start3A_63] : memref<10240x16xf32, #tpu.memory_space<vmem_shared>> -> memref<10240x16xf32, #tpu.memory_space<vmem_shared>>
      tpu.enqueue_indirect_dma source(%arg17 : memref<2000x16xf32, #tpu.memory_space<vmem>>) target(%dma_start3A_64 : memref<10240x16xf32, #tpu.memory_space<vmem_shared>>) offsets(%arg11 : memref<2000xi32, #tpu.memory_space<vmem>>) semaphore(%run_scoped3A_61 : memref<!tpu.dma_semaphore, #tpu.memory_space<semaphore_mem>>) {add = true}
      %dma_wait3A_65 = arith.constant 0 : i32
      %dma_wait3A_66 = arith.constant 0 : i32
      %dma_wait3A_67 = tpu.memref_slice %arg18[%dma_wait3A_65, %dma_wait3A_66] : memref<10240x16xf32, #tpu.memory_space<vmem_shared>> -> memref<10240x16xf32, #tpu.memory_space<vmem_shared>>
      tpu.wait_indirect_dma semaphore(%run_scoped3A_61 : memref<!tpu.dma_semaphore, #tpu.memory_space<semaphore_mem>>) src(%arg17 : memref<2000x16xf32, #tpu.memory_space<vmem>>) dst(%dma_wait3A_67 : memref<10240x16xf32, #tpu.memory_space<vmem_shared>>)
      tpu.yield
    }) : () -> ()
    %mul3A_33 = arith.constant 10000 : i32
    %mul3A_34 = arith.muli %add3A, %mul3A_33 : i32
    %add3A_35 = arith.constant 6000 : i32
    %add3A_36 = arith.addi %mul3A_34, %add3A_35 : i32
    %run_scoped3A_37 = arith.constant 0 : i32
    "tpu.region"() ({
      %run_scoped3A_61 = tpu.sem_alloc : memref<!tpu.dma_semaphore, #tpu.memory_space<semaphore_mem>>
      %dma_start3A_62 = tpu.memref_slice %arg3[%run_scoped3A_37, %add3A_36] : memref<2x320000xi32, #tpu.memory_space<hbm>> -> memref<1x2000xi32, #tpu.memory_space<hbm>>
      %dma_start3A_63 = tpu.memref_squeeze %dma_start3A_62 : memref<1x2000xi32, #tpu.memory_space<hbm>> -> memref<2000xi32, #tpu.memory_space<hbm>>
      %dma_start3A_64 = tpu.memref_slice %arg3[%run_scoped3A_37, %add3A_36] : memref<2x320000xi32, #tpu.memory_space<hbm>> -> memref<1x2000xi32, #tpu.memory_space<hbm>>
      %dma_start3A_65 = tpu.memref_squeeze %dma_start3A_64 : memref<1x2000xi32, #tpu.memory_space<hbm>> -> memref<2000xi32, #tpu.memory_space<hbm>>
      tpu.enqueue_dma source(%dma_start3A_65 : memref<2000xi32, #tpu.memory_space<hbm>>) target(%arg9 : memref<2000xi32, #tpu.memory_space<vmem>>) target_semaphore(%run_scoped3A_61 : memref<!tpu.dma_semaphore, #tpu.memory_space<semaphore_mem>>)
      %dma_wait3A_66 = tpu.memref_slice %arg3[%run_scoped3A_37, %add3A_36] : memref<2x320000xi32, #tpu.memory_space<hbm>> -> memref<1x2000xi32, #tpu.memory_space<hbm>>
      %dma_wait3A_67 = tpu.memref_squeeze %dma_wait3A_66 : memref<1x2000xi32, #tpu.memory_space<hbm>> -> memref<2000xi32, #tpu.memory_space<hbm>>
      %dma_wait3A_68 = tpu.memref_slice %arg3[%run_scoped3A_37, %add3A_36] : memref<2x320000xi32, #tpu.memory_space<hbm>> -> memref<1x2000xi32, #tpu.memory_space<hbm>>
      %dma_wait3A_69 = tpu.memref_squeeze %dma_wait3A_68 : memref<1x2000xi32, #tpu.memory_space<hbm>> -> memref<2000xi32, #tpu.memory_space<hbm>>
      tpu.wait_dma2 semaphore(%run_scoped3A_61 : memref<!tpu.dma_semaphore, #tpu.memory_space<semaphore_mem>>) src(%dma_wait3A_69 : memref<2000xi32, #tpu.memory_space<hbm>>) dst(%arg9 : memref<2000xi32, #tpu.memory_space<vmem>>)
      tpu.yield
    }) : () -> ()
    %run_scoped3A_38 = arith.constant 1 : i32
    "tpu.region"() ({
      %run_scoped3A_61 = tpu.sem_alloc : memref<!tpu.dma_semaphore, #tpu.memory_space<semaphore_mem>>
      %dma_start3A_62 = tpu.memref_slice %arg3[%run_scoped3A_38, %add3A_36] : memref<2x320000xi32, #tpu.memory_space<hbm>> -> memref<1x2000xi32, #tpu.memory_space<hbm>>
      %dma_start3A_63 = tpu.memref_squeeze %dma_start3A_62 : memref<1x2000xi32, #tpu.memory_space<hbm>> -> memref<2000xi32, #tpu.memory_space<hbm>>
      %dma_start3A_64 = tpu.memref_slice %arg3[%run_scoped3A_38, %add3A_36] : memref<2x320000xi32, #tpu.memory_space<hbm>> -> memref<1x2000xi32, #tpu.memory_space<hbm>>
      %dma_start3A_65 = tpu.memref_squeeze %dma_start3A_64 : memref<1x2000xi32, #tpu.memory_space<hbm>> -> memref<2000xi32, #tpu.memory_space<hbm>>
      tpu.enqueue_dma source(%dma_start3A_65 : memref<2000xi32, #tpu.memory_space<hbm>>) target(%arg11 : memref<2000xi32, #tpu.memory_space<vmem>>) target_semaphore(%run_scoped3A_61 : memref<!tpu.dma_semaphore, #tpu.memory_space<semaphore_mem>>)
      %dma_wait3A_66 = tpu.memref_slice %arg3[%run_scoped3A_38, %add3A_36] : memref<2x320000xi32, #tpu.memory_space<hbm>> -> memref<1x2000xi32, #tpu.memory_space<hbm>>
      %dma_wait3A_67 = tpu.memref_squeeze %dma_wait3A_66 : memref<1x2000xi32, #tpu.memory_space<hbm>> -> memref<2000xi32, #tpu.memory_space<hbm>>
      %dma_wait3A_68 = tpu.memref_slice %arg3[%run_scoped3A_38, %add3A_36] : memref<2x320000xi32, #tpu.memory_space<hbm>> -> memref<1x2000xi32, #tpu.memory_space<hbm>>
      %dma_wait3A_69 = tpu.memref_squeeze %dma_wait3A_68 : memref<1x2000xi32, #tpu.memory_space<hbm>> -> memref<2000xi32, #tpu.memory_space<hbm>>
      tpu.wait_dma2 semaphore(%run_scoped3A_61 : memref<!tpu.dma_semaphore, #tpu.memory_space<semaphore_mem>>) src(%dma_wait3A_69 : memref<2000xi32, #tpu.memory_space<hbm>>) dst(%arg11 : memref<2000xi32, #tpu.memory_space<vmem>>)
      tpu.yield
    }) : () -> ()
    %dma_start3A_39 = arith.constant 0 : i32
    %dma_start3A_40 = arith.constant 0 : i32
    %dma_start3A_41 = tpu.memref_slice %arg2[%dma_start3A_39, %dma_start3A_40] : memref<10000x16xf32, #tpu.memory_space<hbm>> -> memref<10000x16xf32, #tpu.memory_space<hbm>>
    tpu.enqueue_indirect_dma source(%dma_start3A_41 : memref<10000x16xf32, #tpu.memory_space<hbm>>) target(%arg13 : memref<2000x16xf32, #tpu.memory_space<vmem>>) offsets(%arg9 : memref<2000xi32, #tpu.memory_space<vmem>>) semaphore(%arg16 : memref<!tpu.dma_semaphore, #tpu.memory_space<semaphore_mem>>)
    %dma_wait3A_42 = arith.constant 0 : i32
    %dma_wait3A_43 = arith.constant 0 : i32
    %dma_wait3A_44 = tpu.memref_slice %arg2[%dma_wait3A_42, %dma_wait3A_43] : memref<10000x16xf32, #tpu.memory_space<hbm>> -> memref<10000x16xf32, #tpu.memory_space<hbm>>
    tpu.wait_indirect_dma semaphore(%arg15 : memref<!tpu.dma_semaphore, #tpu.memory_space<semaphore_mem>>) src(%dma_wait3A_44 : memref<10000x16xf32, #tpu.memory_space<hbm>>) dst(%arg12 : memref<2000x16xf32, #tpu.memory_space<vmem>>)
    "tpu.region"() ({
      %run_scoped3A_61 = tpu.sem_alloc : memref<!tpu.dma_semaphore, #tpu.memory_space<semaphore_mem>>
      %dma_start3A_62 = arith.constant 0 : i32
      %dma_start3A_63 = arith.constant 0 : i32
      %dma_start3A_64 = tpu.memref_slice %arg14[%dma_start3A_62, %dma_start3A_63] : memref<10240x16xf32, #tpu.memory_space<vmem_shared>> -> memref<10240x16xf32, #tpu.memory_space<vmem_shared>>
      tpu.enqueue_indirect_dma source(%arg12 : memref<2000x16xf32, #tpu.memory_space<vmem>>) target(%dma_start3A_64 : memref<10240x16xf32, #tpu.memory_space<vmem_shared>>) offsets(%arg10 : memref<2000xi32, #tpu.memory_space<vmem>>) semaphore(%run_scoped3A_61 : memref<!tpu.dma_semaphore, #tpu.memory_space<semaphore_mem>>) {add = true}
      %dma_wait3A_65 = arith.constant 0 : i32
      %dma_wait3A_66 = arith.constant 0 : i32
      %dma_wait3A_67 = tpu.memref_slice %arg14[%dma_wait3A_65, %dma_wait3A_66] : memref<10240x16xf32, #tpu.memory_space<vmem_shared>> -> memref<10240x16xf32, #tpu.memory_space<vmem_shared>>
      tpu.wait_indirect_dma semaphore(%run_scoped3A_61 : memref<!tpu.dma_semaphore, #tpu.memory_space<semaphore_mem>>) src(%arg12 : memref<2000x16xf32, #tpu.memory_space<vmem>>) dst(%dma_wait3A_67 : memref<10240x16xf32, #tpu.memory_space<vmem_shared>>)
      tpu.yield
    }) : () -> ()
    "tpu.region"() ({
      %run_scoped3A_61 = tpu.sem_alloc : memref<!tpu.dma_semaphore, #tpu.memory_space<semaphore_mem>>
      %dma_start3A_62 = arith.constant 0 : i32
      %dma_start3A_63 = arith.constant 0 : i32
      %dma_start3A_64 = tpu.memref_slice %arg18[%dma_start3A_62, %dma_start3A_63] : memref<10240x16xf32, #tpu.memory_space<vmem_shared>> -> memref<10240x16xf32, #tpu.memory_space<vmem_shared>>
      tpu.enqueue_indirect_dma source(%arg17 : memref<2000x16xf32, #tpu.memory_space<vmem>>) target(%dma_start3A_64 : memref<10240x16xf32, #tpu.memory_space<vmem_shared>>) offsets(%arg10 : memref<2000xi32, #tpu.memory_space<vmem>>) semaphore(%run_scoped3A_61 : memref<!tpu.dma_semaphore, #tpu.memory_space<semaphore_mem>>) {add = true}
      %dma_wait3A_65 = arith.constant 0 : i32
      %dma_wait3A_66 = arith.constant 0 : i32
      %dma_wait3A_67 = tpu.memref_slice %arg18[%dma_wait3A_65, %dma_wait3A_66] : memref<10240x16xf32, #tpu.memory_space<vmem_shared>> -> memref<10240x16xf32, #tpu.memory_space<vmem_shared>>
      tpu.wait_indirect_dma semaphore(%run_scoped3A_61 : memref<!tpu.dma_semaphore, #tpu.memory_space<semaphore_mem>>) src(%arg17 : memref<2000x16xf32, #tpu.memory_space<vmem>>) dst(%dma_wait3A_67 : memref<10240x16xf32, #tpu.memory_space<vmem_shared>>)
      tpu.yield
    }) : () -> ()
    %mul3A_45 = arith.constant 10000 : i32
    %mul3A_46 = arith.muli %add3A, %mul3A_45 : i32
    %add3A_47 = arith.constant 8000 : i32
    %add3A_48 = arith.addi %mul3A_46, %add3A_47 : i32
    %run_scoped3A_49 = arith.constant 0 : i32
    "tpu.region"() ({
      %run_scoped3A_61 = tpu.sem_alloc : memref<!tpu.dma_semaphore, #tpu.memory_space<semaphore_mem>>
      %dma_start3A_62 = tpu.memref_slice %arg3[%run_scoped3A_49, %add3A_48] : memref<2x320000xi32, #tpu.memory_space<hbm>> -> memref<1x2000xi32, #tpu.memory_space<hbm>>
      %dma_start3A_63 = tpu.memref_squeeze %dma_start3A_62 : memref<1x2000xi32, #tpu.memory_space<hbm>> -> memref<2000xi32, #tpu.memory_space<hbm>>
      %dma_start3A_64 = tpu.memref_slice %arg3[%run_scoped3A_49, %add3A_48] : memref<2x320000xi32, #tpu.memory_space<hbm>> -> memref<1x2000xi32, #tpu.memory_space<hbm>>
      %dma_start3A_65 = tpu.memref_squeeze %dma_start3A_64 : memref<1x2000xi32, #tpu.memory_space<hbm>> -> memref<2000xi32, #tpu.memory_space<hbm>>
      tpu.enqueue_dma source(%dma_start3A_65 : memref<2000xi32, #tpu.memory_space<hbm>>) target(%arg8 : memref<2000xi32, #tpu.memory_space<vmem>>) target_semaphore(%run_scoped3A_61 : memref<!tpu.dma_semaphore, #tpu.memory_space<semaphore_mem>>)
      %dma_wait3A_66 = tpu.memref_slice %arg3[%run_scoped3A_49, %add3A_48] : memref<2x320000xi32, #tpu.memory_space<hbm>> -> memref<1x2000xi32, #tpu.memory_space<hbm>>
      %dma_wait3A_67 = tpu.memref_squeeze %dma_wait3A_66 : memref<1x2000xi32, #tpu.memory_space<hbm>> -> memref<2000xi32, #tpu.memory_space<hbm>>
      %dma_wait3A_68 = tpu.memref_slice %arg3[%run_scoped3A_49, %add3A_48] : memref<2x320000xi32, #tpu.memory_space<hbm>> -> memref<1x2000xi32, #tpu.memory_space<hbm>>
      %dma_wait3A_69 = tpu.memref_squeeze %dma_wait3A_68 : memref<1x2000xi32, #tpu.memory_space<hbm>> -> memref<2000xi32, #tpu.memory_space<hbm>>
      tpu.wait_dma2 semaphore(%run_scoped3A_61 : memref<!tpu.dma_semaphore, #tpu.memory_space<semaphore_mem>>) src(%dma_wait3A_69 : memref<2000xi32, #tpu.memory_space<hbm>>) dst(%arg8 : memref<2000xi32, #tpu.memory_space<vmem>>)
      tpu.yield
    }) : () -> ()
    %run_scoped3A_50 = arith.constant 1 : i32
    "tpu.region"() ({
      %run_scoped3A_61 = tpu.sem_alloc : memref<!tpu.dma_semaphore, #tpu.memory_space<semaphore_mem>>
      %dma_start3A_62 = tpu.memref_slice %arg3[%run_scoped3A_50, %add3A_48] : memref<2x320000xi32, #tpu.memory_space<hbm>> -> memref<1x2000xi32, #tpu.memory_space<hbm>>
      %dma_start3A_63 = tpu.memref_squeeze %dma_start3A_62 : memref<1x2000xi32, #tpu.memory_space<hbm>> -> memref<2000xi32, #tpu.memory_space<hbm>>
      %dma_start3A_64 = tpu.memref_slice %arg3[%run_scoped3A_50, %add3A_48] : memref<2x320000xi32, #tpu.memory_space<hbm>> -> memref<1x2000xi32, #tpu.memory_space<hbm>>
      %dma_start3A_65 = tpu.memref_squeeze %dma_start3A_64 : memref<1x2000xi32, #tpu.memory_space<hbm>> -> memref<2000xi32, #tpu.memory_space<hbm>>
      tpu.enqueue_dma source(%dma_start3A_65 : memref<2000xi32, #tpu.memory_space<hbm>>) target(%arg10 : memref<2000xi32, #tpu.memory_space<vmem>>) target_semaphore(%run_scoped3A_61 : memref<!tpu.dma_semaphore, #tpu.memory_space<semaphore_mem>>)
      %dma_wait3A_66 = tpu.memref_slice %arg3[%run_scoped3A_50, %add3A_48] : memref<2x320000xi32, #tpu.memory_space<hbm>> -> memref<1x2000xi32, #tpu.memory_space<hbm>>
      %dma_wait3A_67 = tpu.memref_squeeze %dma_wait3A_66 : memref<1x2000xi32, #tpu.memory_space<hbm>> -> memref<2000xi32, #tpu.memory_space<hbm>>
      %dma_wait3A_68 = tpu.memref_slice %arg3[%run_scoped3A_50, %add3A_48] : memref<2x320000xi32, #tpu.memory_space<hbm>> -> memref<1x2000xi32, #tpu.memory_space<hbm>>
      %dma_wait3A_69 = tpu.memref_squeeze %dma_wait3A_68 : memref<1x2000xi32, #tpu.memory_space<hbm>> -> memref<2000xi32, #tpu.memory_space<hbm>>
      tpu.wait_dma2 semaphore(%run_scoped3A_61 : memref<!tpu.dma_semaphore, #tpu.memory_space<semaphore_mem>>) src(%dma_wait3A_69 : memref<2000xi32, #tpu.memory_space<hbm>>) dst(%arg10 : memref<2000xi32, #tpu.memory_space<vmem>>)
      tpu.yield
    }) : () -> ()
    %dma_start3A_51 = arith.constant 0 : i32
    %dma_start3A_52 = arith.constant 0 : i32
    %dma_start3A_53 = tpu.memref_slice %arg2[%dma_start3A_51, %dma_start3A_52] : memref<10000x16xf32, #tpu.memory_space<hbm>> -> memref<10000x16xf32, #tpu.memory_space<hbm>>
    tpu.enqueue_indirect_dma source(%dma_start3A_53 : memref<10000x16xf32, #tpu.memory_space<hbm>>) target(%arg12 : memref<2000x16xf32, #tpu.memory_space<vmem>>) offsets(%arg8 : memref<2000xi32, #tpu.memory_space<vmem>>) semaphore(%arg15 : memref<!tpu.dma_semaphore, #tpu.memory_space<semaphore_mem>>)
    %dma_wait3A_54 = arith.constant 0 : i32
    %dma_wait3A_55 = arith.constant 0 : i32
    %dma_wait3A_56 = tpu.memref_slice %arg2[%dma_wait3A_54, %dma_wait3A_55] : memref<10000x16xf32, #tpu.memory_space<hbm>> -> memref<10000x16xf32, #tpu.memory_space<hbm>>
    tpu.wait_indirect_dma semaphore(%arg16 : memref<!tpu.dma_semaphore, #tpu.memory_space<semaphore_mem>>) src(%dma_wait3A_56 : memref<10000x16xf32, #tpu.memory_space<hbm>>) dst(%arg13 : memref<2000x16xf32, #tpu.memory_space<vmem>>)
    "tpu.region"() ({
      %run_scoped3A_61 = tpu.sem_alloc : memref<!tpu.dma_semaphore, #tpu.memory_space<semaphore_mem>>
      %dma_start3A_62 = arith.constant 0 : i32
      %dma_start3A_63 = arith.constant 0 : i32
      %dma_start3A_64 = tpu.memref_slice %arg14[%dma_start3A_62, %dma_start3A_63] : memref<10240x16xf32, #tpu.memory_space<vmem_shared>> -> memref<10240x16xf32, #tpu.memory_space<vmem_shared>>
      tpu.enqueue_indirect_dma source(%arg13 : memref<2000x16xf32, #tpu.memory_space<vmem>>) target(%dma_start3A_64 : memref<10240x16xf32, #tpu.memory_space<vmem_shared>>) offsets(%arg11 : memref<2000xi32, #tpu.memory_space<vmem>>) semaphore(%run_scoped3A_61 : memref<!tpu.dma_semaphore, #tpu.memory_space<semaphore_mem>>) {add = true}
      %dma_wait3A_65 = arith.constant 0 : i32
      %dma_wait3A_66 = arith.constant 0 : i32
      %dma_wait3A_67 = tpu.memref_slice %arg14[%dma_wait3A_65, %dma_wait3A_66] : memref<10240x16xf32, #tpu.memory_space<vmem_shared>> -> memref<10240x16xf32, #tpu.memory_space<vmem_shared>>
      tpu.wait_indirect_dma semaphore(%run_scoped3A_61 : memref<!tpu.dma_semaphore, #tpu.memory_space<semaphore_mem>>) src(%arg13 : memref<2000x16xf32, #tpu.memory_space<vmem>>) dst(%dma_wait3A_67 : memref<10240x16xf32, #tpu.memory_space<vmem_shared>>)
      tpu.yield
    }) : () -> ()
    "tpu.region"() ({
      %run_scoped3A_61 = tpu.sem_alloc : memref<!tpu.dma_semaphore, #tpu.memory_space<semaphore_mem>>
      %dma_start3A_62 = arith.constant 0 : i32
      %dma_start3A_63 = arith.constant 0 : i32
      %dma_start3A_64 = tpu.memref_slice %arg18[%dma_start3A_62, %dma_start3A_63] : memref<10240x16xf32, #tpu.memory_space<vmem_shared>> -> memref<10240x16xf32, #tpu.memory_space<vmem_shared>>
      tpu.enqueue_indirect_dma source(%arg17 : memref<2000x16xf32, #tpu.memory_space<vmem>>) target(%dma_start3A_64 : memref<10240x16xf32, #tpu.memory_space<vmem_shared>>) offsets(%arg11 : memref<2000xi32, #tpu.memory_space<vmem>>) semaphore(%run_scoped3A_61 : memref<!tpu.dma_semaphore, #tpu.memory_space<semaphore_mem>>) {add = true}
      %dma_wait3A_65 = arith.constant 0 : i32
      %dma_wait3A_66 = arith.constant 0 : i32
      %dma_wait3A_67 = tpu.memref_slice %arg18[%dma_wait3A_65, %dma_wait3A_66] : memref<10240x16xf32, #tpu.memory_space<vmem_shared>> -> memref<10240x16xf32, #tpu.memory_space<vmem_shared>>
      tpu.wait_indirect_dma semaphore(%run_scoped3A_61 : memref<!tpu.dma_semaphore, #tpu.memory_space<semaphore_mem>>) src(%arg17 : memref<2000x16xf32, #tpu.memory_space<vmem>>) dst(%dma_wait3A_67 : memref<10240x16xf32, #tpu.memory_space<vmem_shared>>)
      tpu.yield
    }) : () -> ()
    %dma_wait3A_57 = arith.constant 0 : i32
    %dma_wait3A_58 = arith.constant 0 : i32
    %dma_wait3A_59 = tpu.memref_slice %arg2[%dma_wait3A_57, %dma_wait3A_58] : memref<10000x16xf32, #tpu.memory_space<hbm>> -> memref<10000x16xf32, #tpu.memory_space<hbm>>
    tpu.wait_indirect_dma semaphore(%arg15 : memref<!tpu.dma_semaphore, #tpu.memory_space<semaphore_mem>>) src(%dma_wait3A_59 : memref<10000x16xf32, #tpu.memory_space<hbm>>) dst(%arg12 : memref<2000x16xf32, #tpu.memory_space<vmem>>)
    "tpu.region"() ({
      %run_scoped3A_61 = tpu.sem_alloc : memref<!tpu.dma_semaphore, #tpu.memory_space<semaphore_mem>>
      %dma_start3A_62 = arith.constant 0 : i32
      %dma_start3A_63 = arith.constant 0 : i32
      %dma_start3A_64 = tpu.memref_slice %arg14[%dma_start3A_62, %dma_start3A_63] : memref<10240x16xf32, #tpu.memory_space<vmem_shared>> -> memref<10240x16xf32, #tpu.memory_space<vmem_shared>>
      tpu.enqueue_indirect_dma source(%arg12 : memref<2000x16xf32, #tpu.memory_space<vmem>>) target(%dma_start3A_64 : memref<10240x16xf32, #tpu.memory_space<vmem_shared>>) offsets(%arg10 : memref<2000xi32, #tpu.memory_space<vmem>>) semaphore(%run_scoped3A_61 : memref<!tpu.dma_semaphore, #tpu.memory_space<semaphore_mem>>) {add = true}
      %dma_wait3A_65 = arith.constant 0 : i32
      %dma_wait3A_66 = arith.constant 0 : i32
      %dma_wait3A_67 = tpu.memref_slice %arg14[%dma_wait3A_65, %dma_wait3A_66] : memref<10240x16xf32, #tpu.memory_space<vmem_shared>> -> memref<10240x16xf32, #tpu.memory_space<vmem_shared>>
      tpu.wait_indirect_dma semaphore(%run_scoped3A_61 : memref<!tpu.dma_semaphore, #tpu.memory_space<semaphore_mem>>) src(%arg12 : memref<2000x16xf32, #tpu.memory_space<vmem>>) dst(%dma_wait3A_67 : memref<10240x16xf32, #tpu.memory_space<vmem_shared>>)
      tpu.yield
    }) : () -> ()
    "tpu.region"() ({
      %run_scoped3A_61 = tpu.sem_alloc : memref<!tpu.dma_semaphore, #tpu.memory_space<semaphore_mem>>
      %dma_start3A_62 = arith.constant 0 : i32
      %dma_start3A_63 = arith.constant 0 : i32
      %dma_start3A_64 = tpu.memref_slice %arg18[%dma_start3A_62, %dma_start3A_63] : memref<10240x16xf32, #tpu.memory_space<vmem_shared>> -> memref<10240x16xf32, #tpu.memory_space<vmem_shared>>
      tpu.enqueue_indirect_dma source(%arg17 : memref<2000x16xf32, #tpu.memory_space<vmem>>) target(%dma_start3A_64 : memref<10240x16xf32, #tpu.memory_space<vmem_shared>>) offsets(%arg10 : memref<2000xi32, #tpu.memory_space<vmem>>) semaphore(%run_scoped3A_61 : memref<!tpu.dma_semaphore, #tpu.memory_space<semaphore_mem>>) {add = true}
      %dma_wait3A_65 = arith.constant 0 : i32
      %dma_wait3A_66 = arith.constant 0 : i32
      %dma_wait3A_67 = tpu.memref_slice %arg18[%dma_wait3A_65, %dma_wait3A_66] : memref<10240x16xf32, #tpu.memory_space<vmem_shared>> -> memref<10240x16xf32, #tpu.memory_space<vmem_shared>>
      tpu.wait_indirect_dma semaphore(%run_scoped3A_61 : memref<!tpu.dma_semaphore, #tpu.memory_space<semaphore_mem>>) src(%arg17 : memref<2000x16xf32, #tpu.memory_space<vmem>>) dst(%dma_wait3A_67 : memref<10240x16xf32, #tpu.memory_space<vmem_shared>>)
      tpu.yield
    }) : () -> ()
    %barrier3A_60 = arith.constant 0 : index
    tpu.barrier barrier_id(%barrier3A_60)
    "tpu.region"() ({
      %run_scoped3A_61 = tpu.sem_alloc : memref<!tpu.dma_semaphore, #tpu.memory_space<semaphore_mem>>
      %dma_start3A_62 = arith.constant 0 : i32
      %dma_start3A_63 = tpu.memref_slice %arg6[%arg0, %mul3A_2, %dma_start3A_62] : memref<2x10240x16xf32, #tpu.memory_space<hbm>> -> memref<1x640x16xf32, #tpu.memory_space<hbm>>
      %dma_start3A_64 = tpu.memref_squeeze %dma_start3A_63 : memref<1x640x16xf32, #tpu.memory_space<hbm>> -> memref<640x16xf32, #tpu.memory_space<hbm>>
      %dma_start3A_65 = arith.constant 0 : i32
      %dma_start3A_66 = tpu.memref_slice %arg14[%mul3A_2, %dma_start3A_65] : memref<10240x16xf32, #tpu.memory_space<vmem_shared>> -> memref<640x16xf32, #tpu.memory_space<vmem_shared>>
      tpu.enqueue_dma source(%dma_start3A_66 : memref<640x16xf32, #tpu.memory_space<vmem_shared>>) target(%dma_start3A_64 : memref<640x16xf32, #tpu.memory_space<hbm>>) target_semaphore(%run_scoped3A_61 : memref<!tpu.dma_semaphore, #tpu.memory_space<semaphore_mem>>)
      %dma_wait3A_67 = arith.constant 0 : i32
      %dma_wait3A_68 = tpu.memref_slice %arg6[%arg0, %mul3A_2, %dma_wait3A_67] : memref<2x10240x16xf32, #tpu.memory_space<hbm>> -> memref<1x640x16xf32, #tpu.memory_space<hbm>>
      %dma_wait3A_69 = tpu.memref_squeeze %dma_wait3A_68 : memref<1x640x16xf32, #tpu.memory_space<hbm>> -> memref<640x16xf32, #tpu.memory_space<hbm>>
      %dma_wait3A_70 = arith.constant 0 : i32
      %dma_wait3A_71 = tpu.memref_slice %arg14[%mul3A_2, %dma_wait3A_70] : memref<10240x16xf32, #tpu.memory_space<vmem_shared>> -> memref<640x16xf32, #tpu.memory_space<vmem_shared>>
      tpu.wait_dma2 semaphore(%run_scoped3A_61 : memref<!tpu.dma_semaphore, #tpu.memory_space<semaphore_mem>>) src(%dma_wait3A_71 : memref<640x16xf32, #tpu.memory_space<vmem_shared>>) dst(%dma_wait3A_69 : memref<640x16xf32, #tpu.memory_space<hbm>>)
      tpu.yield
    }) : () -> ()
    "tpu.region"() ({
      %run_scoped3A_61 = tpu.sem_alloc : memref<!tpu.dma_semaphore, #tpu.memory_space<semaphore_mem>>
      %dma_start3A_62 = arith.constant 0 : i32
      %dma_start3A_63 = tpu.memref_slice %arg7[%arg0, %mul3A_2, %dma_start3A_62] : memref<2x10240x16xf32, #tpu.memory_space<hbm>> -> memref<1x640x16xf32, #tpu.memory_space<hbm>>
      %dma_start3A_64 = tpu.memref_squeeze %dma_start3A_63 : memref<1x640x16xf32, #tpu.memory_space<hbm>> -> memref<640x16xf32, #tpu.memory_space<hbm>>
      %dma_start3A_65 = arith.constant 0 : i32
      %dma_start3A_66 = tpu.memref_slice %arg18[%mul3A_2, %dma_start3A_65] : memref<10240x16xf32, #tpu.memory_space<vmem_shared>> -> memref<640x16xf32, #tpu.memory_space<vmem_shared>>
      tpu.enqueue_dma source(%dma_start3A_66 : memref<640x16xf32, #tpu.memory_space<vmem_shared>>) target(%dma_start3A_64 : memref<640x16xf32, #tpu.memory_space<hbm>>) target_semaphore(%run_scoped3A_61 : memref<!tpu.dma_semaphore, #tpu.memory_space<semaphore_mem>>)
      %dma_wait3A_67 = arith.constant 0 : i32
      %dma_wait3A_68 = tpu.memref_slice %arg7[%arg0, %mul3A_2, %dma_wait3A_67] : memref<2x10240x16xf32, #tpu.memory_space<hbm>> -> memref<1x640x16xf32, #tpu.memory_space<hbm>>
      %dma_wait3A_69 = tpu.memref_squeeze %dma_wait3A_68 : memref<1x640x16xf32, #tpu.memory_space<hbm>> -> memref<640x16xf32, #tpu.memory_space<hbm>>
      %dma_wait3A_70 = arith.constant 0 : i32
      %dma_wait3A_71 = tpu.memref_slice %arg18[%mul3A_2, %dma_wait3A_70] : memref<10240x16xf32, #tpu.memory_space<vmem_shared>> -> memref<640x16xf32, #tpu.memory_space<vmem_shared>>
      tpu.wait_dma2 semaphore(%run_scoped3A_61 : memref<!tpu.dma_semaphore, #tpu.memory_space<semaphore_mem>>) src(%dma_wait3A_71 : memref<640x16xf32, #tpu.memory_space<vmem_shared>>) dst(%dma_wait3A_69 : memref<640x16xf32, #tpu.memory_space<hbm>>)
      tpu.yield
    }) : () -> ()
    return
  }
}

module attributes {stable_mosaic.version = 14 : i64} {
  func.func @_proj_body(%arg0: memref<10000x128xf32, #tpu.memory_space<vmem>>, %arg1: memref<128x16xf32, #tpu.memory_space<vmem>>, %arg2: memref<128x16xf32, #tpu.memory_space<vmem>>, %arg3: memref<1250x128xf32, #tpu.memory_space<vmem>>, %arg4: memref<1280x128xf32, #tpu.memory_space<vmem>>) attributes {dimension_semantics = [], scalar_prefetch = 0 : i64, scratch_operands = 0 : i64, tpu.core_type = #tpu.core_type<tc>} {
    %get3A = arith.constant 0 : index
    %get3A_0 = arith.constant 0 : index
    %get3A_1 = vector.load %arg0[%get3A, %get3A_0] : memref<10000x128xf32, #tpu.memory_space<vmem>>, vector<10000x128xf32>
    %reshape3A = vector.shape_cast %get3A_1 : vector<10000x128xf32> to vector<1250x1024xf32>
    %get3A_2 = arith.constant 0 : index
    %get3A_3 = arith.constant 0 : index
    %get3A_4 = vector.load %arg1[%get3A_2, %get3A_3] : memref<128x16xf32, #tpu.memory_space<vmem>>, vector<128x16xf32>
    %tile3A = tpu.concatenate %get3A_4, %get3A_4, %get3A_4, %get3A_4, %get3A_4, %get3A_4, %get3A_4, %get3A_4 in 0 : vector<128x16xf32>, vector<128x16xf32>, vector<128x16xf32>, vector<128x16xf32>, vector<128x16xf32>, vector<128x16xf32>, vector<128x16xf32>, vector<128x16xf32> -> vector<1024x16xf32>
    %tile3A_5 = tpu.concatenate %tile3A, %tile3A, %tile3A, %tile3A, %tile3A, %tile3A, %tile3A, %tile3A in 1 : vector<1024x16xf32>, vector<1024x16xf32>, vector<1024x16xf32>, vector<1024x16xf32>, vector<1024x16xf32>, vector<1024x16xf32>, vector<1024x16xf32>, vector<1024x16xf32> -> vector<1024x128xf32>
    %iota3A = tpu.iota {dimensions = array<i32: 0>} : vector<1024x128xi32>
    %jit3A = arith.constant 128 : i32
    %div3A = vector.broadcast %jit3A : i32 to vector<1024x128xi32>
    %div3A_6 = arith.divsi %iota3A, %div3A : vector<1024x128xi32>
    %sign3A = arith.constant 0 : i32
    %sign3A_7 = vector.broadcast %sign3A : i32 to vector<1024x128xi32>
    %sign3A_8 = arith.cmpi sgt, %iota3A, %sign3A_7 : vector<1024x128xi32>
    %sign3A_9 = arith.extui %sign3A_8 : vector<1024x128xi1> to vector<1024x128xi32>
    %sign3A_10 = arith.constant 0 : i32
    %sign3A_11 = vector.broadcast %sign3A_10 : i32 to vector<1024x128xi32>
    %sign3A_12 = arith.cmpi slt, %iota3A, %sign3A_11 : vector<1024x128xi32>
    %sign3A_13 = arith.extui %sign3A_12 : vector<1024x128xi1> to vector<1024x128xi32>
    %sign3A_14 = arith.subi %sign3A_9, %sign3A_13 : vector<1024x128xi32>
    %sign3A_15 = arith.constant 0 : i32
    %sign3A_16 = arith.cmpi sgt, %jit3A, %sign3A_15 : i32
    %sign3A_17 = arith.extui %sign3A_16 : i1 to i32
    %sign3A_18 = arith.constant 0 : i32
    %sign3A_19 = arith.cmpi slt, %jit3A, %sign3A_18 : i32
    %sign3A_20 = arith.extui %sign3A_19 : i1 to i32
    %sign3A_21 = arith.subi %sign3A_17, %sign3A_20 : i32
    %ne3A = vector.broadcast %sign3A_21 : i32 to vector<1024x128xi32>
    %ne3A_22 = arith.cmpi ne, %sign3A_14, %ne3A : vector<1024x128xi32>
    %rem3A = vector.broadcast %jit3A : i32 to vector<1024x128xi32>
    %rem3A_23 = arith.remsi %iota3A, %rem3A : vector<1024x128xi32>
    %ne3A_24 = arith.constant 0 : i32
    %ne3A_25 = vector.broadcast %ne3A_24 : i32 to vector<1024x128xi32>
    %ne3A_26 = arith.cmpi ne, %rem3A_23, %ne3A_25 : vector<1024x128xi32>
    %and3A = arith.andi %ne3A_22, %ne3A_26 : vector<1024x128xi1>
    %sub3A = arith.constant 1 : i32
    %sub3A_27 = vector.broadcast %sub3A : i32 to vector<1024x128xi32>
    %sub3A_28 = arith.subi %div3A_6, %sub3A_27 : vector<1024x128xi32>
    %select_n3A = arith.select %and3A, %sub3A_28, %div3A_6 : vector<1024x128xi1>, vector<1024x128xi32>
    %iota3A_29 = tpu.iota {dimensions = array<i32: 1>} : vector<1024x128xi32>
    %jit3A_30 = arith.constant 16 : i32
    %div3A_31 = vector.broadcast %jit3A_30 : i32 to vector<1024x128xi32>
    %div3A_32 = arith.divsi %iota3A_29, %div3A_31 : vector<1024x128xi32>
    %sign3A_33 = arith.constant 0 : i32
    %sign3A_34 = vector.broadcast %sign3A_33 : i32 to vector<1024x128xi32>
    %sign3A_35 = arith.cmpi sgt, %iota3A_29, %sign3A_34 : vector<1024x128xi32>
    %sign3A_36 = arith.extui %sign3A_35 : vector<1024x128xi1> to vector<1024x128xi32>
    %sign3A_37 = arith.constant 0 : i32
    %sign3A_38 = vector.broadcast %sign3A_37 : i32 to vector<1024x128xi32>
    %sign3A_39 = arith.cmpi slt, %iota3A_29, %sign3A_38 : vector<1024x128xi32>
    %sign3A_40 = arith.extui %sign3A_39 : vector<1024x128xi1> to vector<1024x128xi32>
    %sign3A_41 = arith.subi %sign3A_36, %sign3A_40 : vector<1024x128xi32>
    %sign3A_42 = arith.constant 0 : i32
    %sign3A_43 = arith.cmpi sgt, %jit3A_30, %sign3A_42 : i32
    %sign3A_44 = arith.extui %sign3A_43 : i1 to i32
    %sign3A_45 = arith.constant 0 : i32
    %sign3A_46 = arith.cmpi slt, %jit3A_30, %sign3A_45 : i32
    %sign3A_47 = arith.extui %sign3A_46 : i1 to i32
    %sign3A_48 = arith.subi %sign3A_44, %sign3A_47 : i32
    %ne3A_49 = vector.broadcast %sign3A_48 : i32 to vector<1024x128xi32>
    %ne3A_50 = arith.cmpi ne, %sign3A_41, %ne3A_49 : vector<1024x128xi32>
    %rem3A_51 = vector.broadcast %jit3A_30 : i32 to vector<1024x128xi32>
    %rem3A_52 = arith.remsi %iota3A_29, %rem3A_51 : vector<1024x128xi32>
    %ne3A_53 = arith.constant 0 : i32
    %ne3A_54 = vector.broadcast %ne3A_53 : i32 to vector<1024x128xi32>
    %ne3A_55 = arith.cmpi ne, %rem3A_52, %ne3A_54 : vector<1024x128xi32>
    %and3A_56 = arith.andi %ne3A_50, %ne3A_55 : vector<1024x128xi1>
    %sub3A_57 = arith.constant 1 : i32
    %sub3A_58 = vector.broadcast %sub3A_57 : i32 to vector<1024x128xi32>
    %sub3A_59 = arith.subi %div3A_32, %sub3A_58 : vector<1024x128xi32>
    %select_n3A_60 = arith.select %and3A_56, %sub3A_59, %div3A_32 : vector<1024x128xi1>, vector<1024x128xi32>
    %eq3A = arith.cmpi eq, %select_n3A, %select_n3A_60 : vector<1024x128xi32>
    %jit3A_61 = arith.constant 0.000000e+00 : f32
    %broadcast_in_dim3A = vector.broadcast %jit3A_61 : f32 to vector<1024x128xf32>
    %select_n3A_62 = arith.select %eq3A, %tile3A_5, %broadcast_in_dim3A : vector<1024x128xi1>, vector<1024x128xf32>
    %get3A_63 = arith.constant 0 : index
    %get3A_64 = arith.constant 0 : index
    %get3A_65 = vector.load %arg2[%get3A_63, %get3A_64] : memref<128x16xf32, #tpu.memory_space<vmem>>, vector<128x16xf32>
    %tile3A_66 = tpu.concatenate %get3A_65, %get3A_65, %get3A_65, %get3A_65, %get3A_65, %get3A_65, %get3A_65, %get3A_65 in 0 : vector<128x16xf32>, vector<128x16xf32>, vector<128x16xf32>, vector<128x16xf32>, vector<128x16xf32>, vector<128x16xf32>, vector<128x16xf32>, vector<128x16xf32> -> vector<1024x16xf32>
    %tile3A_67 = tpu.concatenate %tile3A_66, %tile3A_66, %tile3A_66, %tile3A_66, %tile3A_66, %tile3A_66, %tile3A_66, %tile3A_66 in 1 : vector<1024x16xf32>, vector<1024x16xf32>, vector<1024x16xf32>, vector<1024x16xf32>, vector<1024x16xf32>, vector<1024x16xf32>, vector<1024x16xf32>, vector<1024x16xf32> -> vector<1024x128xf32>
    %iota3A_68 = tpu.iota {dimensions = array<i32: 0>} : vector<1024x128xi32>
    %jit3A_69 = arith.constant 128 : i32
    %div3A_70 = vector.broadcast %jit3A_69 : i32 to vector<1024x128xi32>
    %div3A_71 = arith.divsi %iota3A_68, %div3A_70 : vector<1024x128xi32>
    %sign3A_72 = arith.constant 0 : i32
    %sign3A_73 = vector.broadcast %sign3A_72 : i32 to vector<1024x128xi32>
    %sign3A_74 = arith.cmpi sgt, %iota3A_68, %sign3A_73 : vector<1024x128xi32>
    %sign3A_75 = arith.extui %sign3A_74 : vector<1024x128xi1> to vector<1024x128xi32>
    %sign3A_76 = arith.constant 0 : i32
    %sign3A_77 = vector.broadcast %sign3A_76 : i32 to vector<1024x128xi32>
    %sign3A_78 = arith.cmpi slt, %iota3A_68, %sign3A_77 : vector<1024x128xi32>
    %sign3A_79 = arith.extui %sign3A_78 : vector<1024x128xi1> to vector<1024x128xi32>
    %sign3A_80 = arith.subi %sign3A_75, %sign3A_79 : vector<1024x128xi32>
    %sign3A_81 = arith.constant 0 : i32
    %sign3A_82 = arith.cmpi sgt, %jit3A_69, %sign3A_81 : i32
    %sign3A_83 = arith.extui %sign3A_82 : i1 to i32
    %sign3A_84 = arith.constant 0 : i32
    %sign3A_85 = arith.cmpi slt, %jit3A_69, %sign3A_84 : i32
    %sign3A_86 = arith.extui %sign3A_85 : i1 to i32
    %sign3A_87 = arith.subi %sign3A_83, %sign3A_86 : i32
    %ne3A_88 = vector.broadcast %sign3A_87 : i32 to vector<1024x128xi32>
    %ne3A_89 = arith.cmpi ne, %sign3A_80, %ne3A_88 : vector<1024x128xi32>
    %rem3A_90 = vector.broadcast %jit3A_69 : i32 to vector<1024x128xi32>
    %rem3A_91 = arith.remsi %iota3A_68, %rem3A_90 : vector<1024x128xi32>
    %ne3A_92 = arith.constant 0 : i32
    %ne3A_93 = vector.broadcast %ne3A_92 : i32 to vector<1024x128xi32>
    %ne3A_94 = arith.cmpi ne, %rem3A_91, %ne3A_93 : vector<1024x128xi32>
    %and3A_95 = arith.andi %ne3A_89, %ne3A_94 : vector<1024x128xi1>
    %sub3A_96 = arith.constant 1 : i32
    %sub3A_97 = vector.broadcast %sub3A_96 : i32 to vector<1024x128xi32>
    %sub3A_98 = arith.subi %div3A_71, %sub3A_97 : vector<1024x128xi32>
    %select_n3A_99 = arith.select %and3A_95, %sub3A_98, %div3A_71 : vector<1024x128xi1>, vector<1024x128xi32>
    %iota3A_100 = tpu.iota {dimensions = array<i32: 1>} : vector<1024x128xi32>
    %jit3A_101 = arith.constant 16 : i32
    %div3A_102 = vector.broadcast %jit3A_101 : i32 to vector<1024x128xi32>
    %div3A_103 = arith.divsi %iota3A_100, %div3A_102 : vector<1024x128xi32>
    %sign3A_104 = arith.constant 0 : i32
    %sign3A_105 = vector.broadcast %sign3A_104 : i32 to vector<1024x128xi32>
    %sign3A_106 = arith.cmpi sgt, %iota3A_100, %sign3A_105 : vector<1024x128xi32>
    %sign3A_107 = arith.extui %sign3A_106 : vector<1024x128xi1> to vector<1024x128xi32>
    %sign3A_108 = arith.constant 0 : i32
    %sign3A_109 = vector.broadcast %sign3A_108 : i32 to vector<1024x128xi32>
    %sign3A_110 = arith.cmpi slt, %iota3A_100, %sign3A_109 : vector<1024x128xi32>
    %sign3A_111 = arith.extui %sign3A_110 : vector<1024x128xi1> to vector<1024x128xi32>
    %sign3A_112 = arith.subi %sign3A_107, %sign3A_111 : vector<1024x128xi32>
    %sign3A_113 = arith.constant 0 : i32
    %sign3A_114 = arith.cmpi sgt, %jit3A_101, %sign3A_113 : i32
    %sign3A_115 = arith.extui %sign3A_114 : i1 to i32
    %sign3A_116 = arith.constant 0 : i32
    %sign3A_117 = arith.cmpi slt, %jit3A_101, %sign3A_116 : i32
    %sign3A_118 = arith.extui %sign3A_117 : i1 to i32
    %sign3A_119 = arith.subi %sign3A_115, %sign3A_118 : i32
    %ne3A_120 = vector.broadcast %sign3A_119 : i32 to vector<1024x128xi32>
    %ne3A_121 = arith.cmpi ne, %sign3A_112, %ne3A_120 : vector<1024x128xi32>
    %rem3A_122 = vector.broadcast %jit3A_101 : i32 to vector<1024x128xi32>
    %rem3A_123 = arith.remsi %iota3A_100, %rem3A_122 : vector<1024x128xi32>
    %ne3A_124 = arith.constant 0 : i32
    %ne3A_125 = vector.broadcast %ne3A_124 : i32 to vector<1024x128xi32>
    %ne3A_126 = arith.cmpi ne, %rem3A_123, %ne3A_125 : vector<1024x128xi32>
    %and3A_127 = arith.andi %ne3A_121, %ne3A_126 : vector<1024x128xi1>
    %sub3A_128 = arith.constant 1 : i32
    %sub3A_129 = vector.broadcast %sub3A_128 : i32 to vector<1024x128xi32>
    %sub3A_130 = arith.subi %div3A_103, %sub3A_129 : vector<1024x128xi32>
    %select_n3A_131 = arith.select %and3A_127, %sub3A_130, %div3A_103 : vector<1024x128xi1>, vector<1024x128xi32>
    %eq3A_132 = arith.cmpi eq, %select_n3A_99, %select_n3A_131 : vector<1024x128xi32>
    %jit3A_133 = arith.constant 0.000000e+00 : f32
    %broadcast_in_dim3A_134 = vector.broadcast %jit3A_133 : f32 to vector<1024x128xf32>
    %select_n3A_135 = arith.select %eq3A_132, %tile3A_67, %broadcast_in_dim3A_134 : vector<1024x128xi1>, vector<1024x128xf32>
    %dot_general3A = arith.constant dense<0.000000e+00> : vector<1250x128xf32>
    %dot_general3A_136 = tpu.matmul %reshape3A, %select_n3A_62, %dot_general3A {dimension_numbers = #tpu.dot_dimension_numbers<[1], [0], [0], [1], [0, 0, 1, 1], [], []>, transpose_lhs_hint = false} : vector<1250x1024xf32>, vector<1024x128xf32>, vector<1250x128xf32> -> vector<1250x128xf32>
    %swap3A = arith.constant 0 : index
    %swap3A_137 = arith.constant 0 : index
    %swap3A_138 = vector.load %arg3[%swap3A, %swap3A_137] : memref<1250x128xf32, #tpu.memory_space<vmem>>, vector<1250x128xf32>
    tpu.vector_store %arg3[%swap3A, %swap3A_137], %dot_general3A_136 {strides = array<i32>} : memref<1250x128xf32, #tpu.memory_space<vmem>>, vector<1250x128xf32>,
    %dot_general3A_139 = arith.constant dense<0.000000e+00> : vector<1250x128xf32>
    %dot_general3A_140 = tpu.matmul %reshape3A, %select_n3A_135, %dot_general3A_139 {dimension_numbers = #tpu.dot_dimension_numbers<[1], [0], [0], [1], [0, 0, 1, 1], [], []>, transpose_lhs_hint = false} : vector<1250x1024xf32>, vector<1024x128xf32>, vector<1250x128xf32> -> vector<1250x128xf32>
    %swap3A_141 = arith.constant 0 : index
    %swap3A_142 = arith.constant 0 : index
    %swap3A_143 = vector.load %arg4[%swap3A_141, %swap3A_142] : memref<1280x128xf32, #tpu.memory_space<vmem>>, vector<1250x128xf32>
    tpu.vector_store %arg4[%swap3A_141, %swap3A_142], %dot_general3A_140 {strides = array<i32>} : memref<1280x128xf32, #tpu.memory_space<vmem>>, vector<1250x128xf32>,
    %broadcast_in_dim3A_144 = arith.constant 0.000000e+00 : f32
    %broadcast_in_dim3A_145 = vector.broadcast %broadcast_in_dim3A_144 : f32 to vector<30x128xf32>
    %swap3A_146 = arith.constant 1250 : index
    %swap3A_147 = arith.constant 0 : index
    %swap3A_148 = vector.load %arg4[%swap3A_146, %swap3A_147] : memref<1280x128xf32, #tpu.memory_space<vmem>>, vector<30x128xf32>
    tpu.vector_store %arg4[%swap3A_146, %swap3A_147], %broadcast_in_dim3A_145 {strides = array<i32>} : memref<1280x128xf32, #tpu.memory_space<vmem>>, vector<30x128xf32>,
    return
  }
}

module attributes {stable_mosaic.version = 14 : i64} {
  func.func @_post2_body(%arg0: memref<2x1280x128xf32, #tpu.memory_space<vmem>>, %arg1: memref<2x1280x128xf32, #tpu.memory_space<vmem>>, %arg2: memref<2x1280x128xf32, #tpu.memory_space<vmem>>, %arg3: memref<16x128xf32, #tpu.memory_space<vmem>>, %arg4: memref<16x128xf32, #tpu.memory_space<vmem>>, %arg5: memref<1x128xf32, #tpu.memory_space<vmem>>, %arg6: memref<10000x128xf32, #tpu.memory_space<vmem>>) attributes {dimension_semantics = [], scalar_prefetch = 0 : i64, scratch_operands = 0 : i64, tpu.core_type = #tpu.core_type<tc>} {
    %get3A = arith.constant 0 : index
    %get3A_0 = arith.constant 0 : index
    %get3A_1 = vector.load %arg3[%get3A, %get3A_0] : memref<16x128xf32, #tpu.memory_space<vmem>>, vector<16x128xf32>
    %tile3A = tpu.concatenate %get3A_1, %get3A_1, %get3A_1, %get3A_1, %get3A_1, %get3A_1, %get3A_1, %get3A_1 in 0 : vector<16x128xf32>, vector<16x128xf32>, vector<16x128xf32>, vector<16x128xf32>, vector<16x128xf32>, vector<16x128xf32>, vector<16x128xf32>, vector<16x128xf32> -> vector<128x128xf32>
    %tile3A_2 = tpu.concatenate %tile3A, %tile3A, %tile3A, %tile3A, %tile3A, %tile3A, %tile3A, %tile3A in 1 : vector<128x128xf32>, vector<128x128xf32>, vector<128x128xf32>, vector<128x128xf32>, vector<128x128xf32>, vector<128x128xf32>, vector<128x128xf32>, vector<128x128xf32> -> vector<128x1024xf32>
    %iota3A = tpu.iota {dimensions = array<i32: 0>} : vector<128x1024xi32>
    %jit3A = arith.constant 16 : i32
    %div3A = vector.broadcast %jit3A : i32 to vector<128x1024xi32>
    %div3A_3 = arith.divsi %iota3A, %div3A : vector<128x1024xi32>
    %sign3A = arith.constant 0 : i32
    %sign3A_4 = vector.broadcast %sign3A : i32 to vector<128x1024xi32>
    %sign3A_5 = arith.cmpi sgt, %iota3A, %sign3A_4 : vector<128x1024xi32>
    %sign3A_6 = arith.extui %sign3A_5 : vector<128x1024xi1> to vector<128x1024xi32>
    %sign3A_7 = arith.constant 0 : i32
    %sign3A_8 = vector.broadcast %sign3A_7 : i32 to vector<128x1024xi32>
    %sign3A_9 = arith.cmpi slt, %iota3A, %sign3A_8 : vector<128x1024xi32>
    %sign3A_10 = arith.extui %sign3A_9 : vector<128x1024xi1> to vector<128x1024xi32>
    %sign3A_11 = arith.subi %sign3A_6, %sign3A_10 : vector<128x1024xi32>
    %sign3A_12 = arith.constant 0 : i32
    %sign3A_13 = arith.cmpi sgt, %jit3A, %sign3A_12 : i32
    %sign3A_14 = arith.extui %sign3A_13 : i1 to i32
    %sign3A_15 = arith.constant 0 : i32
    %sign3A_16 = arith.cmpi slt, %jit3A, %sign3A_15 : i32
    %sign3A_17 = arith.extui %sign3A_16 : i1 to i32
    %sign3A_18 = arith.subi %sign3A_14, %sign3A_17 : i32
    %ne3A = vector.broadcast %sign3A_18 : i32 to vector<128x1024xi32>
    %ne3A_19 = arith.cmpi ne, %sign3A_11, %ne3A : vector<128x1024xi32>
    %rem3A = vector.broadcast %jit3A : i32 to vector<128x1024xi32>
    %rem3A_20 = arith.remsi %iota3A, %rem3A : vector<128x1024xi32>
    %ne3A_21 = arith.constant 0 : i32
    %ne3A_22 = vector.broadcast %ne3A_21 : i32 to vector<128x1024xi32>
    %ne3A_23 = arith.cmpi ne, %rem3A_20, %ne3A_22 : vector<128x1024xi32>
    %and3A = arith.andi %ne3A_19, %ne3A_23 : vector<128x1024xi1>
    %sub3A = arith.constant 1 : i32
    %sub3A_24 = vector.broadcast %sub3A : i32 to vector<128x1024xi32>
    %sub3A_25 = arith.subi %div3A_3, %sub3A_24 : vector<128x1024xi32>
    %select_n3A = arith.select %and3A, %sub3A_25, %div3A_3 : vector<128x1024xi1>, vector<128x1024xi32>
    %iota3A_26 = tpu.iota {dimensions = array<i32: 1>} : vector<128x1024xi32>
    %jit3A_27 = arith.constant 128 : i32
    %div3A_28 = vector.broadcast %jit3A_27 : i32 to vector<128x1024xi32>
    %div3A_29 = arith.divsi %iota3A_26, %div3A_28 : vector<128x1024xi32>
    %sign3A_30 = arith.constant 0 : i32
    %sign3A_31 = vector.broadcast %sign3A_30 : i32 to vector<128x1024xi32>
    %sign3A_32 = arith.cmpi sgt, %iota3A_26, %sign3A_31 : vector<128x1024xi32>
    %sign3A_33 = arith.extui %sign3A_32 : vector<128x1024xi1> to vector<128x1024xi32>
    %sign3A_34 = arith.constant 0 : i32
    %sign3A_35 = vector.broadcast %sign3A_34 : i32 to vector<128x1024xi32>
    %sign3A_36 = arith.cmpi slt, %iota3A_26, %sign3A_35 : vector<128x1024xi32>
    %sign3A_37 = arith.extui %sign3A_36 : vector<128x1024xi1> to vector<128x1024xi32>
    %sign3A_38 = arith.subi %sign3A_33, %sign3A_37 : vector<128x1024xi32>
    %sign3A_39 = arith.constant 0 : i32
    %sign3A_40 = arith.cmpi sgt, %jit3A_27, %sign3A_39 : i32
    %sign3A_41 = arith.extui %sign3A_40 : i1 to i32
    %sign3A_42 = arith.constant 0 : i32
    %sign3A_43 = arith.cmpi slt, %jit3A_27, %sign3A_42 : i32
    %sign3A_44 = arith.extui %sign3A_43 : i1 to i32
    %sign3A_45 = arith.subi %sign3A_41, %sign3A_44 : i32
    %ne3A_46 = vector.broadcast %sign3A_45 : i32 to vector<128x1024xi32>
    %ne3A_47 = arith.cmpi ne, %sign3A_38, %ne3A_46 : vector<128x1024xi32>
    %rem3A_48 = vector.broadcast %jit3A_27 : i32 to vector<128x1024xi32>
    %rem3A_49 = arith.remsi %iota3A_26, %rem3A_48 : vector<128x1024xi32>
    %ne3A_50 = arith.constant 0 : i32
    %ne3A_51 = vector.broadcast %ne3A_50 : i32 to vector<128x1024xi32>
    %ne3A_52 = arith.cmpi ne, %rem3A_49, %ne3A_51 : vector<128x1024xi32>
    %and3A_53 = arith.andi %ne3A_47, %ne3A_52 : vector<128x1024xi1>
    %sub3A_54 = arith.constant 1 : i32
    %sub3A_55 = vector.broadcast %sub3A_54 : i32 to vector<128x1024xi32>
    %sub3A_56 = arith.subi %div3A_29, %sub3A_55 : vector<128x1024xi32>
    %select_n3A_57 = arith.select %and3A_53, %sub3A_56, %div3A_29 : vector<128x1024xi1>, vector<128x1024xi32>
    %eq3A = arith.cmpi eq, %select_n3A, %select_n3A_57 : vector<128x1024xi32>
    %jit3A_58 = arith.constant 0.000000e+00 : f32
    %broadcast_in_dim3A = vector.broadcast %jit3A_58 : f32 to vector<128x1024xf32>
    %select_n3A_59 = arith.select %eq3A, %tile3A_2, %broadcast_in_dim3A : vector<128x1024xi1>, vector<128x1024xf32>
    %get3A_60 = arith.constant 0 : index
    %get3A_61 = arith.constant 0 : index
    %get3A_62 = vector.load %arg4[%get3A_60, %get3A_61] : memref<16x128xf32, #tpu.memory_space<vmem>>, vector<16x128xf32>
    %tile3A_63 = tpu.concatenate %get3A_62, %get3A_62, %get3A_62, %get3A_62, %get3A_62, %get3A_62, %get3A_62, %get3A_62 in 0 : vector<16x128xf32>, vector<16x128xf32>, vector<16x128xf32>, vector<16x128xf32>, vector<16x128xf32>, vector<16x128xf32>, vector<16x128xf32>, vector<16x128xf32> -> vector<128x128xf32>
    %tile3A_64 = tpu.concatenate %tile3A_63, %tile3A_63, %tile3A_63, %tile3A_63, %tile3A_63, %tile3A_63, %tile3A_63, %tile3A_63 in 1 : vector<128x128xf32>, vector<128x128xf32>, vector<128x128xf32>, vector<128x128xf32>, vector<128x128xf32>, vector<128x128xf32>, vector<128x128xf32>, vector<128x128xf32> -> vector<128x1024xf32>
    %iota3A_65 = tpu.iota {dimensions = array<i32: 0>} : vector<128x1024xi32>
    %jit3A_66 = arith.constant 16 : i32
    %div3A_67 = vector.broadcast %jit3A_66 : i32 to vector<128x1024xi32>
    %div3A_68 = arith.divsi %iota3A_65, %div3A_67 : vector<128x1024xi32>
    %sign3A_69 = arith.constant 0 : i32
    %sign3A_70 = vector.broadcast %sign3A_69 : i32 to vector<128x1024xi32>
    %sign3A_71 = arith.cmpi sgt, %iota3A_65, %sign3A_70 : vector<128x1024xi32>
    %sign3A_72 = arith.extui %sign3A_71 : vector<128x1024xi1> to vector<128x1024xi32>
    %sign3A_73 = arith.constant 0 : i32
    %sign3A_74 = vector.broadcast %sign3A_73 : i32 to vector<128x1024xi32>
    %sign3A_75 = arith.cmpi slt, %iota3A_65, %sign3A_74 : vector<128x1024xi32>
    %sign3A_76 = arith.extui %sign3A_75 : vector<128x1024xi1> to vector<128x1024xi32>
    %sign3A_77 = arith.subi %sign3A_72, %sign3A_76 : vector<128x1024xi32>
    %sign3A_78 = arith.constant 0 : i32
    %sign3A_79 = arith.cmpi sgt, %jit3A_66, %sign3A_78 : i32
    %sign3A_80 = arith.extui %sign3A_79 : i1 to i32
    %sign3A_81 = arith.constant 0 : i32
    %sign3A_82 = arith.cmpi slt, %jit3A_66, %sign3A_81 : i32
    %sign3A_83 = arith.extui %sign3A_82 : i1 to i32
    %sign3A_84 = arith.subi %sign3A_80, %sign3A_83 : i32
    %ne3A_85 = vector.broadcast %sign3A_84 : i32 to vector<128x1024xi32>
    %ne3A_86 = arith.cmpi ne, %sign3A_77, %ne3A_85 : vector<128x1024xi32>
    %rem3A_87 = vector.broadcast %jit3A_66 : i32 to vector<128x1024xi32>
    %rem3A_88 = arith.remsi %iota3A_65, %rem3A_87 : vector<128x1024xi32>
    %ne3A_89 = arith.constant 0 : i32
    %ne3A_90 = vector.broadcast %ne3A_89 : i32 to vector<128x1024xi32>
    %ne3A_91 = arith.cmpi ne, %rem3A_88, %ne3A_90 : vector<128x1024xi32>
    %and3A_92 = arith.andi %ne3A_86, %ne3A_91 : vector<128x1024xi1>
    %sub3A_93 = arith.constant 1 : i32
    %sub3A_94 = vector.broadcast %sub3A_93 : i32 to vector<128x1024xi32>
    %sub3A_95 = arith.subi %div3A_68, %sub3A_94 : vector<128x1024xi32>
    %select_n3A_96 = arith.select %and3A_92, %sub3A_95, %div3A_68 : vector<128x1024xi1>, vector<128x1024xi32>
    %iota3A_97 = tpu.iota {dimensions = array<i32: 1>} : vector<128x1024xi32>
    %jit3A_98 = arith.constant 128 : i32
    %div3A_99 = vector.broadcast %jit3A_98 : i32 to vector<128x1024xi32>
    %div3A_100 = arith.divsi %iota3A_97, %div3A_99 : vector<128x1024xi32>
    %sign3A_101 = arith.constant 0 : i32
    %sign3A_102 = vector.broadcast %sign3A_101 : i32 to vector<128x1024xi32>
    %sign3A_103 = arith.cmpi sgt, %iota3A_97, %sign3A_102 : vector<128x1024xi32>
    %sign3A_104 = arith.extui %sign3A_103 : vector<128x1024xi1> to vector<128x1024xi32>
    %sign3A_105 = arith.constant 0 : i32
    %sign3A_106 = vector.broadcast %sign3A_105 : i32 to vector<128x1024xi32>
    %sign3A_107 = arith.cmpi slt, %iota3A_97, %sign3A_106 : vector<128x1024xi32>
    %sign3A_108 = arith.extui %sign3A_107 : vector<128x1024xi1> to vector<128x1024xi32>
    %sign3A_109 = arith.subi %sign3A_104, %sign3A_108 : vector<128x1024xi32>
    %sign3A_110 = arith.constant 0 : i32
    %sign3A_111 = arith.cmpi sgt, %jit3A_98, %sign3A_110 : i32
    %sign3A_112 = arith.extui %sign3A_111 : i1 to i32
    %sign3A_113 = arith.constant 0 : i32
    %sign3A_114 = arith.cmpi slt, %jit3A_98, %sign3A_113 : i32
    %sign3A_115 = arith.extui %sign3A_114 : i1 to i32
    %sign3A_116 = arith.subi %sign3A_112, %sign3A_115 : i32
    %ne3A_117 = vector.broadcast %sign3A_116 : i32 to vector<128x1024xi32>
    %ne3A_118 = arith.cmpi ne, %sign3A_109, %ne3A_117 : vector<128x1024xi32>
    %rem3A_119 = vector.broadcast %jit3A_98 : i32 to vector<128x1024xi32>
    %rem3A_120 = arith.remsi %iota3A_97, %rem3A_119 : vector<128x1024xi32>
    %ne3A_121 = arith.constant 0 : i32
    %ne3A_122 = vector.broadcast %ne3A_121 : i32 to vector<128x1024xi32>
    %ne3A_123 = arith.cmpi ne, %rem3A_120, %ne3A_122 : vector<128x1024xi32>
    %and3A_124 = arith.andi %ne3A_118, %ne3A_123 : vector<128x1024xi1>
    %sub3A_125 = arith.constant 1 : i32
    %sub3A_126 = vector.broadcast %sub3A_125 : i32 to vector<128x1024xi32>
    %sub3A_127 = arith.subi %div3A_100, %sub3A_126 : vector<128x1024xi32>
    %select_n3A_128 = arith.select %and3A_124, %sub3A_127, %div3A_100 : vector<128x1024xi1>, vector<128x1024xi32>
    %eq3A_129 = arith.cmpi eq, %select_n3A_96, %select_n3A_128 : vector<128x1024xi32>
    %jit3A_130 = arith.constant 0.000000e+00 : f32
    %broadcast_in_dim3A_131 = vector.broadcast %jit3A_130 : f32 to vector<128x1024xf32>
    %select_n3A_132 = arith.select %eq3A_129, %tile3A_64, %broadcast_in_dim3A_131 : vector<128x1024xi1>, vector<128x1024xf32>
    %broadcast_in_dim3A_133 = arith.constant 1.000000e+00 : f32
    %broadcast_in_dim3A_134 = vector.broadcast %broadcast_in_dim3A_133 : f32 to vector<128x1xf32>
    %tile3A_135 = tpu.concatenate %broadcast_in_dim3A_134, %broadcast_in_dim3A_134, %broadcast_in_dim3A_134, %broadcast_in_dim3A_134, %broadcast_in_dim3A_134, %broadcast_in_dim3A_134, %broadcast_in_dim3A_134, %broadcast_in_dim3A_134 in 0 : vector<128x1xf32>, vector<128x1xf32>, vector<128x1xf32>, vector<128x1xf32>, vector<128x1xf32>, vector<128x1xf32>, vector<128x1xf32>, vector<128x1xf32> -> vector<1024x1xf32>
    %tile3A_136 = tpu.concatenate %tile3A_135, %tile3A_135, %tile3A_135, %tile3A_135, %tile3A_135, %tile3A_135, %tile3A_135, %tile3A_135 in 1 : vector<1024x1xf32>, vector<1024x1xf32>, vector<1024x1xf32>, vector<1024x1xf32>, vector<1024x1xf32>, vector<1024x1xf32>, vector<1024x1xf32>, vector<1024x1xf32> -> vector<1024x8xf32>
    %iota3A_137 = tpu.iota {dimensions = array<i32: 0>} : vector<1024x8xi32>
    %jit3A_138 = arith.constant 128 : i32
    %div3A_139 = vector.broadcast %jit3A_138 : i32 to vector<1024x8xi32>
    %div3A_140 = arith.divsi %iota3A_137, %div3A_139 : vector<1024x8xi32>
    %sign3A_141 = arith.constant 0 : i32
    %sign3A_142 = vector.broadcast %sign3A_141 : i32 to vector<1024x8xi32>
    %sign3A_143 = arith.cmpi sgt, %iota3A_137, %sign3A_142 : vector<1024x8xi32>
    %sign3A_144 = arith.extui %sign3A_143 : vector<1024x8xi1> to vector<1024x8xi32>
    %sign3A_145 = arith.constant 0 : i32
    %sign3A_146 = vector.broadcast %sign3A_145 : i32 to vector<1024x8xi32>
    %sign3A_147 = arith.cmpi slt, %iota3A_137, %sign3A_146 : vector<1024x8xi32>
    %sign3A_148 = arith.extui %sign3A_147 : vector<1024x8xi1> to vector<1024x8xi32>
    %sign3A_149 = arith.subi %sign3A_144, %sign3A_148 : vector<1024x8xi32>
    %sign3A_150 = arith.constant 0 : i32
    %sign3A_151 = arith.cmpi sgt, %jit3A_138, %sign3A_150 : i32
    %sign3A_152 = arith.extui %sign3A_151 : i1 to i32
    %sign3A_153 = arith.constant 0 : i32
    %sign3A_154 = arith.cmpi slt, %jit3A_138, %sign3A_153 : i32
    %sign3A_155 = arith.extui %sign3A_154 : i1 to i32
    %sign3A_156 = arith.subi %sign3A_152, %sign3A_155 : i32
    %ne3A_157 = vector.broadcast %sign3A_156 : i32 to vector<1024x8xi32>
    %ne3A_158 = arith.cmpi ne, %sign3A_149, %ne3A_157 : vector<1024x8xi32>
    %rem3A_159 = vector.broadcast %jit3A_138 : i32 to vector<1024x8xi32>
    %rem3A_160 = arith.remsi %iota3A_137, %rem3A_159 : vector<1024x8xi32>
    %ne3A_161 = arith.constant 0 : i32
    %ne3A_162 = vector.broadcast %ne3A_161 : i32 to vector<1024x8xi32>
    %ne3A_163 = arith.cmpi ne, %rem3A_160, %ne3A_162 : vector<1024x8xi32>
    %and3A_164 = arith.andi %ne3A_158, %ne3A_163 : vector<1024x8xi1>
    %sub3A_165 = arith.constant 1 : i32
    %sub3A_166 = vector.broadcast %sub3A_165 : i32 to vector<1024x8xi32>
    %sub3A_167 = arith.subi %div3A_140, %sub3A_166 : vector<1024x8xi32>
    %select_n3A_168 = arith.select %and3A_164, %sub3A_167, %div3A_140 : vector<1024x8xi1>, vector<1024x8xi32>
    %iota3A_169 = tpu.iota {dimensions = array<i32: 1>} : vector<1024x8xi32>
    %jit3A_170 = arith.constant 1 : i32
    %div3A_171 = vector.broadcast %jit3A_170 : i32 to vector<1024x8xi32>
    %div3A_172 = arith.divsi %iota3A_169, %div3A_171 : vector<1024x8xi32>
    %sign3A_173 = arith.constant 0 : i32
    %sign3A_174 = vector.broadcast %sign3A_173 : i32 to vector<1024x8xi32>
    %sign3A_175 = arith.cmpi sgt, %iota3A_169, %sign3A_174 : vector<1024x8xi32>
    %sign3A_176 = arith.extui %sign3A_175 : vector<1024x8xi1> to vector<1024x8xi32>
    %sign3A_177 = arith.constant 0 : i32
    %sign3A_178 = vector.broadcast %sign3A_177 : i32 to vector<1024x8xi32>
    %sign3A_179 = arith.cmpi slt, %iota3A_169, %sign3A_178 : vector<1024x8xi32>
    %sign3A_180 = arith.extui %sign3A_179 : vector<1024x8xi1> to vector<1024x8xi32>
    %sign3A_181 = arith.subi %sign3A_176, %sign3A_180 : vector<1024x8xi32>
    %sign3A_182 = arith.constant 0 : i32
    %sign3A_183 = arith.cmpi sgt, %jit3A_170, %sign3A_182 : i32
    %sign3A_184 = arith.extui %sign3A_183 : i1 to i32
    %sign3A_185 = arith.constant 0 : i32
    %sign3A_186 = arith.cmpi slt, %jit3A_170, %sign3A_185 : i32
    %sign3A_187 = arith.extui %sign3A_186 : i1 to i32
    %sign3A_188 = arith.subi %sign3A_184, %sign3A_187 : i32
    %ne3A_189 = vector.broadcast %sign3A_188 : i32 to vector<1024x8xi32>
    %ne3A_190 = arith.cmpi ne, %sign3A_181, %ne3A_189 : vector<1024x8xi32>
    %rem3A_191 = vector.broadcast %jit3A_170 : i32 to vector<1024x8xi32>
    %rem3A_192 = arith.remsi %iota3A_169, %rem3A_191 : vector<1024x8xi32>
    %ne3A_193 = arith.constant 0 : i32
    %ne3A_194 = vector.broadcast %ne3A_193 : i32 to vector<1024x8xi32>
    %ne3A_195 = arith.cmpi ne, %rem3A_192, %ne3A_194 : vector<1024x8xi32>
    %and3A_196 = arith.andi %ne3A_190, %ne3A_195 : vector<1024x8xi1>
    %sub3A_197 = arith.constant 1 : i32
    %sub3A_198 = vector.broadcast %sub3A_197 : i32 to vector<1024x8xi32>
    %sub3A_199 = arith.subi %div3A_172, %sub3A_198 : vector<1024x8xi32>
    %select_n3A_200 = arith.select %and3A_196, %sub3A_199, %div3A_172 : vector<1024x8xi1>, vector<1024x8xi32>
    %eq3A_201 = arith.cmpi eq, %select_n3A_168, %select_n3A_200 : vector<1024x8xi32>
    %jit3A_202 = arith.constant 0.000000e+00 : f32
    %broadcast_in_dim3A_203 = vector.broadcast %jit3A_202 : f32 to vector<1024x8xf32>
    %select_n3A_204 = arith.select %eq3A_201, %tile3A_136, %broadcast_in_dim3A_203 : vector<1024x8xi1>, vector<1024x8xf32>
    %get3A_205 = arith.constant 0 : index
    %get3A_206 = arith.constant 0 : index
    %get3A_207 = vector.load %arg5[%get3A_205, %get3A_206] : memref<1x128xf32, #tpu.memory_space<vmem>>, vector<1x128xf32>
    %tile3A_208 = tpu.concatenate %get3A_207, %get3A_207, %get3A_207, %get3A_207, %get3A_207, %get3A_207, %get3A_207, %get3A_207 in 1 : vector<1x128xf32>, vector<1x128xf32>, vector<1x128xf32>, vector<1x128xf32>, vector<1x128xf32>, vector<1x128xf32>, vector<1x128xf32>, vector<1x128xf32> -> vector<1x1024xf32>
    %get3A_209 = arith.constant 0 : index
    %get3A_210 = arith.constant 0 : index
    %get3A_211 = arith.constant 0 : index
    %get3A_212 = vector.load %arg1[%get3A_209, %get3A_210, %get3A_211] : memref<2x1280x128xf32, #tpu.memory_space<vmem>>, vector<1x1280x128xf32>
    %get3A_213 = vector.shape_cast %get3A_212 : vector<1x1280x128xf32> to vector<1280x128xf32>
    %get3A_214 = arith.constant 1 : index
    %get3A_215 = arith.constant 0 : index
    %get3A_216 = arith.constant 0 : index
    %get3A_217 = vector.load %arg1[%get3A_214, %get3A_215, %get3A_216] : memref<2x1280x128xf32, #tpu.memory_space<vmem>>, vector<1x1280x128xf32>
    %get3A_218 = vector.shape_cast %get3A_217 : vector<1x1280x128xf32> to vector<1280x128xf32>
    %add3A = arith.addf %get3A_213, %get3A_218 : vector<1280x128xf32>
    %max3A = arith.constant 1.000000e+00 : f32
    %max3A_219 = vector.broadcast %max3A : f32 to vector<1280x128xf32>
    %max3A_220 = arith.maximumf %add3A, %max3A_219 : vector<1280x128xf32>
    %get3A_221 = arith.constant 0 : index
    %get3A_222 = arith.constant 0 : index
    %get3A_223 = arith.constant 0 : index
    %get3A_224 = vector.load %arg0[%get3A_221, %get3A_222, %get3A_223] : memref<2x1280x128xf32, #tpu.memory_space<vmem>>, vector<1x1280x128xf32>
    %get3A_225 = vector.shape_cast %get3A_224 : vector<1x1280x128xf32> to vector<1280x128xf32>
    %get3A_226 = arith.constant 1 : index
    %get3A_227 = arith.constant 0 : index
    %get3A_228 = arith.constant 0 : index
    %get3A_229 = vector.load %arg0[%get3A_226, %get3A_227, %get3A_228] : memref<2x1280x128xf32, #tpu.memory_space<vmem>>, vector<1x1280x128xf32>
    %get3A_230 = vector.shape_cast %get3A_229 : vector<1x1280x128xf32> to vector<1280x128xf32>
    %add3A_231 = arith.addf %get3A_225, %get3A_230 : vector<1280x128xf32>
    %div3A_232 = arith.divf %add3A_231, %max3A_220 : vector<1280x128xf32>
    %dot_general3A = arith.constant dense<0.000000e+00> : vector<1280x1024xf32>
    %dot_general3A_233 = tpu.matmul %div3A_232, %select_n3A_59, %dot_general3A {dimension_numbers = #tpu.dot_dimension_numbers<[1], [0], [0], [1], [0, 0, 1, 1], [], []>, transpose_lhs_hint = false} : vector<1280x128xf32>, vector<128x1024xf32>, vector<1280x1024xf32> -> vector<1280x1024xf32>
    %get3A_234 = arith.constant 0 : index
    %get3A_235 = arith.constant 0 : index
    %get3A_236 = arith.constant 0 : index
    %get3A_237 = vector.load %arg2[%get3A_234, %get3A_235, %get3A_236] : memref<2x1280x128xf32, #tpu.memory_space<vmem>>, vector<1x1280x128xf32>
    %get3A_238 = vector.shape_cast %get3A_237 : vector<1x1280x128xf32> to vector<1280x128xf32>
    %dot_general3A_239 = arith.constant dense<0.000000e+00> : vector<1280x1024xf32>
    %dot_general3A_240 = tpu.matmul %get3A_238, %select_n3A_132, %dot_general3A_239 {dimension_numbers = #tpu.dot_dimension_numbers<[1], [0], [0], [1], [0, 0, 1, 1], [], []>, transpose_lhs_hint = false} : vector<1280x128xf32>, vector<128x1024xf32>, vector<1280x1024xf32> -> vector<1280x1024xf32>
    %add3A_241 = arith.addf %dot_general3A_233, %dot_general3A_240 : vector<1280x1024xf32>
    %add3A_242 = vector.broadcast %tile3A_208 : vector<1x1024xf32> to vector<1280x1024xf32>
    %add3A_243 = arith.addf %add3A_241, %add3A_242 : vector<1280x1024xf32>
    %mul3A = arith.mulf %add3A_243, %add3A_243 : vector<1280x1024xf32>
    %dot_general3A_244 = arith.constant dense<0.000000e+00> : vector<1280x8xf32>
    %dot_general3A_245 = tpu.matmul %mul3A, %select_n3A_204, %dot_general3A_244 {dimension_numbers = #tpu.dot_dimension_numbers<[1], [0], [0], [1], [0, 0, 1, 1], [], []>, transpose_lhs_hint = false} : vector<1280x1024xf32>, vector<1024x8xf32>, vector<1280x8xf32> -> vector<1280x8xf32>
    %sqrt3A = math.sqrt %dot_general3A_245 : vector<1280x8xf32>
    %max3A_246 = arith.constant 9.99999996E-13 : f32
    %max3A_247 = vector.broadcast %max3A_246 : f32 to vector<1280x8xf32>
    %max3A_248 = arith.maximumf %sqrt3A, %max3A_247 : vector<1280x8xf32>
    %div3A_249 = arith.constant 1.000000e+00 : f32
    %div3A_250 = vector.broadcast %div3A_249 : f32 to vector<1280x8xf32>
    %div3A_251 = arith.divf %div3A_250, %max3A_248 : vector<1280x8xf32>
    %dot_general3A_252 = arith.constant dense<0.000000e+00> : vector<1280x1024xf32>
    %dot_general3A_253 = tpu.matmul %div3A_251, %select_n3A_204, %dot_general3A_252 {dimension_numbers = #tpu.dot_dimension_numbers<[1], [1], [0], [0], [0, 0, 1, 0], [], []>, transpose_lhs_hint = false} : vector<1280x8xf32>, vector<1024x8xf32>, vector<1280x1024xf32> -> vector<1280x1024xf32>
    %mul3A_254 = arith.mulf %add3A_243, %dot_general3A_253 : vector<1280x1024xf32>
    %slice3A = vector.extract_strided_slice %mul3A_254 {offsets = [0, 0], sizes = [1250, 1024], strides = [1, 1]} : vector<1280x1024xf32> to vector<1250x1024xf32>
    %reshape3A = vector.shape_cast %slice3A : vector<1250x1024xf32> to vector<10000x128xf32>
    %swap3A = arith.constant 0 : index
    %swap3A_255 = arith.constant 0 : index
    %swap3A_256 = vector.load %arg6[%swap3A, %swap3A_255] : memref<10000x128xf32, #tpu.memory_space<vmem>>, vector<10000x128xf32>
    tpu.vector_store %arg6[%swap3A, %swap3A_255], %reshape3A {strides = array<i32>} : memref<10000x128xf32, #tpu.memory_space<vmem>>, vector<10000x128xf32>,
    return
  }
}

</mosaic_0001>

<sc_bundles>
// kernel: seg2_fused.3.cloned.1.call-start
scs
__scs_entry_jumppad:
0x0: {  	(pc) =	sbr.rel $0x88, $3  }
0x1: {  	(tag) =	ssettag $0x0;
	lr =	simm.s32 $0x1  }
0x2: {  	[smem:$0x3F99] =	sst lr;
	_ =	strace $0xD0000000  }
0x3: {  	_ = 	snop  }
0x4: {  	_ = 	snop  }
0x5: {  	_ = 	snop  }
0x6: {  	_ = 	snop  }
0x7: {  	_ = 	snop  }
__scs_overlays_trampoline_lowered:
0x8: {  	[smem:$0x3FA8] =	sst s0  }
0x9: {  	[smem:$0x3FA9] =	sst s1  }
0xa: {  	[smem:$0x3FAA] =	sst s2  }
0xb: {  	[smem:$0x3FAB] =	sst s3  }
0xc: {  	[smem:$0x3FAC] =	sst s4  }
0xd: {  	[smem:$0x3FAD] =	sst s5  }
0xe: {  	[smem:$0x3FAE] =	sst s6  }
0xf: {  	[smem:$0x3FAF] =	sst s7  }
0x10: {  	[smem:$0x3FB0] =	sst s8  }
0x11: {  	[smem:$0x3FB1] =	sst s9;
	s0 =	simm.s32 @!p0 $0x0  }
0x12: {  	s1 =	sld [smem:$0x3F97];
	s0 =	simm.s32 @p0 $0x1  }
0x13: {  	[smem:$0x3FB2] =	sst s0;
	s0 =	simm.s32 @!p1 $0x0  }
0x14: {  	s2 =	sld [smem:$0x3F96];
	s0 =	simm.s32 @p1 $0x1  }
0x15: {  	[smem:$0x3FB3] =	sst s0;
	s0 =	simm.s32 @!p2 $0x0  }
0x16: {  	s3 =	sld [smem:$0x3FDB];
	s0 =	simm.s32 @p2 $0x1  }
0x17: {  	s4 =	simm.s32 $0x1BF5;
	[smem:$0x3FB5] =	sst s0  }
0x18: {  	s0 =	sld [smem:$0x3F98];
	_ =	swait.ge [sflag:s4], $0x0  }
0x19: {  	s7 =	sld [smem:$0x3F99]  }
0x1a: {  	s8 =	sadd.s32 $0xFFFFE003, lr  }
0x1b: {  	s9 =	sadd.s32 $0xFFFFFEF7, lr;
	s5 =	simm.s32 $0xFFFFFFFF;
	p2 =	slt.u32 s8, $0xFFFFF086  }
0x1c: {  	p1 =	slt.u32 s9, $0xF7A;
	s5 =	simm.s32 @!p2 $0x0  }
0x1d: {  	s5 =	simm.s32 @p1 $0x1;
	p0 =	seq.s32 s7, s2  }
0x1e: {  	s7 =	smul.u32 @!p0 $0xF7A, s2;
	p2 =	seq.s32 @!p0 s5, $0x0  }
0x1f: {  	s9 =	smul.u32 $0xF7A, s1;
	s8 =	simm.s32 @!p0 $0x1BF5;
	p2 =	por !p2, p0  }
0x20: {  	[sflag:s8] =	ssyncset.s32 @!p0 $0xFFFFF086;
	s6 =	sadd.s32 @!p0 s3, s7;
	s7 =	simm.s32 @!p0 $0x108  }
0x21: {  	s3 =	sadd.s32 s3, s9;
	s6 =	sadd.s32 @!p0 $0x88, s6;
	s7 =	simm.s32 @p2 $0x1082  }
0x22: {  	[simem:s7], [sflag:s8] =	dma.local @!p0 [hbm:s6], $0xF7A  }
0x23: {  	s9 =	sor.u32 $0xD0000000, s2;
	s6 =	simm.s32 $0x108;
	_ =	swait.ge @!p0 [sflag:s8], $0x0  }
0x24: {  	s3 =	sadd.s32 $0x88, s3;
	s6 =	simm.s32 @!p1 $0x1082;
	[sflag:s4] =	ssyncset.s32 $0xFFFFF086  }
0x25: {  	[simem:s6], [sflag:s4] =	dma.local [hbm:s3], $0xF7A  }
0x26: {  	[smem:$0x3F99] =	sst s1;
	(tag) =	ssettag s2;
	_ =	strace s9  }
0x27: {  	s1 =	sld [smem:$0x3FA9]  }
0x28: {  	s2 =	sld [smem:$0x3FAA]  }
0x29: {  	s4 =	sld [smem:$0x3FAC]  }
0x2a: {  	p0 =	seq.s32 s5, $0x0;
	s5 =	sld [smem:$0x3FAD]  }
0x2b: {  	s6 =	sld [smem:$0x3FAE]  }
0x2c: {  	s7 =	sld [smem:$0x3FAF]  }
0x2d: {  	s3 =	simm.s32 $0x108;
	s8 =	sld [smem:$0x3FB0]  }
0x2e: {  	s3 =	simm.s32 @!p0 $0x1082;
	s9 =	sld [smem:$0x3FB1]  }
0x2f: {  	lr =	sadd.s32 s0, s3;
	s0 =	sld [smem:$0x3FA8]  }
0x30: {  	s3 =	sld [smem:$0x3FAB]  }
0x31: {  	[smem:$0x3FB4] =	sst s10  }
0x32: {  	s10 =	sld [smem:$0x3FB2];
	_ =	sdelay $0x3  }
0x33: {  	p0 =	seq.s32 s10, $0x1;
	s10 =	sld [smem:$0x3FB4];
	_ =	sdelay $0x3  }
0x34: {  	[smem:$0x3FB4] =	sst s10  }
0x35: {  	s10 =	sld [smem:$0x3FB3];
	_ =	sdelay $0x3  }
0x36: {  	p1 =	seq.s32 s10, $0x1;
	s10 =	sld [smem:$0x3FB4];
	_ =	sdelay $0x3  }
0x37: {  	[smem:$0x3FB4] =	sst s10  }
0x38: {  	s10 =	sld [smem:$0x3FB5]  }
0x39: {  	_ = 	snop;
	(pc) =	sbr.ind lr, $3  }
0x3a: {  	_ = 	snop  }
0x3b: {  	_ = 	snop  }
0x3c: {  	p2 =	seq.s32 s10, $0x1;
	s10 =	sld [smem:$0x3FB4]  }
0x3d: {  	_ =	shalt  }
0x3e: {  	_ =	shalt  }
0x3f: {  	_ =	shalt  }
0x40: {  	_ =	shalt  }
0x41: {  	_ =	shalt  }
0x42: {  	_ =	shalt  }
0x43: {  	_ =	shalt  }
0x44: {  	_ =	shalt  }
0x45: {  	_ =	shalt  }
0x46: {  	_ =	shalt  }
0x47: {  	_ =	shalt  }
0x48: {  	_ =	shalt  }
0x49: {  	_ =	shalt  }
0x4a: {  	_ =	shalt  }
0x4b: {  	_ =	shalt  }
0x4c: {  	_ =	shalt  }
0x4d: {  	_ =	shalt  }
0x4e: {  	_ =	shalt  }
0x4f: {  	_ =	shalt  }
0x50: {  	_ =	shalt  }
0x51: {  	_ =	shalt  }
0x52: {  	_ =	shalt  }
0x53: {  	_ =	shalt  }
0x54: {  	_ =	shalt  }
0x55: {  	_ =	shalt  }
0x56: {  	_ =	shalt  }
0x57: {  	_ =	shalt  }
0x58: {  	_ =	shalt  }
0x59: {  	_ =	shalt  }
0x5a: {  	_ =	shalt  }
0x5b: {  	_ =	shalt  }
0x5c: {  	_ =	shalt  }
0x5d: {  	_ =	shalt  }
0x5e: {  	_ =	shalt  }
0x5f: {  	_ =	shalt  }
0x60: {  	_ =	shalt  }
0x61: {  	_ =	shalt  }
0x62: {  	_ =	shalt  }
0x63: {  	_ =	shalt  }
0x64: {  	_ =	shalt  }
0x65: {  	_ =	shalt  }
0x66: {  	_ =	shalt  }
0x67: {  	_ =	shalt  }
0x68: {  	_ =	shalt  }
0x69: {  	_ =	shalt  }
0x6a: {  	_ =	shalt  }
0x6b: {  	_ =	shalt  }
0x6c: {  	_ =	shalt  }
0x6d: {  	_ =	shalt  }
0x6e: {  	_ =	shalt  }
0x6f: {  	_ =	shalt  }
0x70: {  	_ =	shalt  }
0x71: {  	_ =	shalt  }
0x72: {  	_ =	shalt  }
0x73: {  	_ =	shalt  }
0x74: {  	_ =	shalt  }
0x75: {  	_ =	shalt  }
0x76: {  	_ =	shalt  }
0x77: {  	_ =	shalt  }
0x78: {  	_ =	shalt  }
0x79: {  	_ =	shalt  }
0x7a: {  	_ =	shalt  }
0x7b: {  	_ =	shalt  }
0x7c: {  	_ =	shalt  }
0x7d: {  	_ =	shalt  }
0x7e: {  	_ =	shalt  }
0x7f: {  	_ =	shalt  }
0x80: {  	_ =	shalt  }
0x81: {  	_ =	shalt  }
0x82: {  	_ =	shalt  }
0x83: {  	_ =	shalt  }
0x84: {  	_ =	shalt  }
0x85: {  	_ =	shalt  }
0x86: {  	_ =	shalt  }
0x87: {  	_ =	shalt  }
.Lfunc_end0:
.L_simem_size_0:
called_computation.1_lowered:
.L_overlay_start_0:
0x88: {  	s2 =	sld [smem:$0x3FD9]  }
0x89: {  	s3 =	sld [smem:$0x3FFE];
	_ =	sdelay $0x1  }
0x8a: {  	s1 =	srdreg.scid  }
0x8b: {  	s0 =	sand.u32 $0x1, s1  }
0x8c: {  	s17 =	sshll.u32 s0, $0xA;
	s2 =	sadd.s32 s3, s2  }
0x8d: {  	s2 =	sadd.s32 s2, s17  }
0x8e: {  	[smem:$0x3FC0] =	sst s2  }
0x8f: {  	_ = 	snop  }
0x90: {  	s2 =	sld [smem:$0x3FC5]  }
0x91: {  	s18 =	sld [smem:$0x3FD0];
	(tm) =	ssettm $0x1  }
0x92: {  	s4 =	sld [smem:$0x3FFB];
	_ =	sdelay $0x3  }
0x93: {  	_ =	strace s4  }
0x94: {  	s4 =	sld [smem:$0x3FFC];
	_ =	sdelay $0x3  }
0x95: {  	_ =	strace s4  }
0x96: {  	s4 =	sld [smem:$0x3FFD];
	_ =	sdelay $0x3  }
0x97: {  	_ =	strace s4  }
0x98: {  	_ =	strace $0x8FFFFFFF  }
0x99: {  	s19 =	sld [smem:$0x3FDB];
	_ =	sdelay $0x1  }
0x9a: {  	s5 =	simm.s32 $_scs_section_size  }
0x9b: {  	s6 =	simm.s32 $_size__tile_overlayer_lowered;
	s7 =	simm.s32 $_tile_overlayer_lowered  }
0x9c: {  	s22 =	simm.s32 $0x1BFF;
	s21 =	sshll.u32 s7, $0x1;
	s4 =	sadd.s32 s5, s19  }
0x9d: {  	s8 =	simm.s32 $0x0;
	s20 =	sshll.u32 s6, $0x1;
	s6 =	sadd.s32 s21, s4  }
0x9e: {  	[timem:s8], [sflag:s22] =	dma.local [hbm:s6], s20  }
0x9f: {  	_ =	swait.ge [sflag:s22], s20  }
0xa0: {  	s5 =	ssub.s32 $0x0, s20;
	[sflag:s22] =	ssyncset.done $0x0  }
0xa1: {  	[sflag:s22] =	ssyncadd.s32 s5;
	_ =	sdelay $0x1  }
0xa2: {  	s23 =	simm.s32 $0x1B8B  }
0xa3: {  	_ =	swait.ge [sflag:s23], $0x1  }
0xa4: {  	[sflag:s23] =	ssyncset.done $0x0  }
0xa5: {  	s25 =	simm.s32 $0x1B8E;
	s24 =	sld [smem:$0x3FFE];
	[sflag:s23] =	ssyncadd.s32 $0xFFFFFFFF  }
0xa6: {  	s26 =	simm.s32 $execute0_lowered;
	[smem:$0x3FD2] =	sst s25  }
0xa7: {  	s6 =	sshll.u32 s26, $0x1;
	_ =	strace $0x80000049;
	[dreg:$0x1] =	wrdreg $0xFFFFFFFF  }
0xa8: {  	s28 =	simm.s32 $_size_execute0_lowered;
	s4 =	sadd.s32 s4, s6;
	[dreg:$0x0] =	wrdreg $0x0  }
0xa9: {  	s6 =	sshll.u32 s28, $0x1;
	[dreg:$0x2] =	wrdreg s4  }
0xaa: {  	[dreg:$0x3] =	wrdreg s6  }
0xab: {  	[dreg:$0x4] =	wrdreg $0xC0  }
0xac: {  	_ =	task [dreg:s8], $0x5FFFF  }
0xad: {  	[dreg:$0x1] =	wrdreg $0xFFFFFFFF  }
0xae: {  	[dreg:$0x0] =	wrdreg $0x60  }
0xaf: {  	[dreg:$0x2] =	wrdreg s24  }
0xb0: {  	[dreg:$0x3] =	wrdreg s2  }
0xb1: {  	[dreg:$0x4] =	wrdreg s18  }
0xb2: {  	[dreg:$0x5] =	wrdreg $0x119400  }
0xb3: {  	[dreg:$0x6] =	wrdreg $0x9  }
0xb4: {  	_ =	task.clear_ibuf [dreg:s8], $0x7FFFF;
	_ =	strace $0x90000049  }
0xb5: {  	s29 =	simm.s32 $0x9;
	_ =	strace $0x8000004B  }
0xb6: {  	_ =	swait.ge [sflag:s29], $0x1  }
0xb7: {  	[sflag:s29] =	ssyncadd.s32 $0xFFFFFFFF  }
0xb8: {  	_ =	strace $0x9000004B  }
0xb9: {  	_ =	sfence  }
0xba: {  	s30 =	sld [smem:$0x0];
	_ =	sdelay $0x2  }
0xbb: {  	s31 =	sshll.u32 s1, $0xD;
	s1 =	sshrl.u32 s1, $0x2  }
0xbc: {  	s3 =	sand.u32 $0x4000, s31;
	s1 =	sadd.s32 s1, s30  }
0xbd: {  	s0 =	sor.u32 s3, s0;
	s1 =	sshll.u32 s1, $0x11  }
0xbe: {  	s0 =	sor.u32 s1, s0  }
0xbf: {  	s0 =	sadd.s32 $0x8F2B, s0  }
0xc0: {  	[sflag:s0] =	ssyncadd.remote.s32 $0x1  }
0xc1: {  	_ =	sfence.sel $0xFFFF  }
0xc2: {  	[dreg:$0x0] =	wrdreg $0xFFFFFFFF;
	(pc) =	sbr.abs _section_cstart, $3  }
0xc3: {  	[dreg:$0x1] =	wrdreg $0xFFFFFFFF  }
0xc4: {  	_ =	task.clear_ibuf [dreg:s8], $0x2FFFF;
	_ =	strace $0x9FFFFFFF  }
0xc5: {  	(tm) =	ssettm $0x7FFFFFFF  }
tec
execute0_lowered:
.L_overlay_start_1:
0x0: {  	(tag) =	ssettag $0x1  }
0x1: {  	s0 =	rddreg [dreg:$0x0]  }
0x2: {  	s1 =	rddreg [dreg:$0x2]  }
0x3: {  	s3 =	rddreg [dreg:$0x3];
	s17 =	stileid.u32  }
0x4: {  	s2 =	srdreg.scid;
	s4 =	simm.s32 $0x0;
	s5 =	smul.u32 $0x2800, s17  }
0x5: {  	s2 =	sand.u32 $0x1, s2;
	[smem:$0x7FF] =	sst s4;
	s7 =	sadd.s32 $0x12400, s0  }
0x6: {  	s8 =	sadd.s32 $0x1C400, s0;
	s9 =	sadd.s32 $0x7400, s0;
	s16 =	sshll.u32 s17, $0x1  }
0x7: {  	s18 =	sshll.u32 s17, $0x6;
	s6 =	smul.u32 $0x28000, s2;
	_ =	strace $0x8000004A  }
0x8: {  	s13 =	ssub.s32 $0x2, s2;
	s2 =	sor.u32 s2, s16;
	s17 =	sor.u32 $0x1C03, s18  }
0x9: {  	s18 =	simm.s32 $0x2;
	s10 =	sshrl.u32 s5, $0x3;
	s15 =	sshrl.u32 s13, $0x1  }
0xa: {  	s21 =	sadd.s32 s5, s3;
	s2 =	smul.u32 $0x2710, s2;
	s11 =	sadd.s32 s5, s6  }
0xb: {  	s12 =	sadd.s32 s10, s0;
	s13 =	ssub.s32 s13, s15;
	[dreg:$0x5] =	wrdreg s21  }
0xc: {  	s22 =	sadd.s32 $0x5000, s10;
	s23 =	sadd.s32 s7, s10;
	s5 =	sadd.s32 $0x1400, s5  }
0xd: {  	s25 =	sadd.s32 s8, s10;
	s28 =	sadd.s32 s9, s10;
	[dreg:$0x7] =	wrdreg s23  }
0xe: {  	s10 =	sadd.s32 $0x5280, s10;
	s11 =	sshrl.u32 s11, $0x3;
	[dreg:$0x9] =	wrdreg s25  }
0xf: {  	s12 =	sadd.s32 $0xD400, s12;
	s24 =	sadd.s32 s7, s22;
	[dreg:$0xb] =	wrdreg s28  }
0x10: {  	s26 =	sshrl.u32 s5, $0x3;
	s5 =	sadd.s32 s6, s5;
	[dreg:$0x6] =	wrdreg s12  }
0x11: {  	s2 =	sshrl.u32 s2, $0x3;
	s25 =	smax.u32 s13, $0x1;
	[dreg:$0x8] =	wrdreg s24  }
0x12: {  	s13 =	simm.s32 $0x1F40;
	s12 =	sadd.s32 s8, s22;
	[dreg:$0x16] =	wrdreg s25  }
0x13: {  	s14 =	sadd.s32 s11, s0;
	s29 =	sadd.s32 s7, s26;
	[dreg:$0xa] =	wrdreg s12  }
0x14: {  	s0 =	sadd.s32 $0x30400, s0;
	s7 =	sadd.s32 s7, s10;
	[dreg:$0xc] =	wrdreg s29  }
0x15: {  	s10 =	sadd.s32 s8, s10;
	s15 =	sadd.s32 s8, s26;
	[dreg:$0xd] =	wrdreg s7  }
0x16: {  	s16 =	sadd.s32 s9, s26;
	s5 =	sshrl.u32 s5, $0x3;
	[dreg:$0xe] =	wrdreg s10  }
0x17: {  	v0 =	vimm.s32 $0xFEDCBA98;
	v1 =	vimm.s32 $0x76543210;
	s22 =	sshrl.u32 s6, $0x3;
	s8 =	simm.s32 $0x17D40;
	[dreg:$0xf] =	wrdreg s15  }
0x18: {  	v2 =	vimm.s32 $0xBA98FEDC;
	v3 =	vimm.s32 $0x32107654;
	s9 =	simm.s32 $0x19140;
	[dreg:$0x10] =	wrdreg s16;
	s19 =	sadd.s32 s0, s11  }
0x19: {  	v4 =	vimm.s32 $0xDCFE98BA;
	v5 =	vimm.s32 $0x54761032;
	s20 =	sadd.s32 s0, s5;
	s22 =	sadd.s32 s0, s22;
	s24 =	sadd.s32 $0x26400, s14  }
0x1a: {  	v6 =	vimm.s32 $0xEFCDAB89;
	s7 =	simm.s32 $0x16940;
	s10 =	simm.s32 $0x1A540;
	s11 =	simm.s32 $0xFA0  }
0x1b: {  	v7 =	vimm.s32 $0x67452301;
	v0 =	vunpack.c.l.s4.s8 v0;
	v1 =	vunpack.c.l.s4.s8 v1;
	s12 =	simm.s32 $0x7D0;
	s14 =	simm.s32 $0x1770;
	[dreg:$0x11] =	wrdreg s19  }
0x1c: {  	v2 =	vunpack.c.l.s4.s8 v2;
	v3 =	vunpack.c.l.s4.s8 v3;
	v4 =	vunpack.c.l.s4.s8 v4;
	s15 =	simm.s32 $0x9C40;
	s19 =	sadd.s32 s1, s2;
	[dreg:$0x12] =	wrdreg s20  }
0x1d: {  	v5 =	vunpack.c.l.s4.s8 v5;
	v6 =	vunpack.c.l.s4.s8 v6;
	v7 =	vunpack.c.l.s4.s8 v7;
	s16 =	simm.s32 $0x1;
	[dreg:$0x15] =	wrdreg s24;
	s21 =	sadd.s32 $0x9C40, s19  }
0x1e: {  	v0 =	vunpack.c.0.s8.s32 v0;
	v1 =	vunpack.c.0.s8.s32 v1;
	v2 =	vunpack.c.0.s8.s32 v2;
	s2 =	simm.s32 $0x3;
	s23 =	sadd.s32 $0xFA, s19;
	[dreg:$0x13] =	wrdreg s21  }
0x1f: {  	v3 =	vunpack.c.0.s8.s32 v3;
	v4 =	vunpack.c.0.s8.s32 v4;
	v5 =	vunpack.c.0.s8.s32 v5;
	s20 =	simm.s32 $0x0;
	s26 =	sadd.s32 $0x9D3A, s19;
	[dreg:$0x14] =	wrdreg s23  }
0x20: {  	v6 =	vunpack.c.0.s8.s32 v6;
	v7 =	vunpack.c.0.s8.s32 v7;
	v0 =	vand.u32 $0xF, v0;
	s28 =	sadd.s32 $0x1F4, s19;
	s29 =	sadd.s32 $0x9E34, s19;
	[dreg:$0x17] =	wrdreg s26  }
0x21: {  	v0 =	vcombine.low v0, v1;
	v1 =	vcombine.low v3, v2;
	s30 =	sadd.s32 $0x2EE, s19;
	s31 =	sadd.s32 $0x9F2E, s19;
	[dreg:$0x18] =	wrdreg s28  }
0x22: {  	v2 =	vcombine.low v5, v4;
	v3 =	vcombine.low v7, v6;
	s0 =	sadd.s32 $0x3E8, s19;
	s1 =	sadd.s32 $0xA028, s19;
	[dreg:$0x19] =	wrdreg s29  }
.LBB2_1:
0x23: {  	s5 =	rddreg [dreg:$0x5]  }
0x24: {  	s23 =	rddreg [dreg:$0x6];
	s21 =	sshrl.u32 s5, $0x3  }
0x25: {  	[spmem:s21], [sflag:s17] =	dma.local [hbm:s23], $0x500  }
0x26: {  	_ =	swait.ge [sflag:s2], $0x500  }
0x27: {  	[sflag:s2] =	ssyncset.done $0x0  }
0x28: {  	[sflag:s2] =	ssyncadd.s32 $0xFFFFFB00  }
0x29: {  	s6 =	simm.s32 $0x1B940;
	s24 =	rddreg [dreg:$0x1]  }
0x2a: {  	[tilespmem:s6], [sflag:$0x3] =	stream.linear.gather [hbm4b:s24+s4], $0x10, $0x38;
	[tilespmem:$0x1B950] =	vst v63  }
0x2b: {  	_ =	swait.ge [sflag:s2], $0x10  }
0x2c: {  	[sflag:s2] =	ssyncset.done $0x0  }
0x2d: {  	s26 =	simm.s32 $0x14140;
	s25 =	rddreg [dreg:$0x7];
	[sflag:s2] =	ssyncadd.s32 $0xFFFFFFF0  }
0x2e: {  	v4 =	vld [tilespmem:$0x1B940];
	[tilespmem:s26], [sflag:$0x3] =	stream.linear.gather [hbm4b:s25+s4], $0x1400, $0x38  }
0x2f: {  	_ =	swait.ge [sflag:s2], $0x1400  }
0x30: {  	[sflag:s2] =	ssyncset.done $0x0  }
0x31: {  	s23 =	simm.s32 $0x15540;
	s6 =	rddreg [dreg:$0x8];
	[sflag:s2] =	ssyncadd.s32 $0xFFFFEC00  }
0x32: {  	[tilespmem:s23], [sflag:$0x3] =	stream.linear.gather [hbm4b:s6+s4], $0x1400, $0x38;
	[tilespmem:$0x1B950] =	vst v63  }
0x33: {  	_ =	swait.ge [sflag:s2], $0x1400  }
0x34: {  	[sflag:s2] =	ssyncset.done $0x0  }
0x35: {  	s24 =	rddreg [dreg:$0x9];
	[sflag:s2] =	ssyncadd.s32 $0xFFFFEC00  }
0x36: {  	[tilespmem:s7], [sflag:$0x3] =	stream.linear.gather [hbm4b:s24+s4], $0x1400, $0x38;
	[tilespmem:$0x1B950] =	vst v63  }
0x37: {  	_ =	swait.ge [sflag:s2], $0x1400  }
0x38: {  	[sflag:s2] =	ssyncset.done $0x0  }
0x39: {  	s25 =	rddreg [dreg:$0xa];
	[sflag:s2] =	ssyncadd.s32 $0xFFFFEC00  }
0x3a: {  	[tilespmem:s8], [sflag:$0x3] =	stream.linear.gather [hbm4b:s25+s4], $0x1400, $0x38;
	[tilespmem:$0x1B950] =	vst v63  }
0x3b: {  	_ =	swait.ge [sflag:s2], $0x1400  }
0x3c: {  	[sflag:s2] =	ssyncset.done $0x0  }
0x3d: {  	s26 =	rddreg [dreg:$0xb];
	[sflag:s2] =	ssyncadd.s32 $0xFFFFEC00  }
0x3e: {  	[tilespmem:s9], [sflag:$0x3] =	stream.linear.gather [hbm4b:s26+s4], $0x1400, $0x38;
	[tilespmem:$0x1B950] =	vst v63  }
0x3f: {  	_ =	swait.ge [sflag:s2], $0x1400  }
0x40: {  	[sflag:s2] =	ssyncset.done $0x0  }
0x41: {  	s6 =	simm.s32 $0x0;
	[sflag:s2] =	ssyncadd.s32 $0xFFFFEC00  }
0x42: {  	v5 =	vld [tilespmem:s6+$0x16940]  }
0x43: {  	v6 =	vld [tilespmem:s6+$0x17D40];
	_ =	sdelay $0x4  }
0x44: {  	v5 =	vadd.f32 v6, v5;
	_ =	sdelay $0x1  }
0x45: {  	v5 =	vmax.f32 v5, $1.000000000e+00  }
0x46: {  	(erf) = vrcp.f32 v5  }
0x47: {  	s5 =	simm.s32 $0x10;
	v7 =	vld [tilespmem:s6+$0x15540]  }
0x48: {  	v8 =	vld [tilespmem:s5+$0x17D40]  }
0x49: {  	v6 =	vld [tilespmem:s6+$0x14140]  }
0x4a: {  	v5 =	vld [tilespmem:s5+$0x16940];
	_ =	sdelay $0x3  }
0x4b: {  	v6 =	vadd.f32 v7, v6  }
0x4c: {  	v5 =	vadd.f32 v8, v5;
	v8 =	vld [tilespmem:s6+$0x19140];
	v7 =	vpop (erf)  }
0x4d: {  	v6 =	vmul.f32 v7, v6  }
0x4e: {  	s23 =	simm.s32 $0x20;
	v5 =	vmax.f32 v5, $1.000000000e+00  }
0x4f: {  	(erf) = vrcp.f32 v5;
	v5 =	vld [tilespmem:s23+$0x16940];
	v6 =	vadd.f32 v6, v4  }
0x50: {  	v7 =	vld [tilespmem:s23+$0x17D40]  }
0x51: {  	v9 =	vld [tilespmem:s5+$0x14140];
	v12 =	vadd.f32 v6, v8  }
0x52: {  	v6 =	vld [tilespmem:s5+$0x15540]  }
0x53: {  	v8 =	vmul.f32 v12, v12;
	_ =	sdelay $0x1  }
0x54: {  	v5 =	vadd.f32 v7, v5;
	v7 =	vperm.xlane v8, v0;
	_ =	sdelay $0x1  }
0x55: {  	v5 =	vmax.f32 v5, $1.000000000e+00;
	v6 =	vadd.f32 v6, v9;
	v7 =	vadd.f32 v8, v7  }
0x56: {  	s24 =	simm.s32 $0x30;
	v8 =	vpop (erf);
	(erf) = vrcp.f32 v5;
	v5 =	vld [tilespmem:s5+$0x19140]  }
0x57: {  	v10 =	vld [tilespmem:s24+$0x17D40];
	v6 =	vmul.f32 v8, v6;
	v8 =	vperm.xlane v7, v1  }
0x58: {  	v11 =	vld [tilespmem:s23+$0x14140]  }
0x59: {  	v9 =	vld [tilespmem:s24+$0x16940];
	v6 =	vadd.f32 v6, v4;
	v8 =	vadd.f32 v7, v8  }
0x5a: {  	v13 =	vld [tilespmem:s23+$0x15540]  }
0x5b: {  	v7 =	vadd.f32 v6, v5;
	v5 =	vperm.xlane v8, v2;
	_ =	sdelay $0x1  }
0x5c: {  	v6 =	vmul.f32 v7, v7;
	v5 =	vadd.f32 v8, v5  }
0x5d: {  	v8 =	vadd.f32 v10, v9  }
0x5e: {  	v11 =	vadd.f32 v13, v11;
	v9 =	vperm.xlane v6, v0;
	v10 =	vperm.xlane v5, v3  }
0x5f: {  	v14 =	vld [tilespmem:s23+$0x19140];
	v13 =	vpop (erf);
	v8 =	vmax.f32 v8, $1.000000000e+00  }
0x60: {  	s25 =	simm.s32 $0x40;
	v6 =	vadd.f32 v6, v9;
	v9 =	vmul.f32 v13, v11;
	v5 =	vadd.f32 v5, v10  }
0x61: {  	(erf) = vrcp.f32 v8;
	v8 =	vld [tilespmem:s25+$0x16940]  }
0x62: {  	v11 =	vld [tilespmem:s25+$0x17D40];
	v10 =	vperm.xlane v6, v1;
	v9 =	vadd.f32 v9, v4;
	v5 =	vmax.f32 v5, $1.000000020e-24  }
0x63: {  	v13 =	vmul.f32 $5.000000000e-01, v5;
	v15 =	vshra.s32 v5, $0x1  }
0x64: {  	v6 =	vadd.f32 v6, v10;
	v5 =	vadd.f32 v9, v14;
	v9 =	vsub.s32 $0x5F3759DF, v15  }
0x65: {  	v10 =	vld [tilespmem:s24+$0x14140];
	v15 =	vmul.f32 v9, v13  }
0x66: {  	v14 =	vld [tilespmem:s24+$0x15540];
	v16 =	vperm.xlane v6, v2;
	v17 =	vmul.f32 v5, v5  }
0x67: {  	v8 =	vadd.f32 v11, v8  }
0x68: {  	v15 =	vmul.f32 v9, v15;
	v6 =	vadd.f32 v6, v16;
	v16 =	vperm.xlane v17, v0;
	_ =	sdelay $0x1  }
0x69: {  	v8 =	vmax.f32 v8, $1.000000000e+00;
	v11 =	vsub.f32 $1.500000000e+00, v15  }
0x6a: {  	v10 =	vadd.f32 v14, v10;
	v15 =	vperm.xlane v6, v3;
	v14 =	vadd.f32 v17, v16  }
0x6b: {  	s26 =	simm.s32 $0x50;
	(erf) = vrcp.f32 v8;
	v17 =	vld [tilespmem:s24+$0x19140];
	v16 =	vpop (erf);
	v9 =	vmul.f32 v9, v11  }
0x6c: {  	v8 =	vld [tilespmem:s26+$0x17D40];
	v6 =	vadd.f32 v6, v15;
	v15 =	vperm.xlane v14, v1;
	v10 =	vmul.f32 v16, v10  }
0x6d: {  	v11 =	vld [tilespmem:s26+$0x16940];
	v16 =	vmul.f32 v9, v13  }
0x6e: {  	v6 =	vmax.f32 v6, $1.000000020e-24;
	v14 =	vadd.f32 v14, v15;
	v18 =	vadd.f32 v10, v4  }
0x6f: {  	v10 =	vmul.f32 $5.000000000e-01, v6;
	v15 =	vshra.s32 v6, $0x1;
	v16 =	vmul.f32 v16, v9  }
0x70: {  	v19 =	vld [tilespmem:s25+$0x14140];
	v15 =	vsub.s32 $0x5F3759DF, v15;
	v6 =	vadd.f32 v18, v17  }
0x71: {  	v17 =	vperm.xlane v14, v2;
	v18 =	vld [tilespmem:s25+$0x15540];
	v20 =	vmul.f32 v15, v10;
	v16 =	vsub.f32 $1.500000000e+00, v16  }
0x72: {  	v8 =	vadd.f32 v8, v11;
	v11 =	vmul.f32 v6, v6  }
0x73: {  	v14 =	vadd.f32 v14, v17;
	v17 =	vmul.f32 v15, v20;
	v16 =	vmul.f32 v16, v9  }
0x74: {  	v8 =	vmax.f32 v8, $1.000000000e+00;
	v9 =	vperm.xlane v11, v0  }
0x75: {  	v20 =	vperm.xlane v14, v3;
	v17 =	vsub.f32 $1.500000000e+00, v17;
	v13 =	vmul.f32 v16, v13  }
0x76: {  	(erf) = vrcp.f32 v8;
	v8 =	vadd.f32 v18, v19;
	v9 =	vadd.f32 v11, v9  }
0x77: {  	s28 =	simm.s32 $0x60;
	v18 =	vld [tilespmem:s25+$0x19140];
	v11 =	vpop (erf);
	v14 =	vadd.f32 v14, v20;
	v15 =	vmul.f32 v15, v17;
	v13 =	vmul.f32 v13, v16  }
0x78: {  	v19 =	vld [tilespmem:s28+$0x17D40];
	v8 =	vmul.f32 v11, v8;
	v11 =	vperm.xlane v9, v1  }
0x79: {  	v17 =	vld [tilespmem:s28+$0x16940];
	v14 =	vmax.f32 v14, $1.000000020e-24;
	v20 =	vmul.f32 v15, v10;
	v13 =	vsub.f32 $1.500000000e+00, v13  }
0x7a: {  	v8 =	vadd.f32 v8, v4;
	v21 =	vadd.f32 v9, v11;
	v9 =	vmul.f32 $5.000000000e-01, v14  }
0x7b: {  	v11 =	vshra.s32 v14, $0x1;
	v14 =	vmul.f32 v20, v15;
	v13 =	vmul.f32 v13, v16  }
0x7c: {  	v8 =	vadd.f32 v8, v18;
	v11 =	vsub.s32 $0x5F3759DF, v11;
	v18 =	vld [tilespmem:s26+$0x15540];
	v16 =	vperm.xlane v21, v2  }
0x7d: {  	v20 =	vmul.f32 v11, v9;
	v22 =	vsub.f32 $1.500000000e+00, v14;
	v14 =	vld [tilespmem:s26+$0x14140];
	v23 =	vmul.f32 v13, v12  }
0x7e: {  	v19 =	vadd.f32 v19, v17;
	v13 =	vmul.f32 v8, v8;
	v12 =	vadd.f32 v21, v16  }
0x7f: {  	s29 =	simm.s32 $0x1C0;
	v17 =	vpop (erf);
	v16 =	vmul.f32 v11, v20;
	v15 =	vmul.f32 v22, v15;
	v20 =	vmax.f32 v23, $0.0e+00  }
.LBB2_2:
0x80: {  	p0 =	sne.s32 s29, $0x4FC0;
	v19 =	vmax.f32 v19, $1.000000000e+00;
	v21 =	vperm.xlane v13, v0;
	[tilespmem:s6+$0x1A540] =	vst v20;
	v20 =	vmov v8;
	s6 =	smov.u32 s5;
	s5 =	smov.u32 s23  }
0x81: {  	v8 =	vperm.xlane v12, v3;
	s23 =	smov.u32 s24;
	s24 =	smov.u32 s25;
	s25 =	smov.u32 s26;
	v16 =	vsub.f32 $1.500000000e+00, v16;
	v22 =	vmul.f32 v15, v10;
	v10 =	vmovc v9  }
0x82: {  	s26 =	smov.u32 s28;
	(erf) = vrcp.f32 v19;
	v9 =	vadd.f32 v18, v14;
	v13 =	vadd.f32 v13, v21  }
0x83: {  	s28 =	sshra.s32 s29, $0x2;
	v8 =	vadd.f32 v12, v8;
	v18 =	vld [tilespmem:s25+$0x19140];
	v21 =	vmul.f32 v11, v16;
	v11 =	vmul.f32 v22, v15  }
0x84: {  	v12 =	vld [tilespmem:s28+$0x16940];
	v9 =	vmul.f32 v17, v9;
	v14 =	vperm.xlane v13, v1  }
0x85: {  	v8 =	vmax.f32 v8, $1.000000020e-24;
	v16 =	vld [tilespmem:s28+$0x17D40];
	v17 =	vmul.f32 v21, v10;
	v11 =	vsub.f32 $1.500000000e+00, v11  }
0x86: {  	v19 =	vadd.f32 v9, v4;
	v22 =	vadd.f32 v13, v14;
	v9 =	vmul.f32 $5.000000000e-01, v8  }
.Ltmp0:
0x87: {  	v13 =	vshra.s32 v8, $0x1;
	v17 =	vmul.f32 v17, v21;
	v15 =	vmul.f32 v11, v15;
	(pc) =	sbr.rel @p0 .LBB2_2-.Ltmp0, $4  }
0x88: {  	v11 =	vsub.s32 $0x5F3759DF, v13;
	v14 =	vld [tilespmem:s26+$0x14140];
	v8 =	vadd.f32 v19, v18;
	v23 =	vperm.xlane v22, v2  }
0x89: {  	v24 =	vmul.f32 v11, v9;
	v18 =	vld [tilespmem:s26+$0x15540];
	v25 =	vsub.f32 $1.500000000e+00, v17;
	v26 =	vmul.f32 v15, v7;
	v7 =	vmovc v5;
	v5 =	vmovc v6  }
0x8a: {  	v6 =	vmovc v20;
	v19 =	vadd.f32 v16, v12;
	v13 =	vmul.f32 v8, v8;
	v12 =	vadd.f32 v22, v23  }
0x8b: {  	s29 =	sadd.s32 $0x40, s29;
	v16 =	vmul.f32 v11, v24;
	v17 =	vpop (erf);
	v15 =	vmul.f32 v25, v21;
	v20 =	vmax.f32 v26, $0.0e+00  }
0x8c: {  	_ = 	snop  }
0x8d: {  	v10 =	vmul.f32 v15, v10;
	_ =	sdelay $0x1  }
0x8e: {  	v19 =	vmax.f32 v19, $1.000000000e+00;
	v10 =	vmul.f32 v10, v15  }
0x8f: {  	(erf) = vrcp.f32 v19  }
0x90: {  	[tilespmem:s6+$0x1A540] =	vst v20;
	v10 =	vsub.f32 $1.500000000e+00, v10  }
0x91: {  	v19 =	vld [tilespmem:s28+$0x14140]  }
0x92: {  	v10 =	vmul.f32 v10, v15;
	v15 =	vld [tilespmem:s28+$0x15540];
	_ =	sdelay $0x1  }
0x93: {  	v7 =	vmul.f32 v10, v7;
	_ =	sdelay $0x1  }
0x94: {  	v10 =	vadd.f32 v18, v14;
	v7 =	vmax.f32 v7, $0.0e+00  }
0x95: {  	v14 =	vld [tilespmem:s26+$0x19140];
	[tilespmem:s5+$0x1A540] =	vst v7;
	v7 =	vadd.f32 v15, v19  }
0x96: {  	v10 =	vmul.f32 v17, v10;
	v15 =	vpop (erf);
	v17 =	vld [tilespmem:s28+$0x19140]  }
0x97: {  	v7 =	vmul.f32 v15, v7  }
0x98: {  	v10 =	vadd.f32 v10, v4  }
0x99: {  	v7 =	vadd.f32 v7, v4  }
0x9a: {  	v10 =	vadd.f32 v10, v14  }
0x9b: {  	v14 =	vperm.xlane v13, v0;
	v7 =	vadd.f32 v7, v17  }
0x9c: {  	v15 =	vmul.f32 v10, v10  }
0x9d: {  	v13 =	vadd.f32 v13, v14;
	v14 =	vmul.f32 v7, v7  }
0x9e: {  	v17 =	vperm.xlane v15, v0  }
0x9f: {  	v18 =	vperm.xlane v13, v1;
	v19 =	vperm.xlane v14, v0  }
0xa0: {  	v15 =	vadd.f32 v15, v17  }
0xa1: {  	v13 =	vadd.f32 v13, v18;
	v14 =	vadd.f32 v14, v19  }
0xa2: {  	v17 =	vperm.xlane v15, v1  }
0xa3: {  	v18 =	vperm.xlane v13, v2;
	v19 =	vperm.xlane v14, v1  }
0xa4: {  	v20 =	vperm.xlane v12, v3;
	v16 =	vsub.f32 $1.500000000e+00, v16;
	v15 =	vadd.f32 v15, v17  }
0xa5: {  	v13 =	vadd.f32 v13, v18;
	v14 =	vadd.f32 v14, v19  }
0xa6: {  	v12 =	vadd.f32 v12, v20;
	v11 =	vmul.f32 v11, v16;
	v16 =	vperm.xlane v15, v2  }
0xa7: {  	v17 =	vperm.xlane v13, v3;
	v18 =	vperm.xlane v14, v2  }
0xa8: {  	v12 =	vmax.f32 v12, $1.000000020e-24;
	v15 =	vadd.f32 v15, v16  }
0xa9: {  	v16 =	vmul.f32 v11, v9;
	v13 =	vadd.f32 v13, v17;
	v14 =	vadd.f32 v14, v18  }
0xaa: {  	v17 =	vmul.f32 $5.000000000e-01, v12;
	v12 =	vshra.s32 v12, $0x1;
	v18 =	vperm.xlane v15, v3  }
0xab: {  	v12 =	vsub.s32 $0x5F3759DF, v12;
	v13 =	vmax.f32 v13, $1.000000020e-24;
	v19 =	vperm.xlane v14, v3  }
0xac: {  	v20 =	vmul.f32 $5.000000000e-01, v13;
	v13 =	vshra.s32 v13, $0x1;
	v15 =	vadd.f32 v15, v18  }
0xad: {  	v16 =	vmul.f32 v16, v11;
	v13 =	vsub.s32 $0x5F3759DF, v13;
	v14 =	vadd.f32 v14, v19  }
0xae: {  	v18 =	vmul.f32 v12, v17;
	v19 =	vmul.f32 v13, v20;
	v15 =	vmax.f32 v15, $1.000000020e-24  }
0xaf: {  	v21 =	vmul.f32 $5.000000000e-01, v15;
	v15 =	vshra.s32 v15, $0x1;
	v14 =	vmax.f32 v14, $1.000000020e-24  }
0xb0: {  	v15 =	vsub.s32 $0x5F3759DF, v15;
	v22 =	vmul.f32 $5.000000000e-01, v14;
	v14 =	vshra.s32 v14, $0x1  }
0xb1: {  	v18 =	vmul.f32 v12, v18;
	v23 =	vmul.f32 v15, v21;
	v14 =	vsub.s32 $0x5F3759DF, v14  }
0xb2: {  	v19 =	vmul.f32 v13, v19;
	v24 =	vmul.f32 v14, v22  }
0xb3: {  	v18 =	vsub.f32 $1.500000000e+00, v18;
	v23 =	vmul.f32 v15, v23  }
0xb4: {  	v16 =	vsub.f32 $1.500000000e+00, v16;
	v19 =	vsub.f32 $1.500000000e+00, v19;
	v24 =	vmul.f32 v14, v24  }
0xb5: {  	v12 =	vmul.f32 v12, v18;
	v18 =	vsub.f32 $1.500000000e+00, v23  }
0xb6: {  	v11 =	vmul.f32 v16, v11;
	v13 =	vmul.f32 v13, v19;
	v16 =	vsub.f32 $1.500000000e+00, v24  }
0xb7: {  	v19 =	vmul.f32 v12, v17;
	v15 =	vmul.f32 v15, v18  }
0xb8: {  	v18 =	vmul.f32 v13, v20;
	v14 =	vmul.f32 v14, v16  }
0xb9: {  	v16 =	vmul.f32 v19, v12;
	v19 =	vmul.f32 v15, v21  }
0xba: {  	v18 =	vmul.f32 v18, v13;
	v23 =	vmul.f32 v14, v22  }
0xbb: {  	v16 =	vsub.f32 $1.500000000e+00, v16;
	v19 =	vmul.f32 v19, v15  }
0xbc: {  	v9 =	vmul.f32 v11, v9;
	v18 =	vsub.f32 $1.500000000e+00, v18;
	v23 =	vmul.f32 v23, v14  }
0xbd: {  	v12 =	vmul.f32 v16, v12;
	v16 =	vsub.f32 $1.500000000e+00, v19  }
0xbe: {  	v9 =	vmul.f32 v9, v11;
	v13 =	vmul.f32 v18, v13;
	v18 =	vsub.f32 $1.500000000e+00, v23  }
0xbf: {  	v17 =	vmul.f32 v12, v17;
	v15 =	vmul.f32 v16, v15  }
0xc0: {  	v16 =	vmul.f32 v13, v20;
	v14 =	vmul.f32 v18, v14  }
0xc1: {  	v17 =	vmul.f32 v17, v12;
	v18 =	vmul.f32 v15, v21  }
0xc2: {  	v9 =	vsub.f32 $1.500000000e+00, v9;
	v16 =	vmul.f32 v16, v13;
	v19 =	vmul.f32 v14, v22  }
0xc3: {  	v17 =	vsub.f32 $1.500000000e+00, v17;
	v18 =	vmul.f32 v18, v15  }
0xc4: {  	v9 =	vmul.f32 v9, v11;
	v11 =	vsub.f32 $1.500000000e+00, v16;
	v16 =	vmul.f32 v19, v14  }
0xc5: {  	v12 =	vmul.f32 v17, v12;
	v17 =	vsub.f32 $1.500000000e+00, v18  }
0xc6: {  	v5 =	vmul.f32 v9, v5;
	v9 =	vmul.f32 v11, v13;
	v11 =	vsub.f32 $1.500000000e+00, v16  }
0xc7: {  	v6 =	vmul.f32 v12, v6;
	v12 =	vmul.f32 v17, v15  }
0xc8: {  	v5 =	vmax.f32 v5, $0.0e+00;
	v8 =	vmul.f32 v9, v8;
	v9 =	vmul.f32 v11, v14  }
0xc9: {  	[tilespmem:s23+$0x1A540] =	vst v5;
	v5 =	vmax.f32 v6, $0.0e+00;
	v6 =	vmul.f32 v12, v10  }
0xca: {  	[tilespmem:s24+$0x1A540] =	vst v5;
	v5 =	vmax.f32 v8, $0.0e+00;
	v7 =	vmul.f32 v9, v7  }
0xcb: {  	[tilespmem:s25+$0x1A540] =	vst v5;
	v5 =	vmax.f32 v6, $0.0e+00  }
0xcc: {  	[tilespmem:s26+$0x1A540] =	vst v5;
	v5 =	vmax.f32 v7, $0.0e+00  }
0xcd: {  	s5 =	simm.s32 $0x0;
	s26 =	rddreg [dreg:$0x11];
	[tilespmem:s28+$0x1A540] =	vst v5  }
0xce: {  	[hbm4b:s26+s5] =	stream.linear.scatter [tilespmem:s10], [sflag:$0x3], $0x1400, $0x38;
	[tilespmem:$0x1B950] =	vst v63  }
0xcf: {  	_ =	swait.ge [sflag:s2], $0x1400  }
0xd0: {  	[sflag:s2] =	ssyncset.done $0x0  }
0xd1: {  	s24 =	simm.s32 $0x14140;
	s23 =	rddreg [dreg:$0xc];
	[sflag:s2] =	ssyncadd.s32 $0xFFFFEC00  }
0xd2: {  	[tilespmem:s24], [sflag:$0x3] =	stream.linear.gather [hbm4b:s23+s5], $0x1400, $0x38;
	[tilespmem:$0x1B950] =	vst v63  }
0xd3: {  	_ =	swait.ge [sflag:s2], $0x1400  }
0xd4: {  	[sflag:s2] =	ssyncset.done $0x0  }
0xd5: {  	s26 =	simm.s32 $0x15540;
	s25 =	rddreg [dreg:$0xd];
	[sflag:s2] =	ssyncadd.s32 $0xFFFFEC00  }
0xd6: {  	[tilespmem:s26], [sflag:$0x3] =	stream.linear.gather [hbm4b:s25+s5], $0x1400, $0x38;
	[tilespmem:$0x1B950] =	vst v63  }
0xd7: {  	_ =	swait.ge [sflag:s2], $0x1400  }
0xd8: {  	[sflag:s2] =	ssyncset.done $0x0  }
0xd9: {  	s24 =	rddreg [dreg:$0xf];
	[sflag:s2] =	ssyncadd.s32 $0xFFFFEC00  }
0xda: {  	[tilespmem:s7], [sflag:$0x3] =	stream.linear.gather [hbm4b:s24+s5], $0x1400, $0x38;
	[tilespmem:$0x1B950] =	vst v63  }
0xdb: {  	_ =	swait.ge [sflag:s2], $0x1400  }
0xdc: {  	[sflag:s2] =	ssyncset.done $0x0  }
0xdd: {  	s25 =	rddreg [dreg:$0xe];
	[sflag:s2] =	ssyncadd.s32 $0xFFFFEC00  }
0xde: {  	[tilespmem:s8], [sflag:$0x3] =	stream.linear.gather [hbm4b:s25+s5], $0x1400, $0x38;
	[tilespmem:$0x1B950] =	vst v63  }
0xdf: {  	_ =	swait.ge [sflag:s2], $0x1400  }
0xe0: {  	[sflag:s2] =	ssyncset.done $0x0  }
0xe1: {  	s26 =	rddreg [dreg:$0x10];
	[sflag:s2] =	ssyncadd.s32 $0xFFFFEC00  }
0xe2: {  	[tilespmem:s9], [sflag:$0x3] =	stream.linear.gather [hbm4b:s26+s5], $0x1400, $0x38;
	[tilespmem:$0x1B950] =	vst v63  }
0xe3: {  	_ =	swait.ge [sflag:s2], $0x1400  }
0xe4: {  	[sflag:s2] =	ssyncset.done $0x0  }
0xe5: {  	s6 =	simm.s32 $0x0;
	[sflag:s2] =	ssyncadd.s32 $0xFFFFEC00  }
0xe6: {  	v5 =	vld [tilespmem:s6+$0x16940]  }
0xe7: {  	v6 =	vld [tilespmem:s6+$0x17D40];
	_ =	sdelay $0x4  }
0xe8: {  	v5 =	vadd.f32 v6, v5;
	_ =	sdelay $0x1  }
0xe9: {  	v5 =	vmax.f32 v5, $1.000000000e+00  }
0xea: {  	(erf) = vrcp.f32 v5  }
0xeb: {  	s5 =	simm.s32 $0x10;
	v7 =	vld [tilespmem:s6+$0x15540]  }
0xec: {  	v8 =	vld [tilespmem:s5+$0x17D40]  }
0xed: {  	v6 =	vld [tilespmem:s6+$0x14140]  }
0xee: {  	v5 =	vld [tilespmem:s5+$0x16940];
	_ =	sdelay $0x3  }
0xef: {  	v6 =	vadd.f32 v7, v6  }
0xf0: {  	v5 =	vadd.f32 v8, v5;
	v8 =	vld [tilespmem:s6+$0x19140];
	v7 =	vpop (erf)  }
0xf1: {  	v6 =	vmul.f32 v7, v6  }
0xf2: {  	s23 =	simm.s32 $0x20;
	v5 =	vmax.f32 v5, $1.000000000e+00  }
0xf3: {  	(erf) = vrcp.f32 v5;
	v5 =	vld [tilespmem:s23+$0x16940];
	v6 =	vadd.f32 v6, v4  }
0xf4: {  	v7 =	vld [tilespmem:s23+$0x17D40]  }
0xf5: {  	v9 =	vld [tilespmem:s5+$0x14140];
	v12 =	vadd.f32 v6, v8  }
0xf6: {  	v6 =	vld [tilespmem:s5+$0x15540]  }
0xf7: {  	v8 =	vmul.f32 v12, v12;
	_ =	sdelay $0x1  }
0xf8: {  	v5 =	vadd.f32 v7, v5;
	v7 =	vperm.xlane v8, v0;
	_ =	sdelay $0x1  }
0xf9: {  	v5 =	vmax.f32 v5, $1.000000000e+00;
	v6 =	vadd.f32 v6, v9;
	v7 =	vadd.f32 v8, v7  }
0xfa: {  	s24 =	simm.s32 $0x30;
	v8 =	vpop (erf);
	(erf) = vrcp.f32 v5;
	v5 =	vld [tilespmem:s5+$0x19140]  }
0xfb: {  	v10 =	vld [tilespmem:s24+$0x17D40];
	v6 =	vmul.f32 v8, v6;
	v8 =	vperm.xlane v7, v1  }
0xfc: {  	v11 =	vld [tilespmem:s23+$0x14140]  }
0xfd: {  	v9 =	vld [tilespmem:s24+$0x16940];
	v6 =	vadd.f32 v6, v4;
	v8 =	vadd.f32 v7, v8  }
0xfe: {  	v13 =	vld [tilespmem:s23+$0x15540]  }
0xff: {  	v7 =	vadd.f32 v6, v5;
	v5 =	vperm.xlane v8, v2;
	_ =	sdelay $0x1  }
0x100: {  	v6 =	vmul.f32 v7, v7;
	v5 =	vadd.f32 v8, v5  }
0x101: {  	v8 =	vadd.f32 v10, v9  }
0x102: {  	v11 =	vadd.f32 v13, v11;
	v9 =	vperm.xlane v6, v0;
	v10 =	vperm.xlane v5, v3  }
0x103: {  	v14 =	vld [tilespmem:s23+$0x19140];
	v13 =	vpop (erf);
	v8 =	vmax.f32 v8, $1.000000000e+00  }
0x104: {  	s25 =	simm.s32 $0x40;
	v6 =	vadd.f32 v6, v9;
	v9 =	vmul.f32 v13, v11;
	v5 =	vadd.f32 v5, v10  }
0x105: {  	(erf) = vrcp.f32 v8;
	v8 =	vld [tilespmem:s25+$0x16940]  }
0x106: {  	v11 =	vld [tilespmem:s25+$0x17D40];
	v10 =	vperm.xlane v6, v1;
	v9 =	vadd.f32 v9, v4;
	v5 =	vmax.f32 v5, $1.000000020e-24  }
0x107: {  	v13 =	vmul.f32 $5.000000000e-01, v5;
	v15 =	vshra.s32 v5, $0x1  }
0x108: {  	v6 =	vadd.f32 v6, v10;
	v5 =	vadd.f32 v9, v14;
	v9 =	vsub.s32 $0x5F3759DF, v15  }
0x109: {  	v10 =	vld [tilespmem:s24+$0x14140];
	v15 =	vmul.f32 v9, v13  }
0x10a: {  	v14 =	vld [tilespmem:s24+$0x15540];
	v16 =	vperm.xlane v6, v2;
	v17 =	vmul.f32 v5, v5  }
0x10b: {  	v8 =	vadd.f32 v11, v8  }
0x10c: {  	v15 =	vmul.f32 v9, v15;
	v6 =	vadd.f32 v6, v16;
	v16 =	vperm.xlane v17, v0;
	_ =	sdelay $0x1  }
0x10d: {  	v8 =	vmax.f32 v8, $1.000000000e+00;
	v11 =	vsub.f32 $1.500000000e+00, v15  }
0x10e: {  	v10 =	vadd.f32 v14, v10;
	v15 =	vperm.xlane v6, v3;
	v14 =	vadd.f32 v17, v16  }
0x10f: {  	s26 =	simm.s32 $0x50;
	(erf) = vrcp.f32 v8;
	v17 =	vld [tilespmem:s24+$0x19140];
	v16 =	vpop (erf);
	v9 =	vmul.f32 v9, v11  }
0x110: {  	v8 =	vld [tilespmem:s26+$0x17D40];
	v6 =	vadd.f32 v6, v15;
	v15 =	vperm.xlane v14, v1;
	v10 =	vmul.f32 v16, v10  }
0x111: {  	v11 =	vld [tilespmem:s26+$0x16940];
	v16 =	vmul.f32 v9, v13  }
0x112: {  	v6 =	vmax.f32 v6, $1.000000020e-24;
	v14 =	vadd.f32 v14, v15;
	v18 =	vadd.f32 v10, v4  }
0x113: {  	v10 =	vmul.f32 $5.000000000e-01, v6;
	v15 =	vshra.s32 v6, $0x1;
	v16 =	vmul.f32 v16, v9  }
0x114: {  	v19 =	vld [tilespmem:s25+$0x14140];
	v15 =	vsub.s32 $0x5F3759DF, v15;
	v6 =	vadd.f32 v18, v17  }
0x115: {  	v17 =	vperm.xlane v14, v2;
	v18 =	vld [tilespmem:s25+$0x15540];
	v20 =	vmul.f32 v15, v10;
	v16 =	vsub.f32 $1.500000000e+00, v16  }
0x116: {  	v8 =	vadd.f32 v8, v11;
	v11 =	vmul.f32 v6, v6  }
0x117: {  	v14 =	vadd.f32 v14, v17;
	v17 =	vmul.f32 v15, v20;
	v16 =	vmul.f32 v16, v9  }
0x118: {  	v8 =	vmax.f32 v8, $1.000000000e+00;
	v9 =	vperm.xlane v11, v0  }
0x119: {  	v20 =	vperm.xlane v14, v3;
	v17 =	vsub.f32 $1.500000000e+00, v17;
	v13 =	vmul.f32 v16, v13  }
0x11a: {  	(erf) = vrcp.f32 v8;
	v8 =	vadd.f32 v18, v19;
	v9 =	vadd.f32 v11, v9  }
0x11b: {  	s28 =	simm.s32 $0x60;
	v18 =	vld [tilespmem:s25+$0x19140];
	v11 =	vpop (erf);
	v14 =	vadd.f32 v14, v20;
	v15 =	vmul.f32 v15, v17;
	v13 =	vmul.f32 v13, v16  }
0x11c: {  	v19 =	vld [tilespmem:s28+$0x17D40];
	v8 =	vmul.f32 v11, v8;
	v11 =	vperm.xlane v9, v1  }
0x11d: {  	v17 =	vld [tilespmem:s28+$0x16940];
	v14 =	vmax.f32 v14, $1.000000020e-24;
	v20 =	vmul.f32 v15, v10;
	v13 =	vsub.f32 $1.500000000e+00, v13  }
0x11e: {  	v8 =	vadd.f32 v8, v4;
	v21 =	vadd.f32 v9, v11;
	v9 =	vmul.f32 $5.000000000e-01, v14  }
0x11f: {  	v11 =	vshra.s32 v14, $0x1;
	v14 =	vmul.f32 v20, v15;
	v13 =	vmul.f32 v13, v16  }
0x120: {  	v8 =	vadd.f32 v8, v18;
	v11 =	vsub.s32 $0x5F3759DF, v11;
	v18 =	vld [tilespmem:s26+$0x15540];
	v16 =	vperm.xlane v21, v2  }
0x121: {  	v20 =	vmul.f32 v11, v9;
	v22 =	vsub.f32 $1.500000000e+00, v14;
	v14 =	vld [tilespmem:s26+$0x14140];
	v23 =	vmul.f32 v13, v12  }
0x122: {  	v19 =	vadd.f32 v19, v17;
	v13 =	vmul.f32 v8, v8;
	v12 =	vadd.f32 v21, v16  }
0x123: {  	s29 =	simm.s32 $0x1C0;
	v17 =	vpop (erf);
	v16 =	vmul.f32 v11, v20;
	v15 =	vmul.f32 v22, v15;
	v20 =	vmax.f32 v23, $0.0e+00  }
.LBB2_4:
0x124: {  	p0 =	sne.s32 s29, $0x4FC0;
	v19 =	vmax.f32 v19, $1.000000000e+00;
	v21 =	vperm.xlane v13, v0;
	[tilespmem:s6+$0x1A540] =	vst v20;
	v20 =	vmov v8;
	s6 =	smov.u32 s5;
	s5 =	smov.u32 s23  }
0x125: {  	v8 =	vperm.xlane v12, v3;
	s23 =	smov.u32 s24;
	s24 =	smov.u32 s25;
	s25 =	smov.u32 s26;
	v16 =	vsub.f32 $1.500000000e+00, v16;
	v22 =	vmul.f32 v15, v10;
	v10 =	vmovc v9  }
0x126: {  	s26 =	smov.u32 s28;
	(erf) = vrcp.f32 v19;
	v9 =	vadd.f32 v18, v14;
	v13 =	vadd.f32 v13, v21  }
0x127: {  	s28 =	sshra.s32 s29, $0x2;
	v8 =	vadd.f32 v12, v8;
	v18 =	vld [tilespmem:s25+$0x19140];
	v21 =	vmul.f32 v11, v16;
	v11 =	vmul.f32 v22, v15  }
0x128: {  	v12 =	vld [tilespmem:s28+$0x16940];
	v9 =	vmul.f32 v17, v9;
	v14 =	vperm.xlane v13, v1  }
0x129: {  	v8 =	vmax.f32 v8, $1.000000020e-24;
	v16 =	vld [tilespmem:s28+$0x17D40];
	v17 =	vmul.f32 v21, v10;
	v11 =	vsub.f32 $1.500000000e+00, v11  }
0x12a: {  	v19 =	vadd.f32 v9, v4;
	v22 =	vadd.f32 v13, v14;
	v9 =	vmul.f32 $5.000000000e-01, v8  }
.Ltmp1:
0x12b: {  	v13 =	vshra.s32 v8, $0x1;
	v17 =	vmul.f32 v17, v21;
	v15 =	vmul.f32 v11, v15;
	(pc) =	sbr.rel @p0 .LBB2_4-.Ltmp1, $4  }
0x12c: {  	v11 =	vsub.s32 $0x5F3759DF, v13;
	v14 =	vld [tilespmem:s26+$0x14140];
	v8 =	vadd.f32 v19, v18;
	v23 =	vperm.xlane v22, v2  }
0x12d: {  	v24 =	vmul.f32 v11, v9;
	v18 =	vld [tilespmem:s26+$0x15540];
	v25 =	vsub.f32 $1.500000000e+00, v17;
	v26 =	vmul.f32 v15, v7;
	v7 =	vmovc v5;
	v5 =	vmovc v6  }
0x12e: {  	v6 =	vmovc v20;
	v19 =	vadd.f32 v16, v12;
	v13 =	vmul.f32 v8, v8;
	v12 =	vadd.f32 v22, v23  }
0x12f: {  	s29 =	sadd.s32 $0x40, s29;
	v16 =	vmul.f32 v11, v24;
	v17 =	vpop (erf);
	v15 =	vmul.f32 v25, v21;
	v20 =	vmax.f32 v26, $0.0e+00  }
0x130: {  	_ = 	snop  }
0x131: {  	v10 =	vmul.f32 v15, v10;
	_ =	sdelay $0x1  }
0x132: {  	v19 =	vmax.f32 v19, $1.000000000e+00;
	v10 =	vmul.f32 v10, v15  }
0x133: {  	(erf) = vrcp.f32 v19  }
0x134: {  	[tilespmem:s6+$0x1A540] =	vst v20;
	v10 =	vsub.f32 $1.500000000e+00, v10  }
0x135: {  	v63 =	vld [tilespmem:s28+$0x14140]  }
0x136: {  	v20 =	vld [tilespmem:s28+$0x15540];
	v10 =	vmul.f32 v10, v15;
	_ =	sdelay $0x1  }
0x137: {  	v7 =	vmul.f32 v10, v7;
	_ =	sdelay $0x1  }
0x138: {  	v21 =	vadd.f32 v18, v14;
	v7 =	vmax.f32 v7, $0.0e+00  }
0x139: {  	v22 =	vld [tilespmem:s26+$0x19140];
	v23 =	vadd.f32 v20, v63;
	[tilespmem:s5+$0x1A540] =	vst v7  }
0x13a: {  	v10 =	vmul.f32 v17, v21;
	v24 =	vpop (erf);
	v25 =	vld [tilespmem:s28+$0x19140]  }
0x13b: {  	v7 =	vmul.f32 v24, v23  }
0x13c: {  	v10 =	vadd.f32 v10, v4  }
0x13d: {  	v4 =	vadd.f32 v7, v4  }
0x13e: {  	v26 =	vadd.f32 v10, v22  }
0x13f: {  	v27 =	vperm.xlane v13, v0;
	v4 =	vadd.f32 v4, v25  }
0x140: {  	v14 =	vmul.f32 v26, v26  }
0x141: {  	v10 =	vadd.f32 v13, v27;
	v28 =	vmul.f32 v4, v4  }
0x142: {  	v29 =	vperm.xlane v14, v0  }
0x143: {  	v30 =	vperm.xlane v10, v1;
	v31 =	vperm.xlane v28, v0  }
0x144: {  	v14 =	vadd.f32 v14, v29  }
0x145: {  	v10 =	vadd.f32 v10, v30;
	v13 =	vadd.f32 v28, v31  }
0x146: {  	v32 =	vperm.xlane v12, v3;
	v15 =	vperm.xlane v14, v1  }
0x147: {  	v17 =	vperm.xlane v10, v2;
	v18 =	vperm.xlane v13, v1  }
0x148: {  	v12 =	vadd.f32 v12, v32;
	v14 =	vadd.f32 v14, v15  }
0x149: {  	v10 =	vadd.f32 v10, v17;
	v13 =	vadd.f32 v13, v18  }
0x14a: {  	v15 =	vperm.xlane v14, v2  }
0x14b: {  	v12 =	vmax.f32 v12, $1.000000020e-24;
	v33 =	vperm.xlane v10, v3;
	v34 =	vperm.xlane v13, v2  }
0x14c: {  	v16 =	vsub.f32 $1.500000000e+00, v16;
	v36 =	vmul.f32 $5.000000000e-01, v12;
	v14 =	vadd.f32 v14, v15  }
0x14d: {  	v12 =	vshra.s32 v12, $0x1;
	v10 =	vadd.f32 v10, v33;
	v13 =	vadd.f32 v13, v34  }
0x14e: {  	v11 =	vmul.f32 v11, v16;
	v12 =	vsub.s32 $0x5F3759DF, v12;
	v37 =	vperm.xlane v14, v3  }
0x14f: {  	v40 =	vmul.f32 v12, v36;
	v10 =	vmax.f32 v10, $1.000000020e-24;
	v38 =	vperm.xlane v13, v3  }
0x150: {  	v39 =	vmul.f32 $5.000000000e-01, v10;
	v10 =	vshra.s32 v10, $0x1;
	v14 =	vadd.f32 v14, v37  }
0x151: {  	v35 =	vmul.f32 v11, v9;
	v10 =	vsub.s32 $0x5F3759DF, v10;
	v13 =	vadd.f32 v13, v38  }
0x152: {  	v17 =	vmul.f32 v12, v40;
	v41 =	vmul.f32 v10, v39;
	v14 =	vmax.f32 v14, $1.000000020e-24  }
0x153: {  	v42 =	vmul.f32 $5.000000000e-01, v14;
	v14 =	vshra.s32 v14, $0x1;
	v13 =	vmax.f32 v13, $1.000000020e-24  }
0x154: {  	v14 =	vsub.s32 $0x5F3759DF, v14;
	v21 =	vmul.f32 $5.000000000e-01, v13;
	v13 =	vshra.s32 v13, $0x1  }
0x155: {  	v17 =	vsub.f32 $1.500000000e+00, v17;
	v22 =	vmul.f32 v14, v42;
	v13 =	vsub.s32 $0x5F3759DF, v13  }
0x156: {  	v18 =	vmul.f32 v10, v41;
	v23 =	vmul.f32 v13, v21  }
0x157: {  	v12 =	vmul.f32 v12, v17;
	v22 =	vmul.f32 v14, v22  }
0x158: {  	v18 =	vsub.f32 $1.500000000e+00, v18;
	v23 =	vmul.f32 v13, v23  }
0x159: {  	v15 =	vmul.f32 v35, v11;
	v45 =	vmul.f32 v12, v36;
	v43 =	vsub.f32 $1.500000000e+00, v22  }
0x15a: {  	v10 =	vmul.f32 v10, v18;
	v44 =	vsub.f32 $1.500000000e+00, v23  }
0x15b: {  	v15 =	vsub.f32 $1.500000000e+00, v15;
	v47 =	vmul.f32 v45, v12;
	v14 =	vmul.f32 v14, v43  }
0x15c: {  	v46 =	vmul.f32 v10, v39;
	v13 =	vmul.f32 v13, v44  }
0x15d: {  	v11 =	vmul.f32 v15, v11;
	v48 =	vmul.f32 v14, v42  }
0x15e: {  	v17 =	vmul.f32 v46, v10;
	v49 =	vmul.f32 v13, v21  }
0x15f: {  	v15 =	vsub.f32 $1.500000000e+00, v47;
	v18 =	vmul.f32 v48, v14  }
0x160: {  	v50 =	vmul.f32 v11, v9;
	v17 =	vsub.f32 $1.500000000e+00, v17;
	v22 =	vmul.f32 v49, v13  }
0x161: {  	v12 =	vmul.f32 v15, v12;
	v51 =	vsub.f32 $1.500000000e+00, v18  }
0x162: {  	v9 =	vmul.f32 v50, v11;
	v10 =	vmul.f32 v17, v10;
	v52 =	vsub.f32 $1.500000000e+00, v22  }
0x163: {  	v16 =	vmul.f32 v12, v36;
	v14 =	vmul.f32 v51, v14  }
0x164: {  	v53 =	vmul.f32 v10, v39;
	v13 =	vmul.f32 v52, v13  }
0x165: {  	v16 =	vmul.f32 v16, v12;
	v54 =	vmul.f32 v14, v42  }
0x166: {  	v9 =	vsub.f32 $1.500000000e+00, v9;
	v15 =	vmul.f32 v53, v10;
	v55 =	vmul.f32 v13, v21  }
0x167: {  	v16 =	vsub.f32 $1.500000000e+00, v16;
	v17 =	vmul.f32 v54, v14  }
0x168: {  	v9 =	vmul.f32 v9, v11;
	v56 =	vsub.f32 $1.500000000e+00, v15;
	v57 =	vmul.f32 v55, v13  }
0x169: {  	v12 =	vmul.f32 v16, v12;
	v58 =	vsub.f32 $1.500000000e+00, v17  }
0x16a: {  	v5 =	vmul.f32 v9, v5;
	v59 =	vmul.f32 v56, v10;
	v60 =	vsub.f32 $1.500000000e+00, v57  }
0x16b: {  	v6 =	vmul.f32 v12, v6;
	v61 =	vmul.f32 v58, v14  }
0x16c: {  	v5 =	vmax.f32 v5, $0.0e+00;
	v8 =	vmul.f32 v59, v8;
	v62 =	vmul.f32 v60, v13  }
0x16d: {  	[tilespmem:s23+$0x1A540] =	vst v5;
	v5 =	vmax.f32 v6, $0.0e+00;
	v63 =	vmul.f32 v61, v26  }
0x16e: {  	[tilespmem:s24+$0x1A540] =	vst v5;
	v5 =	vmax.f32 v8, $0.0e+00;
	v4 =	vmul.f32 v62, v4  }
0x16f: {  	[tilespmem:s25+$0x1A540] =	vst v5;
	v5 =	vmax.f32 v63, $0.0e+00  }
0x170: {  	[tilespmem:s26+$0x1A540] =	vst v5;
	v4 =	vmax.f32 v4, $0.0e+00  }
0x171: {  	s29 =	rddreg [dreg:$0x12];
	[tilespmem:s28+$0x1A540] =	vst v4  }
0x172: {  	[hbm4b:s29+s4] =	stream.linear.scatter [tilespmem:s10], [sflag:$0x3], $0x1400, $0x38;
	[tilespmem:$0x1B950] =	vst v63  }
0x173: {  	_ =	swait.ge [sflag:s2], $0x1400  }
0x174: {  	[sflag:s2] =	ssyncset.done $0x0  }
0x175: {  	[sflag:s2] =	ssyncadd.s32 $0xFFFFEC00  }
0x176: {  	[bflag:$0x0] =	sbarrier.arrive $0xFFFF  }
0x177: {  	[tilespmem:s4], [sflag:$0x3] =	stream.linear.gather [hbm4b:s19+s4], $0x7D0, $0x38;
	[tilespmem:$0x1B950] =	vst v63  }
0x178: {  	_ =	swait.ge [sflag:s2], $0x7D0  }
0x179: {  	[sflag:s2] =	ssyncset.done $0x0  }
0x17a: {  	s6 =	rddreg [dreg:$0x13];
	[sflag:s2] =	ssyncadd.s32 $0xFFFFF830  }
0x17b: {  	[tilespmem:s11], [sflag:$0x3] =	stream.linear.gather [hbm4b:s6+s4], $0x7D0, $0x38;
	[tilespmem:$0x1B950] =	vst v63  }
0x17c: {  	_ =	swait.ge [sflag:s2], $0x7D0  }
0x17d: {  	[sflag:s2] =	ssyncset.done $0x0  }
0x17e: {  	[sflag:s2] =	ssyncadd.s32 $0xFFFFF830  }
0x17f: {  	[tilespmem:s13], [sflag:$0x1] =	stream.indirect.gather [hbm4b:s22+s12], $0x10, s4, s12, $0xb8;
	[tilespmem:$0x1B950] =	vst v63  }
0x180: {  	s23 =	rddreg [dreg:$0x14]  }
0x181: {  	[tilespmem:s12], [sflag:$0x3] =	stream.linear.gather [hbm4b:s23+s4], $0x7D0, $0x38;
	[tilespmem:$0x1B950] =	vst v63  }
0x182: {  	_ =	swait.ge [sflag:s2], $0x7D0  }
0x183: {  	[sflag:s2] =	ssyncset.done $0x0  }
0x184: {  	s24 =	rddreg [dreg:$0x17];
	[sflag:s2] =	ssyncadd.s32 $0xFFFFF830  }
0x185: {  	[tilespmem:s14], [sflag:$0x3] =	stream.linear.gather [hbm4b:s24+s4], $0x7D0, $0x38;
	[tilespmem:$0x1B950] =	vst v63  }
0x186: {  	_ =	swait.ge [sflag:s2], $0x7D0  }
0x187: {  	[sflag:s2] =	ssyncset.done $0x0  }
0x188: {  	[sflag:s2] =	ssyncadd.s32 $0xFFFFF830  }
0x189: {  	[tilespmem:s15], [sflag:$0x2] =	stream.indirect.gather [hbm4b:s22+s12], $0x10, s12, s12, $0xb8;
	[tilespmem:$0x1B950] =	vst v63  }
0x18a: {  	_ =	swait.ge [sflag:s16], $0x7D00  }
0x18b: {  	[sflag:s16] =	ssyncset.done $0x0  }
0x18c: {  	[sflag:s16] =	ssyncadd.s32 $0xFFFF8300  }
0x18d: {  	[spmem:s3] =	stream.indirect.scatter.add.f32 [tilespmem:s13], [sflag:$0x3], $0x10, s11, s12, $0xb8;
	[tilespmem:$0x1B950] =	vst v63  }
0x18e: {  	_ =	swait.ge [sflag:s2], $0x7D00  }
0x18f: {  	[sflag:s2] =	ssyncset.done $0x0  }
0x190: {  	s25 =	rddreg [dreg:$0x18];
	[sflag:s2] =	ssyncadd.s32 $0xFFFF8300  }
0x191: {  	[tilespmem:s4], [sflag:$0x3] =	stream.linear.gather [hbm4b:s25+s4], $0x7D0, $0x38;
	[tilespmem:$0x1B950] =	vst v63  }
0x192: {  	_ =	swait.ge [sflag:s2], $0x7D0  }
0x193: {  	[sflag:s2] =	ssyncset.done $0x0  }
0x194: {  	s26 =	rddreg [dreg:$0x19];
	[sflag:s2] =	ssyncadd.s32 $0xFFFFF830  }
0x195: {  	[tilespmem:s11], [sflag:$0x3] =	stream.linear.gather [hbm4b:s26+s4], $0x7D0, $0x38;
	[tilespmem:$0x1B950] =	vst v63  }
0x196: {  	_ =	swait.ge [sflag:s2], $0x7D0  }
0x197: {  	[sflag:s2] =	ssyncset.done $0x0  }
0x198: {  	[sflag:s2] =	ssyncadd.s32 $0xFFFFF830  }
0x199: {  	[tilespmem:s13], [sflag:$0x1] =	stream.indirect.gather [hbm4b:s22+s12], $0x10, s4, s12, $0xb8;
	[tilespmem:$0x1B950] =	vst v63  }
0x19a: {  	_ =	swait.ge [sflag:s18], $0x7D00  }
0x19b: {  	[sflag:s18] =	ssyncset.done $0x0  }
0x19c: {  	[sflag:s18] =	ssyncadd.s32 $0xFFFF8300  }
0x19d: {  	[spmem:s3] =	stream.indirect.scatter.add.f32 [tilespmem:s15], [sflag:$0x3], $0x10, s14, s12, $0xb8;
	[tilespmem:$0x1B950] =	vst v63  }
0x19e: {  	_ =	swait.ge [sflag:s2], $0x7D00  }
0x19f: {  	[sflag:s2] =	ssyncset.done $0x0  }
0x1a0: {  	[sflag:s2] =	ssyncadd.s32 $0xFFFF8300  }
0x1a1: {  	[tilespmem:s12], [sflag:$0x3] =	stream.linear.gather [hbm4b:s30+s4], $0x7D0, $0x38;
	[tilespmem:$0x1B950] =	vst v63  }
0x1a2: {  	_ =	swait.ge [sflag:s2], $0x7D0  }
0x1a3: {  	[sflag:s2] =	ssyncset.done $0x0  }
0x1a4: {  	[sflag:s2] =	ssyncadd.s32 $0xFFFFF830  }
0x1a5: {  	[tilespmem:s14], [sflag:$0x3] =	stream.linear.gather [hbm4b:s31+s4], $0x7D0, $0x38;
	[tilespmem:$0x1B950] =	vst v63  }
0x1a6: {  	_ =	swait.ge [sflag:s2], $0x7D0  }
0x1a7: {  	[sflag:s2] =	ssyncset.done $0x0  }
0x1a8: {  	[sflag:s2] =	ssyncadd.s32 $0xFFFFF830  }
0x1a9: {  	[tilespmem:s15], [sflag:$0x2] =	stream.indirect.gather [hbm4b:s22+s12], $0x10, s12, s12, $0xb8;
	[tilespmem:$0x1B950] =	vst v63  }
0x1aa: {  	_ =	swait.ge [sflag:s16], $0x7D00  }
0x1ab: {  	[sflag:s16] =	ssyncset.done $0x0  }
0x1ac: {  	[sflag:s16] =	ssyncadd.s32 $0xFFFF8300  }
0x1ad: {  	[spmem:s3] =	stream.indirect.scatter.add.f32 [tilespmem:s13], [sflag:$0x3], $0x10, s11, s12, $0xb8;
	[tilespmem:$0x1B950] =	vst v63  }
0x1ae: {  	_ =	swait.ge [sflag:s2], $0x7D00  }
0x1af: {  	[sflag:s2] =	ssyncset.done $0x0  }
0x1b0: {  	[sflag:s2] =	ssyncadd.s32 $0xFFFF8300  }
0x1b1: {  	[tilespmem:s4], [sflag:$0x3] =	stream.linear.gather [hbm4b:s0+s4], $0x7D0, $0x38;
	[tilespmem:$0x1B950] =	vst v63  }
0x1b2: {  	_ =	swait.ge [sflag:s2], $0x7D0  }
0x1b3: {  	[sflag:s2] =	ssyncset.done $0x0  }
0x1b4: {  	[sflag:s2] =	ssyncadd.s32 $0xFFFFF830  }
0x1b5: {  	[tilespmem:s11], [sflag:$0x3] =	stream.linear.gather [hbm4b:s1+s4], $0x7D0, $0x38;
	[tilespmem:$0x1B950] =	vst v63  }
0x1b6: {  	_ =	swait.ge [sflag:s2], $0x7D0  }
0x1b7: {  	[sflag:s2] =	ssyncset.done $0x0  }
0x1b8: {  	[sflag:s2] =	ssyncadd.s32 $0xFFFFF830  }
0x1b9: {  	[tilespmem:s13], [sflag:$0x1] =	stream.indirect.gather [hbm4b:s22+s12], $0x10, s4, s12, $0xb8;
	[tilespmem:$0x1B950] =	vst v63  }
0x1ba: {  	_ =	swait.ge [sflag:s18], $0x7D00  }
0x1bb: {  	[sflag:s18] =	ssyncset.done $0x0  }
0x1bc: {  	[sflag:s18] =	ssyncadd.s32 $0xFFFF8300  }
0x1bd: {  	[spmem:s3] =	stream.indirect.scatter.add.f32 [tilespmem:s15], [sflag:$0x3], $0x10, s14, s12, $0xb8;
	[tilespmem:$0x1B950] =	vst v63  }
0x1be: {  	_ =	swait.ge [sflag:s2], $0x7D00  }
0x1bf: {  	[sflag:s2] =	ssyncset.done $0x0  }
0x1c0: {  	[sflag:s2] =	ssyncadd.s32 $0xFFFF8300  }
0x1c1: {  	_ =	swait.ge [sflag:s16], $0x7D00  }
0x1c2: {  	[sflag:s16] =	ssyncset.done $0x0  }
0x1c3: {  	[sflag:s16] =	ssyncadd.s32 $0xFFFF8300  }
0x1c4: {  	[spmem:s3] =	stream.indirect.scatter.add.f32 [tilespmem:s13], [sflag:$0x3], $0x10, s11, s12, $0xb8;
	[tilespmem:$0x1B950] =	vst v63  }
0x1c5: {  	_ =	swait.ge [sflag:s2], $0x7D00  }
0x1c6: {  	[sflag:s2] =	ssyncset.done $0x0  }
0x1c7: {  	[sflag:s2] =	ssyncadd.s32 $0xFFFF8300  }
0x1c8: {  	[bflag:$0x0] =	sbarrier.arrive $0xFFFF  }
0x1c9: {  	s28 =	rddreg [dreg:$0x15]  }
0x1ca: {  	[hbm:s28], [sflag:s17] =	dma.local [spmem:s21], $0x500  }
0x1cb: {  	_ =	swait.ge [sflag:s2], $0x500  }
0x1cc: {  	s20 =	sadd.s32 $0x1, s20;
	s29 =	rddreg [dreg:$0x16]  }
0x1cd: {  	p0 =	sne.s32 s20, s29  }
.Ltmp2:
0x1ce: {  	_ = 	snop;
	(pc) =	sbr.rel @p0 .LBB2_1-.Ltmp2, $3  }
0x1cf: {  	_ =	sdelay $0x1  }
0x1d0: {  	[sflag:s2] =	ssyncset.done $0x0  }
0x1d1: {  	[sflag:s2] =	ssyncadd.s32 $0xFFFFFB00  }
0x1d2: {  	_ =	sfence.sel $0x180000  }
0x1d3: {  	[bflag:$0x0] =	sbarrier.arrive $0xFFFF  }
0x1d4: {  	_ =	strace $0x9000004A  }
0x1d5: {  	s0 =	stileid.u32;
	[bflag:$0x2] =	sbarrier.arrive $0xFFFF  }
0x1d6: {  	p0 =	sne.s32 s0, $0x0;
	s0 =	rddreg [dreg:$0x4]  }
0x1d7: {  	s0 =	sadd.s32 @!p0 $0x100000, s0  }
0x1d8: {  	[sflag:s0] =	ssyncadd.tile.s32 @!p0 $0x1;
	_ =	shalt  }
.Lfunc_end2:
_tile_overlayer_lowered:
.L_overlay_start_2:
0x1d9: {  	(tag) =	ssettag $0x2  }
0x1da: {  	s0 =	rddreg [dreg:$0x0];
	s2 =	stileid.u32  }
0x1db: {  	s1 =	rddreg [dreg:$0x1];
	p0 =	sne.s32 s2, $0x0  }
0x1dc: {  	s3 =	rddreg [dreg:$0x2];
	[bflag:$0x3] =	sbarrier.arrive $0xFFFF;
	s2 =	simm.s32 @!p0 $0x1C03  }
0x1dd: {  	[timem:s3], [sflag:s2] =	dma.local @!p0 [hbm:s0], s1  }
0x1de: {  	s0 =	simm.s32 @!p0 $0x3  }
0x1df: {  	_ =	swait.ge @!p0 [sflag:s0], s1  }
0x1e0: {  	s1 =	ssub.s32 @!p0 $0x0, s1;
	[sflag:s0] =	ssyncset.done @!p0 $0x0  }
0x1e1: {  	[sflag:s0] =	ssyncadd.s32 @!p0 s1  }
0x1e2: {  	[bflag:$0x3] =	sbarrier.arrive $0xFFFF  }
0x1e3: {  	_ =	shalt  }

// kernel: seg_sum_cnt.3.cloned.1.call-start
scs
__scs_entry_jumppad:
0x0: {  	(pc) =	sbr.rel $0x88, $3  }
0x1: {  	(tag) =	ssettag $0x0;
	lr =	simm.s32 $0x1  }
0x2: {  	[smem:$0x3F99] =	sst lr;
	_ =	strace $0xD0000000  }
0x3: {  	_ = 	snop  }
0x4: {  	_ = 	snop  }
0x5: {  	_ = 	snop  }
0x6: {  	_ = 	snop  }
0x7: {  	_ = 	snop  }
__scs_overlays_trampoline_lowered:
0x8: {  	[smem:$0x3FA8] =	sst s0  }
0x9: {  	[smem:$0x3FA9] =	sst s1  }
0xa: {  	[smem:$0x3FAA] =	sst s2  }
0xb: {  	[smem:$0x3FAB] =	sst s3  }
0xc: {  	[smem:$0x3FAC] =	sst s4  }
0xd: {  	[smem:$0x3FAD] =	sst s5  }
0xe: {  	[smem:$0x3FAE] =	sst s6  }
0xf: {  	[smem:$0x3FAF] =	sst s7  }
0x10: {  	[smem:$0x3FB0] =	sst s8  }
0x11: {  	[smem:$0x3FB1] =	sst s9;
	s0 =	simm.s32 @!p0 $0x0  }
0x12: {  	s1 =	sld [smem:$0x3F97];
	s0 =	simm.s32 @p0 $0x1  }
0x13: {  	[smem:$0x3FB2] =	sst s0;
	s0 =	simm.s32 @!p1 $0x0  }
0x14: {  	s2 =	sld [smem:$0x3F96];
	s0 =	simm.s32 @p1 $0x1  }
0x15: {  	[smem:$0x3FB3] =	sst s0;
	s0 =	simm.s32 @!p2 $0x0  }
0x16: {  	s3 =	sld [smem:$0x3FDB];
	s0 =	simm.s32 @p2 $0x1  }
0x17: {  	s4 =	simm.s32 $0x1BF5;
	[smem:$0x3FB5] =	sst s0  }
0x18: {  	s0 =	sld [smem:$0x3F98];
	_ =	swait.ge [sflag:s4], $0x0  }
0x19: {  	s7 =	sld [smem:$0x3F99]  }
0x1a: {  	s8 =	sadd.s32 $0xFFFFE003, lr  }
0x1b: {  	s9 =	sadd.s32 $0xFFFFFEF7, lr;
	s5 =	simm.s32 $0xFFFFFFFF;
	p2 =	slt.u32 s8, $0xFFFFF086  }
0x1c: {  	p1 =	slt.u32 s9, $0xF7A;
	s5 =	simm.s32 @!p2 $0x0  }
0x1d: {  	s5 =	simm.s32 @p1 $0x1;
	p0 =	seq.s32 s7, s2  }
0x1e: {  	s7 =	smul.u32 @!p0 $0xF7A, s2;
	p2 =	seq.s32 @!p0 s5, $0x0  }
0x1f: {  	s9 =	smul.u32 $0xF7A, s1;
	s8 =	simm.s32 @!p0 $0x1BF5;
	p2 =	por !p2, p0  }
0x20: {  	[sflag:s8] =	ssyncset.s32 @!p0 $0xFFFFF086;
	s6 =	sadd.s32 @!p0 s3, s7;
	s7 =	simm.s32 @!p0 $0x108  }
0x21: {  	s3 =	sadd.s32 s3, s9;
	s6 =	sadd.s32 @!p0 $0x88, s6;
	s7 =	simm.s32 @p2 $0x1082  }
0x22: {  	[simem:s7], [sflag:s8] =	dma.local @!p0 [hbm:s6], $0xF7A  }
0x23: {  	s9 =	sor.u32 $0xD0000000, s2;
	s6 =	simm.s32 $0x108;
	_ =	swait.ge @!p0 [sflag:s8], $0x0  }
0x24: {  	s3 =	sadd.s32 $0x88, s3;
	s6 =	simm.s32 @!p1 $0x1082;
	[sflag:s4] =	ssyncset.s32 $0xFFFFF086  }
0x25: {  	[simem:s6], [sflag:s4] =	dma.local [hbm:s3], $0xF7A  }
0x26: {  	[smem:$0x3F99] =	sst s1;
	(tag) =	ssettag s2;
	_ =	strace s9  }
0x27: {  	s1 =	sld [smem:$0x3FA9]  }
0x28: {  	s2 =	sld [smem:$0x3FAA]  }
0x29: {  	s4 =	sld [smem:$0x3FAC]  }
0x2a: {  	p0 =	seq.s32 s5, $0x0;
	s5 =	sld [smem:$0x3FAD]  }
0x2b: {  	s6 =	sld [smem:$0x3FAE]  }
0x2c: {  	s7 =	sld [smem:$0x3FAF]  }
0x2d: {  	s3 =	simm.s32 $0x108;
	s8 =	sld [smem:$0x3FB0]  }
0x2e: {  	s3 =	simm.s32 @!p0 $0x1082;
	s9 =	sld [smem:$0x3FB1]  }
0x2f: {  	lr =	sadd.s32 s0, s3;
	s0 =	sld [smem:$0x3FA8]  }
0x30: {  	s3 =	sld [smem:$0x3FAB]  }
0x31: {  	[smem:$0x3FB4] =	sst s10  }
0x32: {  	s10 =	sld [smem:$0x3FB2];
	_ =	sdelay $0x3  }
0x33: {  	p0 =	seq.s32 s10, $0x1;
	s10 =	sld [smem:$0x3FB4];
	_ =	sdelay $0x3  }
0x34: {  	[smem:$0x3FB4] =	sst s10  }
0x35: {  	s10 =	sld [smem:$0x3FB3];
	_ =	sdelay $0x3  }
0x36: {  	p1 =	seq.s32 s10, $0x1;
	s10 =	sld [smem:$0x3FB4];
	_ =	sdelay $0x3  }
0x37: {  	[smem:$0x3FB4] =	sst s10  }
0x38: {  	s10 =	sld [smem:$0x3FB5]  }
0x39: {  	_ = 	snop;
	(pc) =	sbr.ind lr, $3  }
0x3a: {  	_ = 	snop  }
0x3b: {  	_ = 	snop  }
0x3c: {  	p2 =	seq.s32 s10, $0x1;
	s10 =	sld [smem:$0x3FB4]  }
0x3d: {  	_ =	shalt  }
0x3e: {  	_ =	shalt  }
0x3f: {  	_ =	shalt  }
0x40: {  	_ =	shalt  }
0x41: {  	_ =	shalt  }
0x42: {  	_ =	shalt  }
0x43: {  	_ =	shalt  }
0x44: {  	_ =	shalt  }
0x45: {  	_ =	shalt  }
0x46: {  	_ =	shalt  }
0x47: {  	_ =	shalt  }
0x48: {  	_ =	shalt  }
0x49: {  	_ =	shalt  }
0x4a: {  	_ =	shalt  }
0x4b: {  	_ =	shalt  }
0x4c: {  	_ =	shalt  }
0x4d: {  	_ =	shalt  }
0x4e: {  	_ =	shalt  }
0x4f: {  	_ =	shalt  }
0x50: {  	_ =	shalt  }
0x51: {  	_ =	shalt  }
0x52: {  	_ =	shalt  }
0x53: {  	_ =	shalt  }
0x54: {  	_ =	shalt  }
0x55: {  	_ =	shalt  }
0x56: {  	_ =	shalt  }
0x57: {  	_ =	shalt  }
0x58: {  	_ =	shalt  }
0x59: {  	_ =	shalt  }
0x5a: {  	_ =	shalt  }
0x5b: {  	_ =	shalt  }
0x5c: {  	_ =	shalt  }
0x5d: {  	_ =	shalt  }
0x5e: {  	_ =	shalt  }
0x5f: {  	_ =	shalt  }
0x60: {  	_ =	shalt  }
0x61: {  	_ =	shalt  }
0x62: {  	_ =	shalt  }
0x63: {  	_ =	shalt  }
0x64: {  	_ =	shalt  }
0x65: {  	_ =	shalt  }
0x66: {  	_ =	shalt  }
0x67: {  	_ =	shalt  }
0x68: {  	_ =	shalt  }
0x69: {  	_ =	shalt  }
0x6a: {  	_ =	shalt  }
0x6b: {  	_ =	shalt  }
0x6c: {  	_ =	shalt  }
0x6d: {  	_ =	shalt  }
0x6e: {  	_ =	shalt  }
0x6f: {  	_ =	shalt  }
0x70: {  	_ =	shalt  }
0x71: {  	_ =	shalt  }
0x72: {  	_ =	shalt  }
0x73: {  	_ =	shalt  }
0x74: {  	_ =	shalt  }
0x75: {  	_ =	shalt  }
0x76: {  	_ =	shalt  }
0x77: {  	_ =	shalt  }
0x78: {  	_ =	shalt  }
0x79: {  	_ =	shalt  }
0x7a: {  	_ =	shalt  }
0x7b: {  	_ =	shalt  }
0x7c: {  	_ =	shalt  }
0x7d: {  	_ =	shalt  }
0x7e: {  	_ =	shalt  }
0x7f: {  	_ =	shalt  }
0x80: {  	_ =	shalt  }
0x81: {  	_ =	shalt  }
0x82: {  	_ =	shalt  }
0x83: {  	_ =	shalt  }
0x84: {  	_ =	shalt  }
0x85: {  	_ =	shalt  }
0x86: {  	_ =	shalt  }
0x87: {  	_ =	shalt  }
.Lfunc_end0:
.L_simem_size_0:
called_computation_lowered:
.L_overlay_start_0:
0x88: {  	s2 =	sld [smem:$0x3FD9]  }
0x89: {  	s3 =	sld [smem:$0x3FFE];
	_ =	sdelay $0x1  }
0x8a: {  	s1 =	srdreg.scid  }
0x8b: {  	s0 =	sand.u32 $0x1, s1  }
0x8c: {  	s17 =	sshll.u32 s0, $0xA;
	s2 =	sadd.s32 s3, s2  }
0x8d: {  	s2 =	sadd.s32 s2, s17  }
0x8e: {  	[smem:$0x3FC0] =	sst s2  }
0x8f: {  	_ = 	snop  }
0x90: {  	s2 =	sld [smem:$0x3FD0];
	(tm) =	ssettm $0x1  }
0x91: {  	s18 =	sld [smem:$0x3FFB];
	_ =	sdelay $0x3  }
0x92: {  	_ =	strace s18  }
0x93: {  	s3 =	sld [smem:$0x3FFC];
	_ =	sdelay $0x3  }
0x94: {  	_ =	strace s3  }
0x95: {  	s3 =	sld [smem:$0x3FFD];
	_ =	sdelay $0x3  }
0x96: {  	_ =	strace s3  }
0x97: {  	_ =	strace $0x8FFFFFFF  }
0x98: {  	s19 =	sld [smem:$0x3FDB];
	_ =	sdelay $0x1  }
0x99: {  	s4 =	simm.s32 $_scs_section_size  }
0x9a: {  	s5 =	simm.s32 $_size__tile_overlayer_lowered;
	s6 =	simm.s32 $_tile_overlayer_lowered  }
0x9b: {  	s22 =	simm.s32 $0x1BFF;
	s21 =	sshll.u32 s6, $0x1;
	s3 =	sadd.s32 s4, s19  }
0x9c: {  	s7 =	simm.s32 $0x0;
	s20 =	sshll.u32 s5, $0x1;
	s5 =	sadd.s32 s21, s3  }
0x9d: {  	[timem:s7], [sflag:s22] =	dma.local [hbm:s5], s20  }
0x9e: {  	_ =	swait.ge [sflag:s22], s20  }
0x9f: {  	s4 =	ssub.s32 $0x0, s20;
	[sflag:s22] =	ssyncset.done $0x0  }
0xa0: {  	[sflag:s22] =	ssyncadd.s32 s4;
	_ =	sdelay $0x1  }
0xa1: {  	s23 =	simm.s32 $0x1B8B  }
0xa2: {  	_ =	swait.ge [sflag:s23], $0x1  }
0xa3: {  	[sflag:s23] =	ssyncset.done $0x0  }
0xa4: {  	s25 =	simm.s32 $0x1B8E;
	s24 =	sld [smem:$0x3FFE];
	[sflag:s23] =	ssyncadd.s32 $0xFFFFFFFF  }
0xa5: {  	s26 =	simm.s32 $execute0_lowered;
	[smem:$0x3FD2] =	sst s25  }
0xa6: {  	s5 =	sshll.u32 s26, $0x1;
	_ =	strace $0x80000046;
	[dreg:$0x1] =	wrdreg $0xFFFFFFFF  }
0xa7: {  	s28 =	simm.s32 $_size_execute0_lowered;
	s3 =	sadd.s32 s3, s5;
	[dreg:$0x0] =	wrdreg $0x0  }
0xa8: {  	s5 =	sshll.u32 s28, $0x1;
	[dreg:$0x2] =	wrdreg s3  }
0xa9: {  	[dreg:$0x3] =	wrdreg s5  }
0xaa: {  	[dreg:$0x4] =	wrdreg $0xC0  }
0xab: {  	_ =	task [dreg:s7], $0x5FFFF  }
0xac: {  	[dreg:$0x1] =	wrdreg $0xFFFFFFFF  }
0xad: {  	[dreg:$0x0] =	wrdreg $0x60  }
0xae: {  	[dreg:$0x2] =	wrdreg s24  }
0xaf: {  	[dreg:$0x3] =	wrdreg s2  }
0xb0: {  	[dreg:$0x4] =	wrdreg $0x119400  }
0xb1: {  	[dreg:$0x5] =	wrdreg $0x1BE400  }
0xb2: {  	[dreg:$0x6] =	wrdreg $0x9  }
0xb3: {  	_ =	task.clear_ibuf [dreg:s7], $0x7FFFF;
	_ =	strace $0x90000046  }
0xb4: {  	s29 =	simm.s32 $0x9;
	_ =	strace $0x80000048  }
0xb5: {  	_ =	swait.ge [sflag:s29], $0x1  }
0xb6: {  	[sflag:s29] =	ssyncadd.s32 $0xFFFFFFFF  }
0xb7: {  	_ =	strace $0x90000048  }
0xb8: {  	_ =	sfence  }
0xb9: {  	s30 =	sld [smem:$0x0];
	_ =	sdelay $0x2  }
0xba: {  	s31 =	sshll.u32 s1, $0xD;
	s1 =	sshrl.u32 s1, $0x2  }
0xbb: {  	s3 =	sand.u32 $0x4000, s31;
	s1 =	sadd.s32 s1, s30  }
0xbc: {  	s0 =	sor.u32 s3, s0;
	s1 =	sshll.u32 s1, $0x11  }
0xbd: {  	s0 =	sor.u32 s1, s0  }
0xbe: {  	s0 =	sadd.s32 $0x8F2B, s0  }
0xbf: {  	[sflag:s0] =	ssyncadd.remote.s32 $0x1  }
0xc0: {  	_ =	sfence.sel $0xFFFF  }
0xc1: {  	[dreg:$0x0] =	wrdreg $0xFFFFFFFF;
	(pc) =	sbr.abs _section_cstart, $3  }
0xc2: {  	[dreg:$0x1] =	wrdreg $0xFFFFFFFF  }
0xc3: {  	_ =	task.clear_ibuf [dreg:s7], $0x2FFFF;
	_ =	strace $0x9FFFFFFF  }
0xc4: {  	(tm) =	ssettm $0x7FFFFFFF  }
0xc5: {  	_ =	shalt  }
tec
execute0_lowered:
.L_overlay_start_1:
0x0: {  	(tag) =	ssettag $0x1  }
0x1: {  	s0 =	rddreg [dreg:$0x0]  }
0x2: {  	s11 =	rddreg [dreg:$0x1]  }
0x3: {  	s2 =	rddreg [dreg:$0x2];
	s1 =	stileid.u32  }
0x4: {  	s3 =	rddreg [dreg:$0x3];
	s4 =	simm.s32 $0x0;
	s30 =	smul.u32 $0x2800, s1  }
0x5: {  	[smem:$0x7FF] =	sst s4;
	s6 =	sadd.s32 $0xC400, s0;
	s24 =	sshll.u32 s1, $0x6  }
0x6: {  	_ =	strace $0x80000047;
	[dreg:$0x5] =	wrdreg s6;
	s5 =	sshrl.u32 s30, $0x3  }
0x7: {  	s6 =	sor.u32 $0x1C03, s24;
	s7 =	sadd.s32 s30, s2;
	s5 =	sadd.s32 s5, s0  }
0x8: {  	s8 =	sshrl.u32 s7, $0x3;
	s7 =	simm.s32 $0x3;
	s5 =	sadd.s32 $0xD400, s5  }
0x9: {  	[spmem:s8], [sflag:s6] =	dma.local [hbm:s5], $0x500  }
0xa: {  	_ =	swait.ge [sflag:s7], $0x500  }
0xb: {  	s9 =	sadd.s32 s30, s3;
	[sflag:s7] =	ssyncset.done $0x0  }
0xc: {  	s10 =	srdreg.scid;
	s9 =	sshrl.u32 s9, $0x3;
	[sflag:s7] =	ssyncadd.s32 $0xFFFFFB00  }
0xd: {  	[spmem:s9], [sflag:s6] =	dma.local [hbm:s5], $0x500  }
0xe: {  	s31 =	sand.u32 $0x1, s10;
	_ =	swait.ge [sflag:s7], $0x500  }
0xf: {  	s25 =	sshll.u32 s1, $0x1;
	s10 =	simm.s32 $0x14140;
	[sflag:s7] =	ssyncset.done $0x0  }
0x10: {  	s13 =	sor.u32 s31, s25;
	s12 =	rddreg [dreg:$0x5];
	[sflag:s7] =	ssyncadd.s32 $0xFFFFFB00  }
0x11: {  	[tilespmem:s10], [sflag:$0x3] =	stream.linear.gather [hbm4b:s12+s4], $0x7D00, $0x38;
	[tilespmem:$0x1E640] =	vst v63  }
0x12: {  	s26 =	smul.u32 $0x2710, s13;
	_ =	swait.ge [sflag:s7], $0x7D00  }
0x13: {  	[sflag:s7] =	ssyncset.done $0x0  }
0x14: {  	s12 =	sshrl.u32 s26, $0x3;
	[sflag:s7] =	ssyncadd.s32 $0xFFFF8300  }
0x15: {  	s11 =	sadd.s32 s11, s12;
	[bflag:$0x0] =	sbarrier.arrive $0xFFFF  }
0x16: {  	[tilespmem:s4], [sflag:$0x3] =	stream.linear.gather [hbm4b:s11+s4], $0x7D0, $0x38;
	[tilespmem:$0x1E640] =	vst v63  }
0x17: {  	_ =	swait.ge [sflag:s7], $0x7D0  }
0x18: {  	[sflag:s7] =	ssyncset.done $0x0  }
0x19: {  	s13 =	simm.s32 $0xFA0;
	s12 =	sadd.s32 $0x9C40, s11;
	[sflag:s7] =	ssyncadd.s32 $0xFFFFF830  }
0x1a: {  	[tilespmem:s13], [sflag:$0x3] =	stream.linear.gather [hbm4b:s12+s4], $0x7D0, $0x38;
	[tilespmem:$0x1E640] =	vst v63  }
0x1b: {  	_ =	swait.ge [sflag:s7], $0x7D0  }
0x1c: {  	s15 =	simm.s32 $0x7D0;
	[sflag:s7] =	ssyncset.done $0x0  }
0x1d: {  	s16 =	simm.s32 $0x1F40;
	s14 =	sadd.s32 $0x2400, s0;
	[sflag:s7] =	ssyncadd.s32 $0xFFFFF830  }
0x1e: {  	[tilespmem:s16], [sflag:$0x1] =	stream.indirect.gather [hbm4b:s14+s15], $0x10, s4, s15, $0xb8;
	[tilespmem:$0x1E640] =	vst v63  }
0x1f: {  	s17 =	sadd.s32 $0xFA, s11  }
0x20: {  	[tilespmem:s15], [sflag:$0x3] =	stream.linear.gather [hbm4b:s17+s4], $0x7D0, $0x38;
	[tilespmem:$0x1E640] =	vst v63  }
0x21: {  	_ =	swait.ge [sflag:s7], $0x7D0  }
0x22: {  	[sflag:s7] =	ssyncset.done $0x0  }
0x23: {  	s19 =	simm.s32 $0x1770;
	s18 =	sadd.s32 $0x9D3A, s11;
	[sflag:s7] =	ssyncadd.s32 $0xFFFFF830  }
0x24: {  	[tilespmem:s19], [sflag:$0x3] =	stream.linear.gather [hbm4b:s18+s4], $0x7D0, $0x38;
	[tilespmem:$0x1E640] =	vst v63  }
0x25: {  	_ =	swait.ge [sflag:s7], $0x7D0  }
0x26: {  	[sflag:s7] =	ssyncset.done $0x0  }
0x27: {  	s20 =	simm.s32 $0x9C40;
	s21 =	simm.s32 $0x1;
	[sflag:s7] =	ssyncadd.s32 $0xFFFFF830  }
0x28: {  	[tilespmem:s20], [sflag:$0x2] =	stream.indirect.gather [hbm4b:s14+s15], $0x10, s15, s15, $0xb8;
	[tilespmem:$0x1E640] =	vst v63  }
0x29: {  	_ =	swait.ge [sflag:s21], $0x7D00  }
0x2a: {  	[sflag:s21] =	ssyncset.done $0x0  }
0x2b: {  	[sflag:s21] =	ssyncadd.s32 $0xFFFF8300  }
0x2c: {  	[spmem:s2] =	stream.indirect.scatter.add.f32 [tilespmem:s16], [sflag:$0x3], $0x10, s13, s15, $0xb8;
	[tilespmem:$0x1E640] =	vst v63  }
0x2d: {  	_ =	swait.ge [sflag:s7], $0x7D00  }
0x2e: {  	[sflag:s7] =	ssyncset.done $0x0  }
0x2f: {  	[sflag:s7] =	ssyncadd.s32 $0xFFFF8300  }
0x30: {  	[spmem:s3] =	stream.indirect.scatter.add.f32 [tilespmem:s10], [sflag:$0x3], $0x10, s13, s15, $0xb8;
	[tilespmem:$0x1E640] =	vst v63  }
0x31: {  	_ =	swait.ge [sflag:s7], $0x7D00  }
0x32: {  	[sflag:s7] =	ssyncset.done $0x0  }
0x33: {  	s22 =	sadd.s32 $0x1F4, s11;
	[sflag:s7] =	ssyncadd.s32 $0xFFFF8300  }
0x34: {  	[tilespmem:s4], [sflag:$0x3] =	stream.linear.gather [hbm4b:s22+s4], $0x7D0, $0x38;
	[tilespmem:$0x1E640] =	vst v63  }
0x35: {  	_ =	swait.ge [sflag:s7], $0x7D0  }
0x36: {  	[sflag:s7] =	ssyncset.done $0x0  }
0x37: {  	s23 =	sadd.s32 $0x9E34, s11;
	[sflag:s7] =	ssyncadd.s32 $0xFFFFF830  }
0x38: {  	[tilespmem:s13], [sflag:$0x3] =	stream.linear.gather [hbm4b:s23+s4], $0x7D0, $0x38;
	[tilespmem:$0x1E640] =	vst v63  }
0x39: {  	_ =	swait.ge [sflag:s7], $0x7D0  }
0x3a: {  	[sflag:s7] =	ssyncset.done $0x0  }
0x3b: {  	s24 =	simm.s32 $0x2;
	[sflag:s7] =	ssyncadd.s32 $0xFFFFF830  }
0x3c: {  	[tilespmem:s16], [sflag:$0x1] =	stream.indirect.gather [hbm4b:s14+s15], $0x10, s4, s15, $0xb8;
	[tilespmem:$0x1E640] =	vst v63  }
0x3d: {  	_ =	swait.ge [sflag:s24], $0x7D00  }
0x3e: {  	[sflag:s24] =	ssyncset.done $0x0  }
0x3f: {  	[sflag:s24] =	ssyncadd.s32 $0xFFFF8300  }
0x40: {  	[spmem:s2] =	stream.indirect.scatter.add.f32 [tilespmem:s20], [sflag:$0x3], $0x10, s19, s15, $0xb8;
	[tilespmem:$0x1E640] =	vst v63  }
0x41: {  	_ =	swait.ge [sflag:s7], $0x7D00  }
0x42: {  	[sflag:s7] =	ssyncset.done $0x0  }
0x43: {  	[sflag:s7] =	ssyncadd.s32 $0xFFFF8300  }
0x44: {  	[spmem:s3] =	stream.indirect.scatter.add.f32 [tilespmem:s10], [sflag:$0x3], $0x10, s19, s15, $0xb8;
	[tilespmem:$0x1E640] =	vst v63  }
0x45: {  	_ =	swait.ge [sflag:s7], $0x7D00  }
0x46: {  	[sflag:s7] =	ssyncset.done $0x0  }
0x47: {  	s25 =	sadd.s32 $0x2EE, s11;
	[sflag:s7] =	ssyncadd.s32 $0xFFFF8300  }
0x48: {  	[tilespmem:s15], [sflag:$0x3] =	stream.linear.gather [hbm4b:s25+s4], $0x7D0, $0x38;
	[tilespmem:$0x1E640] =	vst v63  }
0x49: {  	_ =	swait.ge [sflag:s7], $0x7D0  }
0x4a: {  	[sflag:s7] =	ssyncset.done $0x0  }
0x4b: {  	s26 =	sadd.s32 $0x9F2E, s11;
	[sflag:s7] =	ssyncadd.s32 $0xFFFFF830  }
0x4c: {  	[tilespmem:s19], [sflag:$0x3] =	stream.linear.gather [hbm4b:s26+s4], $0x7D0, $0x38;
	[tilespmem:$0x1E640] =	vst v63  }
0x4d: {  	_ =	swait.ge [sflag:s7], $0x7D0  }
0x4e: {  	[sflag:s7] =	ssyncset.done $0x0  }
0x4f: {  	[sflag:s7] =	ssyncadd.s32 $0xFFFFF830  }
0x50: {  	[tilespmem:s20], [sflag:$0x2] =	stream.indirect.gather [hbm4b:s14+s15], $0x10, s15, s15, $0xb8;
	[tilespmem:$0x1E640] =	vst v63  }
0x51: {  	_ =	swait.ge [sflag:s21], $0x7D00  }
0x52: {  	[sflag:s21] =	ssyncset.done $0x0  }
0x53: {  	[sflag:s21] =	ssyncadd.s32 $0xFFFF8300  }
0x54: {  	[spmem:s2] =	stream.indirect.scatter.add.f32 [tilespmem:s16], [sflag:$0x3], $0x10, s13, s15, $0xb8;
	[tilespmem:$0x1E640] =	vst v63  }
0x55: {  	_ =	swait.ge [sflag:s7], $0x7D00  }
0x56: {  	[sflag:s7] =	ssyncset.done $0x0  }
0x57: {  	[sflag:s7] =	ssyncadd.s32 $0xFFFF8300  }
0x58: {  	[spmem:s3] =	stream.indirect.scatter.add.f32 [tilespmem:s10], [sflag:$0x3], $0x10, s13, s15, $0xb8;
	[tilespmem:$0x1E640] =	vst v63  }
0x59: {  	_ =	swait.ge [sflag:s7], $0x7D00  }
0x5a: {  	[sflag:s7] =	ssyncset.done $0x0  }
0x5b: {  	s28 =	sadd.s32 $0x3E8, s11;
	[sflag:s7] =	ssyncadd.s32 $0xFFFF8300  }
0x5c: {  	[tilespmem:s4], [sflag:$0x3] =	stream.linear.gather [hbm4b:s28+s4], $0x7D0, $0x38;
	[tilespmem:$0x1E640] =	vst v63  }
0x5d: {  	_ =	swait.ge [sflag:s7], $0x7D0  }
0x5e: {  	[sflag:s7] =	ssyncset.done $0x0  }
0x5f: {  	s29 =	sadd.s32 $0xA028, s11;
	[sflag:s7] =	ssyncadd.s32 $0xFFFFF830  }
0x60: {  	[tilespmem:s13], [sflag:$0x3] =	stream.linear.gather [hbm4b:s29+s4], $0x7D0, $0x38;
	[tilespmem:$0x1E640] =	vst v63  }
0x61: {  	_ =	swait.ge [sflag:s7], $0x7D0  }
0x62: {  	[sflag:s7] =	ssyncset.done $0x0  }
0x63: {  	[sflag:s7] =	ssyncadd.s32 $0xFFFFF830  }
0x64: {  	[tilespmem:s16], [sflag:$0x1] =	stream.indirect.gather [hbm4b:s14+s15], $0x10, s4, s15, $0xb8;
	[tilespmem:$0x1E640] =	vst v63  }
0x65: {  	_ =	swait.ge [sflag:s24], $0x7D00  }
0x66: {  	[sflag:s24] =	ssyncset.done $0x0  }
0x67: {  	[sflag:s24] =	ssyncadd.s32 $0xFFFF8300  }
0x68: {  	[spmem:s2] =	stream.indirect.scatter.add.f32 [tilespmem:s20], [sflag:$0x3], $0x10, s19, s15, $0xb8;
	[tilespmem:$0x1E640] =	vst v63  }
0x69: {  	_ =	swait.ge [sflag:s7], $0x7D00  }
0x6a: {  	[sflag:s7] =	ssyncset.done $0x0  }
0x6b: {  	[sflag:s7] =	ssyncadd.s32 $0xFFFF8300  }
0x6c: {  	[spmem:s3] =	stream.indirect.scatter.add.f32 [tilespmem:s10], [sflag:$0x3], $0x10, s19, s15, $0xb8;
	[tilespmem:$0x1E640] =	vst v63  }
0x6d: {  	_ =	swait.ge [sflag:s7], $0x7D00  }
0x6e: {  	[sflag:s7] =	ssyncset.done $0x0  }
0x6f: {  	[sflag:s7] =	ssyncadd.s32 $0xFFFF8300  }
0x70: {  	_ =	swait.ge [sflag:s21], $0x7D00  }
0x71: {  	[sflag:s21] =	ssyncset.done $0x0  }
0x72: {  	s1 =	smul.u32 $0x28000, s31;
	[sflag:s21] =	ssyncadd.s32 $0xFFFF8300  }
0x73: {  	[spmem:s2] =	stream.indirect.scatter.add.f32 [tilespmem:s16], [sflag:$0x3], $0x10, s13, s15, $0xb8;
	[tilespmem:$0x1E640] =	vst v63  }
0x74: {  	_ =	swait.ge [sflag:s7], $0x7D00  }
0x75: {  	s1 =	sadd.s32 s30, s1;
	[sflag:s7] =	ssyncset.done $0x0  }
0x76: {  	s1 =	sshrl.u32 s1, $0x3;
	[sflag:s7] =	ssyncadd.s32 $0xFFFF8300  }
0x77: {  	[spmem:s3] =	stream.indirect.scatter.add.f32 [tilespmem:s10], [sflag:$0x3], $0x10, s13, s15, $0xb8;
	[tilespmem:$0x1E640] =	vst v63  }
0x78: {  	s0 =	sadd.s32 s1, s0;
	s1 =	ssub.s32 $0x2, s31;
	_ =	swait.ge [sflag:s7], $0x7D00  }
0x79: {  	s31 =	sshrl.u32 s1, $0x1;
	[sflag:s7] =	ssyncset.done $0x0  }
0x7a: {  	s1 =	ssub.s32 s1, s31;
	[sflag:s7] =	ssyncadd.s32 $0xFFFF8300  }
0x7b: {  	s30 =	sadd.s32 $0x12400, s0;
	s1 =	smax.u32 s1, $0x1;
	[bflag:$0x0] =	sbarrier.arrive $0xFFFF  }
0x7c: {  	[hbm:s30], [sflag:s6] =	dma.local [spmem:s8], $0x500  }
0x7d: {  	p0 =	sne.s32 s1, $0x1;
	_ =	swait.ge [sflag:s7], $0x500  }
.Ltmp0:
0x7e: {  	[sflag:s7] =	ssyncset.done $0x0;
	(pc) =	sbr.rel @!p0 .LBB2_2-.Ltmp0, $4  }
0x7f: {  	s31 =	sadd.s32 $0x1C400, s0;
	[sflag:s7] =	ssyncadd.s32 $0xFFFFFB00  }
0x80: {  	[hbm:s31], [sflag:s6] =	dma.local [spmem:s9], $0x500  }
0x81: {  	_ =	swait.ge [sflag:s7], $0x500  }
0x82: {  	s0 =	sadd.s32 $0xFFFFFFFF, s1;
	[sflag:s7] =	ssyncset.done $0x0  }
.LBB2_1:
0x83: {  	[sflag:s7] =	ssyncadd.s32 $0xFFFFFB00  }
0x84: {  	[spmem:s8], [sflag:s6] =	dma.local [hbm:s5], $0x500  }
0x85: {  	_ =	swait.ge [sflag:s7], $0x500  }
0x86: {  	[sflag:s7] =	ssyncset.done $0x0  }
0x87: {  	[sflag:s7] =	ssyncadd.s32 $0xFFFFFB00  }
0x88: {  	[spmem:s9], [sflag:s6] =	dma.local [hbm:s5], $0x500  }
0x89: {  	_ =	swait.ge [sflag:s7], $0x500  }
0x8a: {  	[sflag:s7] =	ssyncset.done $0x0  }
0x8b: {  	s1 =	rddreg [dreg:$0x5];
	[sflag:s7] =	ssyncadd.s32 $0xFFFFFB00  }
0x8c: {  	[tilespmem:s10], [sflag:$0x3] =	stream.linear.gather [hbm4b:s1+s4], $0x7D00, $0x38;
	[tilespmem:$0x1E640] =	vst v63  }
0x8d: {  	_ =	swait.ge [sflag:s7], $0x7D00  }
0x8e: {  	[sflag:s7] =	ssyncset.done $0x0  }
0x8f: {  	[sflag:s7] =	ssyncadd.s32 $0xFFFF8300  }
0x90: {  	[bflag:$0x0] =	sbarrier.arrive $0xFFFF  }
0x91: {  	[tilespmem:s4], [sflag:$0x3] =	stream.linear.gather [hbm4b:s11+s4], $0x7D0, $0x38;
	[tilespmem:$0x1E640] =	vst v63  }
0x92: {  	_ =	swait.ge [sflag:s7], $0x7D0  }
0x93: {  	[sflag:s7] =	ssyncset.done $0x0  }
0x94: {  	[sflag:s7] =	ssyncadd.s32 $0xFFFFF830  }
0x95: {  	[tilespmem:s13], [sflag:$0x3] =	stream.linear.gather [hbm4b:s12+s4], $0x7D0, $0x38;
	[tilespmem:$0x1E640] =	vst v63  }
0x96: {  	_ =	swait.ge [sflag:s7], $0x7D0  }
0x97: {  	[sflag:s7] =	ssyncset.done $0x0  }
0x98: {  	[sflag:s7] =	ssyncadd.s32 $0xFFFFF830  }
0x99: {  	[tilespmem:s16], [sflag:$0x1] =	stream.indirect.gather [hbm4b:s14+s15], $0x10, s4, s15, $0xb8;
	[tilespmem:$0x1E640] =	vst v63  }
0x9a: {  	_ = 	snop  }
0x9b: {  	[tilespmem:s15], [sflag:$0x3] =	stream.linear.gather [hbm4b:s17+s4], $0x7D0, $0x38;
	[tilespmem:$0x1E640] =	vst v63  }
0x9c: {  	_ =	swait.ge [sflag:s7], $0x7D0  }
0x9d: {  	[sflag:s7] =	ssyncset.done $0x0  }
0x9e: {  	[sflag:s7] =	ssyncadd.s32 $0xFFFFF830  }
0x9f: {  	[tilespmem:s19], [sflag:$0x3] =	stream.linear.gather [hbm4b:s18+s4], $0x7D0, $0x38;
	[tilespmem:$0x1E640] =	vst v63  }
0xa0: {  	_ =	swait.ge [sflag:s7], $0x7D0  }
0xa1: {  	[sflag:s7] =	ssyncset.done $0x0  }
0xa2: {  	[sflag:s7] =	ssyncadd.s32 $0xFFFFF830  }
0xa3: {  	[tilespmem:s20], [sflag:$0x2] =	stream.indirect.gather [hbm4b:s14+s15], $0x10, s15, s15, $0xb8;
	[tilespmem:$0x1E640] =	vst v63  }
0xa4: {  	_ =	swait.ge [sflag:s21], $0x7D00  }
0xa5: {  	[sflag:s21] =	ssyncset.done $0x0  }
0xa6: {  	[sflag:s21] =	ssyncadd.s32 $0xFFFF8300  }
0xa7: {  	[spmem:s2] =	stream.indirect.scatter.add.f32 [tilespmem:s16], [sflag:$0x3], $0x10, s13, s15, $0xb8;
	[tilespmem:$0x1E640] =	vst v63  }
0xa8: {  	_ =	swait.ge [sflag:s7], $0x7D00  }
0xa9: {  	[sflag:s7] =	ssyncset.done $0x0  }
0xaa: {  	[sflag:s7] =	ssyncadd.s32 $0xFFFF8300  }
0xab: {  	[spmem:s3] =	stream.indirect.scatter.add.f32 [tilespmem:s10], [sflag:$0x3], $0x10, s13, s15, $0xb8;
	[tilespmem:$0x1E640] =	vst v63  }
0xac: {  	_ =	swait.ge [sflag:s7], $0x7D00  }
0xad: {  	[sflag:s7] =	ssyncset.done $0x0  }
0xae: {  	[sflag:s7] =	ssyncadd.s32 $0xFFFF8300  }
0xaf: {  	[tilespmem:s4], [sflag:$0x3] =	stream.linear.gather [hbm4b:s22+s4], $0x7D0, $0x38;
	[tilespmem:$0x1E640] =	vst v63  }
0xb0: {  	_ =	swait.ge [sflag:s7], $0x7D0  }
0xb1: {  	[sflag:s7] =	ssyncset.done $0x0  }
0xb2: {  	[sflag:s7] =	ssyncadd.s32 $0xFFFFF830  }
0xb3: {  	[tilespmem:s13], [sflag:$0x3] =	stream.linear.gather [hbm4b:s23+s4], $0x7D0, $0x38;
	[tilespmem:$0x1E640] =	vst v63  }
0xb4: {  	_ =	swait.ge [sflag:s7], $0x7D0  }
0xb5: {  	[sflag:s7] =	ssyncset.done $0x0  }
0xb6: {  	[sflag:s7] =	ssyncadd.s32 $0xFFFFF830  }
0xb7: {  	[tilespmem:s16], [sflag:$0x1] =	stream.indirect.gather [hbm4b:s14+s15], $0x10, s4, s15, $0xb8;
	[tilespmem:$0x1E640] =	vst v63  }
0xb8: {  	_ =	swait.ge [sflag:s24], $0x7D00  }
0xb9: {  	[sflag:s24] =	ssyncset.done $0x0  }
0xba: {  	[sflag:s24] =	ssyncadd.s32 $0xFFFF8300  }
0xbb: {  	[spmem:s2] =	stream.indirect.scatter.add.f32 [tilespmem:s20], [sflag:$0x3], $0x10, s19, s15, $0xb8;
	[tilespmem:$0x1E640] =	vst v63  }
0xbc: {  	_ =	swait.ge [sflag:s7], $0x7D00  }
0xbd: {  	[sflag:s7] =	ssyncset.done $0x0  }
0xbe: {  	[sflag:s7] =	ssyncadd.s32 $0xFFFF8300  }
0xbf: {  	[spmem:s3] =	stream.indirect.scatter.add.f32 [tilespmem:s10], [sflag:$0x3], $0x10, s19, s15, $0xb8;
	[tilespmem:$0x1E640] =	vst v63  }
0xc0: {  	_ =	swait.ge [sflag:s7], $0x7D00  }
0xc1: {  	[sflag:s7] =	ssyncset.done $0x0  }
0xc2: {  	[sflag:s7] =	ssyncadd.s32 $0xFFFF8300  }
0xc3: {  	[tilespmem:s15], [sflag:$0x3] =	stream.linear.gather [hbm4b:s25+s4], $0x7D0, $0x38;
	[tilespmem:$0x1E640] =	vst v63  }
0xc4: {  	_ =	swait.ge [sflag:s7], $0x7D0  }
0xc5: {  	[sflag:s7] =	ssyncset.done $0x0  }
0xc6: {  	[sflag:s7] =	ssyncadd.s32 $0xFFFFF830  }
0xc7: {  	[tilespmem:s19], [sflag:$0x3] =	stream.linear.gather [hbm4b:s26+s4], $0x7D0, $0x38;
	[tilespmem:$0x1E640] =	vst v63  }
0xc8: {  	_ =	swait.ge [sflag:s7], $0x7D0  }
0xc9: {  	[sflag:s7] =	ssyncset.done $0x0  }
0xca: {  	[sflag:s7] =	ssyncadd.s32 $0xFFFFF830  }
0xcb: {  	[tilespmem:s20], [sflag:$0x2] =	stream.indirect.gather [hbm4b:s14+s15], $0x10, s15, s15, $0xb8;
	[tilespmem:$0x1E640] =	vst v63  }
0xcc: {  	_ =	swait.ge [sflag:s21], $0x7D00  }
0xcd: {  	[sflag:s21] =	ssyncset.done $0x0  }
0xce: {  	[sflag:s21] =	ssyncadd.s32 $0xFFFF8300  }
0xcf: {  	[spmem:s2] =	stream.indirect.scatter.add.f32 [tilespmem:s16], [sflag:$0x3], $0x10, s13, s15, $0xb8;
	[tilespmem:$0x1E640] =	vst v63  }
0xd0: {  	_ =	swait.ge [sflag:s7], $0x7D00  }
0xd1: {  	[sflag:s7] =	ssyncset.done $0x0  }
0xd2: {  	[sflag:s7] =	ssyncadd.s32 $0xFFFF8300  }
0xd3: {  	[spmem:s3] =	stream.indirect.scatter.add.f32 [tilespmem:s10], [sflag:$0x3], $0x10, s13, s15, $0xb8;
	[tilespmem:$0x1E640] =	vst v63  }
0xd4: {  	_ =	swait.ge [sflag:s7], $0x7D00  }
0xd5: {  	[sflag:s7] =	ssyncset.done $0x0  }
0xd6: {  	[sflag:s7] =	ssyncadd.s32 $0xFFFF8300  }
0xd7: {  	[tilespmem:s4], [sflag:$0x3] =	stream.linear.gather [hbm4b:s28+s4], $0x7D0, $0x38;
	[tilespmem:$0x1E640] =	vst v63  }
0xd8: {  	_ =	swait.ge [sflag:s7], $0x7D0  }
0xd9: {  	[sflag:s7] =	ssyncset.done $0x0  }
0xda: {  	[sflag:s7] =	ssyncadd.s32 $0xFFFFF830  }
0xdb: {  	[tilespmem:s13], [sflag:$0x3] =	stream.linear.gather [hbm4b:s29+s4], $0x7D0, $0x38;
	[tilespmem:$0x1E640] =	vst v63  }
0xdc: {  	_ =	swait.ge [sflag:s7], $0x7D0  }
0xdd: {  	[sflag:s7] =	ssyncset.done $0x0  }
0xde: {  	[sflag:s7] =	ssyncadd.s32 $0xFFFFF830  }
0xdf: {  	[tilespmem:s16], [sflag:$0x1] =	stream.indirect.gather [hbm4b:s14+s15], $0x10, s4, s15, $0xb8;
	[tilespmem:$0x1E640] =	vst v63  }
0xe0: {  	_ =	swait.ge [sflag:s24], $0x7D00  }
0xe1: {  	[sflag:s24] =	ssyncset.done $0x0  }
0xe2: {  	[sflag:s24] =	ssyncadd.s32 $0xFFFF8300  }
0xe3: {  	[spmem:s2] =	stream.indirect.scatter.add.f32 [tilespmem:s20], [sflag:$0x3], $0x10, s19, s15, $0xb8;
	[tilespmem:$0x1E640] =	vst v63  }
0xe4: {  	_ =	swait.ge [sflag:s7], $0x7D00  }
0xe5: {  	[sflag:s7] =	ssyncset.done $0x0  }
0xe6: {  	[sflag:s7] =	ssyncadd.s32 $0xFFFF8300  }
0xe7: {  	[spmem:s3] =	stream.indirect.scatter.add.f32 [tilespmem:s10], [sflag:$0x3], $0x10, s19, s15, $0xb8;
	[tilespmem:$0x1E640] =	vst v63  }
0xe8: {  	_ =	swait.ge [sflag:s7], $0x7D00  }
0xe9: {  	[sflag:s7] =	ssyncset.done $0x0  }
0xea: {  	[sflag:s7] =	ssyncadd.s32 $0xFFFF8300  }
0xeb: {  	_ =	swait.ge [sflag:s21], $0x7D00  }
0xec: {  	[sflag:s21] =	ssyncset.done $0x0  }
0xed: {  	[sflag:s21] =	ssyncadd.s32 $0xFFFF8300  }
0xee: {  	[spmem:s2] =	stream.indirect.scatter.add.f32 [tilespmem:s16], [sflag:$0x3], $0x10, s13, s15, $0xb8;
	[tilespmem:$0x1E640] =	vst v63  }
0xef: {  	_ =	swait.ge [sflag:s7], $0x7D00  }
0xf0: {  	[sflag:s7] =	ssyncset.done $0x0  }
0xf1: {  	[sflag:s7] =	ssyncadd.s32 $0xFFFF8300  }
0xf2: {  	[spmem:s3] =	stream.indirect.scatter.add.f32 [tilespmem:s10], [sflag:$0x3], $0x10, s13, s15, $0xb8;
	[tilespmem:$0x1E640] =	vst v63  }
0xf3: {  	_ =	swait.ge [sflag:s7], $0x7D00  }
0xf4: {  	[sflag:s7] =	ssyncset.done $0x0  }
0xf5: {  	[sflag:s7] =	ssyncadd.s32 $0xFFFF8300  }
0xf6: {  	[bflag:$0x0] =	sbarrier.arrive $0xFFFF  }
0xf7: {  	[hbm:s30], [sflag:s6] =	dma.local [spmem:s8], $0x500  }
0xf8: {  	p0 =	sne.s32 s0, $0x1;
	_ =	swait.ge [sflag:s7], $0x500  }
.Ltmp1:
0xf9: {  	[sflag:s7] =	ssyncset.done $0x0;
	(pc) =	sbr.rel @p0 .LBB2_1-.Ltmp1, $4  }
0xfa: {  	[sflag:s7] =	ssyncadd.s32 $0xFFFFFB00  }
0xfb: {  	[hbm:s31], [sflag:s6] =	dma.local [spmem:s9], $0x500  }
0xfc: {  	_ =	swait.ge [sflag:s7], $0x500  }
0xfd: {  	s0 =	sadd.s32 $0xFFFFFFFF, s0;
	[sflag:s7] =	ssyncset.done $0x0  }
.LBB2_2:
0xfe: {  	[sflag:s7] =	ssyncadd.s32 $0xFFFFFB00  }
0xff: {  	_ =	sfence.sel $0x180000  }
0x100: {  	[bflag:$0x0] =	sbarrier.arrive $0xFFFF  }
0x101: {  	_ =	strace $0x90000047  }
0x102: {  	s0 =	stileid.u32;
	[bflag:$0x2] =	sbarrier.arrive $0xFFFF  }
0x103: {  	p0 =	sne.s32 s0, $0x0;
	s0 =	rddreg [dreg:$0x4]  }
0x104: {  	s0 =	sadd.s32 @!p0 $0x100000, s0  }
0x105: {  	[sflag:s0] =	ssyncadd.tile.s32 @!p0 $0x1;
	_ =	shalt  }
.Lfunc_end2:
_tile_overlayer_lowered:
.L_overlay_start_2:
0x106: {  	(tag) =	ssettag $0x2  }
0x107: {  	s0 =	rddreg [dreg:$0x0];
	s2 =	stileid.u32  }
0x108: {  	s1 =	rddreg [dreg:$0x1];
	p0 =	sne.s32 s2, $0x0  }
0x109: {  	s3 =	rddreg [dreg:$0x2];
	[bflag:$0x3] =	sbarrier.arrive $0xFFFF;
	s2 =	simm.s32 @!p0 $0x1C03  }
0x10a: {  	[timem:s3], [sflag:s2] =	dma.local @!p0 [hbm:s0], s1  }
0x10b: {  	s0 =	simm.s32 @!p0 $0x3  }
0x10c: {  	_ =	swait.ge @!p0 [sflag:s0], s1  }
0x10d: {  	s1 =	ssub.s32 @!p0 $0x0, s1;
	[sflag:s0] =	ssyncset.done @!p0 $0x0  }
0x10e: {  	[sflag:s0] =	ssyncadd.s32 @!p0 s1  }
0x10f: {  	[bflag:$0x3] =	sbarrier.arrive $0xFFFF  }
0x110: {  	_ =	shalt  }

</sc_bundles>
